<compile_context>
chip_gen: v7x
topology: tpu7x:2x2x1
jax: 0.10.2.dev20260603
libtpu: 0.0.44.dev20260713+nightly
codegen_flags: <defaults>
</compile_context>

<pallas_src>
import functools

import jax
import jax.numpy as jnp
from jax import lax
from jax.experimental import pallas as pl
from jax.experimental.pallas import tpu as pltpu
from jax.experimental.pallas import tpu_sc as plsc

VOCAB = 1000000
DIM = 64
BATCH = 4096
SEQ = 200

NC = 2
NS = 16
NW = NC * NS
L = 16

B_TOTAL = BATCH * SEQ
ROWS_PER_W = B_TOTAL // NW
GATHER = 128
IDX_ROWS = ROWS_PER_W // GATHER
G_PER_CHUNK = 2
CHUNK = GATHER * G_PER_CHUNK
N_CHUNKS = ROWS_PER_W // CHUNK
PAIRS = N_CHUNKS // 2


def _body(idx_hbm, table_hbm, bc_hbm, out_hbm, idx_v, rows0, rows1, bc_v,
          gsem0, gsem1, wsem0, wsem1):
    wid = lax.axis_index("s") * NC + lax.axis_index("c")

    pltpu.sync_copy(bc_hbm, bc_v)
    pltpu.sync_copy(idx_hbm.at[pl.ds(wid * IDX_ROWS, IDX_ROWS)], idx_v)

    def fire_gathers(ch, rows, sem):
        for j in range(G_PER_CHUNK):
            pltpu.async_copy(
                table_hbm.at[idx_v.at[ch * G_PER_CHUNK + j]],
                rows.at[pl.ds(j * GATHER, GATHER)],
                sem,
            )

    def drain_gathers(rows, sem):
        for j in range(G_PER_CHUNK):
            pltpu.make_async_copy(
                table_hbm.at[pl.ds(0, GATHER)],
                rows.at[pl.ds(j * GATHER, GATHER)],
                sem,
            ).wait()

    def fire_write(ch, rows, sem):
        row0 = wid * ROWS_PER_W + ch * CHUNK
        pltpu.async_copy(
            rows.at[pl.ds(0, CHUNK), pl.ds(0, DIM)],
            out_hbm.at[pl.ds(row0, CHUNK), pl.ds(0, DIM)],
            sem,
        )

    def wait_write(rows, sem):
        pltpu.make_async_copy(
            rows.at[pl.ds(0, CHUNK), pl.ds(0, DIM)],
            out_hbm.at[pl.ds(0, CHUNK), pl.ds(0, DIM)],
            sem,
        ).wait()

    def process(ch, rows):
        mx = jnp.zeros((L,), jnp.int32)
        for j in range(G_PER_CHUNK):
            for l in range(GATHER // L):
                mx = jnp.maximum(mx, idx_v[ch * G_PER_CHUNK + j, pl.ds(l * L, L)])
        cnt = plsc.all_reduce_population_count(mx == VOCAB - 1)
        has_match = cnt[0] > 0

        @pl.when(has_match)
        def _patch():
            lane = lax.iota(jnp.int32, L)
            for j in range(G_PER_CHUNK):
                def patch_group(l, _):
                    g16 = idx_v[ch * G_PER_CHUNK + j, pl.ds(l * L, L)]
                    m = g16 == VOCAB - 1
                    row_ids = j * GATHER + l * L + lane
                    for c in range(DIM):
                        col_ids = jnp.full((L,), c, jnp.int32)
                        plsc.addupdate_scatter(
                            rows, [row_ids, col_ids], bc_v[c, :], mask=m
                        )
                    return 0
                lax.fori_loop(0, GATHER // L, patch_group, 0)

    fire_gathers(0, rows0, gsem0)

    def pair(o, _):
        ch0 = 2 * o
        ch1 = ch0 + 1

        @pl.when(o > 0)
        def _():
            wait_write(rows1, wsem1)

        fire_gathers(ch1, rows1, gsem1)
        drain_gathers(rows0, gsem0)
        process(ch0, rows0)
        fire_write(ch0, rows0, wsem0)
        wait_write(rows0, wsem0)

        @pl.when(o < PAIRS - 1)
        def _():
            fire_gathers(ch0 + 2, rows0, gsem0)

        drain_gathers(rows1, gsem1)
        process(ch1, rows1)
        fire_write(ch1, rows1, wsem1)
        return 0

    lax.fori_loop(0, PAIRS, pair, 0)
    wait_write(rows1, wsem1)


TCC = 16384


def _tc_transpose_body(wt_ref, out_ref):
    y = jnp.swapaxes(wt_ref[...], 0, 1)
    out_ref[...] = jnp.concatenate([y, y], axis=1)


def _row_major_table(wt):
    return pl.pallas_call(
        _tc_transpose_body,
        grid=(pl.cdiv(VOCAB, TCC),),
        in_specs=[pl.BlockSpec((DIM, TCC), lambda g: (0, g))],
        out_specs=pl.BlockSpec((TCC, 128), lambda g: (g, 0)),
        out_shape=jax.ShapeDtypeStruct((VOCAB, 128), jnp.float32),
    )(wt)


@jax.jit
def _run(idx2d, table, bc):
    mesh = plsc.VectorSubcoreMesh(core_axis_name="c", subcore_axis_name="s")
    k = functools.partial(
        pl.kernel,
        out_type=jax.ShapeDtypeStruct((B_TOTAL, 128), jnp.float32),
        mesh=mesh,
        compiler_params=pltpu.CompilerParams(
            needs_layout_passes=False, use_tc_tiling_on_sc=False
        ),
        scratch_types=[
            pltpu.VMEM((IDX_ROWS, GATHER), jnp.int32),
            pltpu.VMEM((CHUNK, 128), jnp.float32),
            pltpu.VMEM((CHUNK, 128), jnp.float32),
            pltpu.VMEM((DIM, L), jnp.float32),
            pltpu.SemaphoreType.DMA,
            pltpu.SemaphoreType.DMA,
            pltpu.SemaphoreType.DMA,
            pltpu.SemaphoreType.DMA,
        ],
    )(_body)
    return k(idx2d, table, bc)


def kernel(tensor, W_fix, W_v):
    idx = jnp.transpose(tensor.astype(jnp.int32)).reshape(B_TOTAL // GATHER, GATHER)
    bc = jnp.broadcast_to(W_v[1][:, None], (DIM, L)).astype(jnp.float32)
    out = _run(idx, _row_major_table(jnp.transpose(W_fix)), bc)
    return out.reshape(SEQ, BATCH, 128)[:, :, :DIM]

# --- scband reference (transcript-rebuilt; emitter-appended) ---
"""Pipeline reference for scband-embedding-37220186587580 (READ-ONLY COPY).

The authoritative reference and input builder live on the scoring server;
editing this copy changes nothing except your own understanding.
"""

import jax, jax.numpy as jnp
import numpy as np

VOCAB = 1000000
DIM = 64
BATCH = 4096
SEQ = 200


def setup_inputs(seed: int = 0) -> dict:
    key = jax.random.key(seed)
    k1, k2, k3 = jax.random.split(key, 3)
    tensor = jax.random.randint(k1, (BATCH, SEQ), 0, VOCAB)
    # Fixed (pretrained, frozen) embedding table; padding_idx=0 in torch does not
    # zero a user-provided _weight, so keep it as-is.
    W_fix = jax.random.normal(k2, (VOCAB, DIM), dtype=jnp.float32) * 0.02
    # Trainable 2-row embedding; padding_idx=0 zeroes row 0 at init.
    W_v = jax.random.normal(k3, (2, DIM), dtype=jnp.float32) * 0.02
    W_v = W_v.at[0].set(0.0)
    return {"tensor": tensor, "W_fix": W_fix, "W_v": W_v}


def reference(tensor, W_fix, W_v):
    # embedding_1 = embedding_fix(tensor)
    emb1 = jnp.take(W_fix, tensor, axis=0)
    # tensor = relu(tensor - (vocab_size - 2)); indices < vocab map to {0, 1}
    shifted = jnp.maximum(tensor - (VOCAB - 2), 0)
    # embedding_2 = embedding_v(shifted)
    emb2 = jnp.take(W_v, shifted, axis=0)
    emb = emb1 + emb2
    # transpose(0, 1): (batch, seq, dim) -> (seq, batch, dim)
    return jnp.transpose(emb, (1, 0, 2))

if __name__ == "__main__":
    import jax
    _d = setup_inputs()
    print(jax.jit(kernel)(*tuple(_d.values())))

</pallas_src>

<mosaic_0001>
#map = affine_map<(d0, d1) -> (0, 0)>
module attributes {stable_mosaic.version = 14 : i64} {
  func.func @_body(%arg0: i32, %arg1: i32, %arg2: memref<6400x128xi32, #tpu.memory_space<hbm>>, %arg3: memref<1000000x128xf32, #tpu.memory_space<hbm>>, %arg4: memref<64x16xf32, #tpu.memory_space<hbm>>, %arg5: memref<819200x128xf32, #tpu.memory_space<hbm>>, %arg6: memref<200x128xi32, #tpu.memory_space<vmem>>, %arg7: memref<256x128xf32, #tpu.memory_space<vmem>>, %arg8: memref<256x128xf32, #tpu.memory_space<vmem>>, %arg9: memref<64x16xf32, #tpu.memory_space<vmem>>, %arg10: memref<!tpu.dma_semaphore, #tpu.memory_space<semaphore_mem>>, %arg11: memref<!tpu.dma_semaphore, #tpu.memory_space<semaphore_mem>>, %arg12: memref<!tpu.dma_semaphore, #tpu.memory_space<semaphore_mem>>, %arg13: memref<!tpu.dma_semaphore, #tpu.memory_space<semaphore_mem>>) attributes {dimension_semantics = [#tpu.dimension_semantics<core_parallel>, #tpu.dimension_semantics<subcore_parallel>], iteration_bounds = array<i64: 2, 16>, scalar_prefetch = 0 : i64, scratch_operands = 8 : i64, tpu.core_type = #tpu.core_type<sc_vector_subcore>, window_params = [{transform_indices = #map}, {transform_indices = #map}, {transform_indices = #map}, {transform_indices = #map}]} {
    %mul3A = arith.constant 2 : i32
    %mul3A_0 = arith.muli %arg1, %mul3A : i32
    %add3A = arith.addi %mul3A_0, %arg0 : i32
    "tpu.region"() ({
      %run_scoped3A = tpu.sem_alloc : memref<!tpu.dma_semaphore, #tpu.memory_space<semaphore_mem>>
      tpu.enqueue_dma source(%arg4 : memref<64x16xf32, #tpu.memory_space<hbm>>) target(%arg9 : memref<64x16xf32, #tpu.memory_space<vmem>>) target_semaphore(%run_scoped3A : memref<!tpu.dma_semaphore, #tpu.memory_space<semaphore_mem>>)
      tpu.wait_dma2 semaphore(%run_scoped3A : memref<!tpu.dma_semaphore, #tpu.memory_space<semaphore_mem>>) src(%arg4 : memref<64x16xf32, #tpu.memory_space<hbm>>) dst(%arg9 : memref<64x16xf32, #tpu.memory_space<vmem>>)
      tpu.yield
    }) : () -> ()
    %mul3A_1 = arith.constant 200 : i32
    %mul3A_2 = arith.muli %add3A, %mul3A_1 : i32
    "tpu.region"() ({
      %run_scoped3A = tpu.sem_alloc : memref<!tpu.dma_semaphore, #tpu.memory_space<semaphore_mem>>
      %dma_start3A_39 = arith.constant 0 : i32
      %dma_start3A_40 = tpu.memref_slice %arg2[%mul3A_2, %dma_start3A_39] : memref<6400x128xi32, #tpu.memory_space<hbm>> -> memref<200x128xi32, #tpu.memory_space<hbm>>
      %dma_start3A_41 = arith.constant 0 : i32
      %dma_start3A_42 = tpu.memref_slice %arg2[%mul3A_2, %dma_start3A_41] : memref<6400x128xi32, #tpu.memory_space<hbm>> -> memref<200x128xi32, #tpu.memory_space<hbm>>
      tpu.enqueue_dma source(%dma_start3A_42 : memref<200x128xi32, #tpu.memory_space<hbm>>) target(%arg6 : memref<200x128xi32, #tpu.memory_space<vmem>>) target_semaphore(%run_scoped3A : memref<!tpu.dma_semaphore, #tpu.memory_space<semaphore_mem>>)
      %dma_wait3A_43 = arith.constant 0 : i32
      %dma_wait3A_44 = tpu.memref_slice %arg2[%mul3A_2, %dma_wait3A_43] : memref<6400x128xi32, #tpu.memory_space<hbm>> -> memref<200x128xi32, #tpu.memory_space<hbm>>
      %dma_wait3A_45 = arith.constant 0 : i32
      %dma_wait3A_46 = tpu.memref_slice %arg2[%mul3A_2, %dma_wait3A_45] : memref<6400x128xi32, #tpu.memory_space<hbm>> -> memref<200x128xi32, #tpu.memory_space<hbm>>
      tpu.wait_dma2 semaphore(%run_scoped3A : memref<!tpu.dma_semaphore, #tpu.memory_space<semaphore_mem>>) src(%dma_wait3A_46 : memref<200x128xi32, #tpu.memory_space<hbm>>) dst(%arg6 : memref<200x128xi32, #tpu.memory_space<vmem>>)
      tpu.yield
    }) : () -> ()
    %dma_start3A = arith.constant 0 : i32
    %dma_start3A_3 = arith.constant 0 : i32
    %dma_start3A_4 = arith.constant 0 : i32
    %dma_start3A_5 = tpu.memref_slice %arg7[%dma_start3A_3, %dma_start3A_4] : memref<256x128xf32, #tpu.memory_space<vmem>> -> memref<128x128xf32, #tpu.memory_space<vmem>>
    %dma_start3A_6 = arith.constant 0 : i32
    %dma_start3A_7 = tpu.memref_slice %arg6[%dma_start3A, %dma_start3A_6] : memref<200x128xi32, #tpu.memory_space<vmem>> -> memref<1x128xi32, #tpu.memory_space<vmem>>
    %dma_start3A_8 = tpu.memref_squeeze %dma_start3A_7 : memref<1x128xi32, #tpu.memory_space<vmem>> -> memref<128xi32, #tpu.memory_space<vmem>>
    %dma_start3A_9 = arith.constant 0 : i32
    %dma_start3A_10 = arith.constant 0 : i32
    %dma_start3A_11 = tpu.memref_slice %arg3[%dma_start3A_9, %dma_start3A_10] : memref<1000000x128xf32, #tpu.memory_space<hbm>> -> memref<1000000x128xf32, #tpu.memory_space<hbm>>
    tpu.enqueue_indirect_dma source(%dma_start3A_11 : memref<1000000x128xf32, #tpu.memory_space<hbm>>) target(%dma_start3A_5 : memref<128x128xf32, #tpu.memory_space<vmem>>) offsets(%dma_start3A_8 : memref<128xi32, #tpu.memory_space<vmem>>) semaphore(%arg10 : memref<!tpu.dma_semaphore, #tpu.memory_space<semaphore_mem>>)
    %dma_start3A_12 = arith.constant 1 : i32
    %dma_start3A_13 = arith.constant 128 : i32
    %dma_start3A_14 = arith.constant 0 : i32
    %dma_start3A_15 = tpu.memref_slice %arg7[%dma_start3A_13, %dma_start3A_14] : memref<256x128xf32, #tpu.memory_space<vmem>> -> memref<128x128xf32, #tpu.memory_space<vmem>>
    %dma_start3A_16 = arith.constant 0 : i32
    %dma_start3A_17 = tpu.memref_slice %arg6[%dma_start3A_12, %dma_start3A_16] : memref<200x128xi32, #tpu.memory_space<vmem>> -> memref<1x128xi32, #tpu.memory_space<vmem>>
    %dma_start3A_18 = tpu.memref_squeeze %dma_start3A_17 : memref<1x128xi32, #tpu.memory_space<vmem>> -> memref<128xi32, #tpu.memory_space<vmem>>
    %dma_start3A_19 = arith.constant 0 : i32
    %dma_start3A_20 = arith.constant 0 : i32
    %dma_start3A_21 = tpu.memref_slice %arg3[%dma_start3A_19, %dma_start3A_20] : memref<1000000x128xf32, #tpu.memory_space<hbm>> -> memref<1000000x128xf32, #tpu.memory_space<hbm>>
    tpu.enqueue_indirect_dma source(%dma_start3A_21 : memref<1000000x128xf32, #tpu.memory_space<hbm>>) target(%dma_start3A_15 : memref<128x128xf32, #tpu.memory_space<vmem>>) offsets(%dma_start3A_18 : memref<128xi32, #tpu.memory_space<vmem>>) semaphore(%arg10 : memref<!tpu.dma_semaphore, #tpu.memory_space<semaphore_mem>>)
    %scan3A = arith.constant 0 : i32
    %scan3A_22 = arith.constant 0 : i32
    %scan3A_23 = arith.constant 50 : i32
    %scan3A_24 = arith.addi %scan3A_22, %scan3A_23 : i32
    %scan3A_25 = arith.constant 1 : i32
    %scan3A_26 = scf.for %scan3A_39 = %scan3A_22 to %scan3A_24 step %scan3A_25 iter_args(%scan3A_40 = %scan3A) -> (i32)  : i32 {
      %mul3A_41 = arith.constant 2 : i32
      %mul3A_42 = arith.muli %mul3A_41, %scan3A_39 : i32
      %add3A_43 = arith.constant 1 : i32
      %add3A_44 = arith.addi %mul3A_42, %add3A_43 : i32
      %gt3A = arith.constant 0 : i32
      %gt3A_45 = arith.cmpi sgt, %scan3A_39, %gt3A : i32
      %convert_element_type3A = arith.extui %gt3A_45 : i1 to i32
      %cond3A = arith.constant 0 : i32
      %cond3A_46 = arith.cmpi ne, %convert_element_type3A, %cond3A : i32
      scf.if %cond3A_46 {
        %dma_wait3A_443 = arith.constant 0 : i32
        %dma_wait3A_444 = arith.constant 0 : i32
        %dma_wait3A_445 = tpu.memref_slice %arg8[%dma_wait3A_443, %dma_wait3A_444] : memref<256x128xf32, #tpu.memory_space<vmem>> -> memref<256x64xf32, #tpu.memory_space<vmem>>
        %dma_wait3A_446 = arith.constant 0 : i32
        %dma_wait3A_447 = arith.constant 0 : i32
        %dma_wait3A_448 = tpu.memref_slice %arg5[%dma_wait3A_446, %dma_wait3A_447] : memref<819200x128xf32, #tpu.memory_space<hbm>> -> memref<256x64xf32, #tpu.memory_space<hbm>>
        %dma_wait3A_449 = arith.constant 0 : i32
        %dma_wait3A_450 = arith.constant 0 : i32
        %dma_wait3A_451 = tpu.memref_slice %arg5[%dma_wait3A_449, %dma_wait3A_450] : memref<819200x128xf32, #tpu.memory_space<hbm>> -> memref<256x64xf32, #tpu.memory_space<hbm>>
        %dma_wait3A_452 = arith.constant 0 : i32
        %dma_wait3A_453 = arith.constant 0 : i32
        %dma_wait3A_454 = tpu.memref_slice %arg8[%dma_wait3A_452, %dma_wait3A_453] : memref<256x128xf32, #tpu.memory_space<vmem>> -> memref<256x64xf32, #tpu.memory_space<vmem>>
        tpu.wait_dma2 semaphore(%arg13 : memref<!tpu.dma_semaphore, #tpu.memory_space<semaphore_mem>>) src(%dma_wait3A_454 : memref<256x64xf32, #tpu.memory_space<vmem>>) dst(%dma_wait3A_451 : memref<256x64xf32, #tpu.memory_space<hbm>>)
      } else {
      }
      %mul3A_47 = arith.constant 2 : i32
      %mul3A_48 = arith.muli %add3A_44, %mul3A_47 : i32
      %add3A_49 = arith.constant 0 : i32
      %add3A_50 = arith.addi %mul3A_48, %add3A_49 : i32
      %dma_start3A_51 = arith.constant 0 : i32
      %dma_start3A_52 = arith.constant 0 : i32
      %dma_start3A_53 = tpu.memref_slice %arg8[%dma_start3A_51, %dma_start3A_52] : memref<256x128xf32, #tpu.memory_space<vmem>> -> memref<128x128xf32, #tpu.memory_space<vmem>>
      %dma_start3A_54 = arith.constant 0 : i32
      %dma_start3A_55 = tpu.memref_slice %arg6[%add3A_50, %dma_start3A_54] : memref<200x128xi32, #tpu.memory_space<vmem>> -> memref<1x128xi32, #tpu.memory_space<vmem>>
      %dma_start3A_56 = tpu.memref_squeeze %dma_start3A_55 : memref<1x128xi32, #tpu.memory_space<vmem>> -> memref<128xi32, #tpu.memory_space<vmem>>
      %dma_start3A_57 = arith.constant 0 : i32
      %dma_start3A_58 = arith.constant 0 : i32
      %dma_start3A_59 = tpu.memref_slice %arg3[%dma_start3A_57, %dma_start3A_58] : memref<1000000x128xf32, #tpu.memory_space<hbm>> -> memref<1000000x128xf32, #tpu.memory_space<hbm>>
      tpu.enqueue_indirect_dma source(%dma_start3A_59 : memref<1000000x128xf32, #tpu.memory_space<hbm>>) target(%dma_start3A_53 : memref<128x128xf32, #tpu.memory_space<vmem>>) offsets(%dma_start3A_56 : memref<128xi32, #tpu.memory_space<vmem>>) semaphore(%arg11 : memref<!tpu.dma_semaphore, #tpu.memory_space<semaphore_mem>>)
      %mul3A_60 = arith.constant 2 : i32
      %mul3A_61 = arith.muli %add3A_44, %mul3A_60 : i32
      %add3A_62 = arith.constant 1 : i32
      %add3A_63 = arith.addi %mul3A_61, %add3A_62 : i32
      %dma_start3A_64 = arith.constant 128 : i32
      %dma_start3A_65 = arith.constant 0 : i32
      %dma_start3A_66 = tpu.memref_slice %arg8[%dma_start3A_64, %dma_start3A_65] : memref<256x128xf32, #tpu.memory_space<vmem>> -> memref<128x128xf32, #tpu.memory_space<vmem>>
      %dma_start3A_67 = arith.constant 0 : i32
      %dma_start3A_68 = tpu.memref_slice %arg6[%add3A_63, %dma_start3A_67] : memref<200x128xi32, #tpu.memory_space<vmem>> -> memref<1x128xi32, #tpu.memory_space<vmem>>
      %dma_start3A_69 = tpu.memref_squeeze %dma_start3A_68 : memref<1x128xi32, #tpu.memory_space<vmem>> -> memref<128xi32, #tpu.memory_space<vmem>>
      %dma_start3A_70 = arith.constant 0 : i32
      %dma_start3A_71 = arith.constant 0 : i32
      %dma_start3A_72 = tpu.memref_slice %arg3[%dma_start3A_70, %dma_start3A_71] : memref<1000000x128xf32, #tpu.memory_space<hbm>> -> memref<1000000x128xf32, #tpu.memory_space<hbm>>
      tpu.enqueue_indirect_dma source(%dma_start3A_72 : memref<1000000x128xf32, #tpu.memory_space<hbm>>) target(%dma_start3A_66 : memref<128x128xf32, #tpu.memory_space<vmem>>) offsets(%dma_start3A_69 : memref<128xi32, #tpu.memory_space<vmem>>) semaphore(%arg11 : memref<!tpu.dma_semaphore, #tpu.memory_space<semaphore_mem>>)
      %dma_wait3A_73 = arith.constant 0 : i32
      %dma_wait3A_74 = arith.constant 0 : i32
      %dma_wait3A_75 = tpu.memref_slice %arg7[%dma_wait3A_73, %dma_wait3A_74] : memref<256x128xf32, #tpu.memory_space<vmem>> -> memref<128x128xf32, #tpu.memory_space<vmem>>
      %dma_wait3A_76 = arith.constant 0 : i32
      %dma_wait3A_77 = arith.constant 0 : i32
      %dma_wait3A_78 = tpu.memref_slice %arg3[%dma_wait3A_76, %dma_wait3A_77] : memref<1000000x128xf32, #tpu.memory_space<hbm>> -> memref<128x128xf32, #tpu.memory_space<hbm>>
      %dma_wait3A_79 = arith.constant 0 : i32
      %dma_wait3A_80 = arith.constant 0 : i32
      %dma_wait3A_81 = tpu.memref_slice %arg7[%dma_wait3A_79, %dma_wait3A_80] : memref<256x128xf32, #tpu.memory_space<vmem>> -> memref<128x128xf32, #tpu.memory_space<vmem>>
      %dma_wait3A_82 = arith.constant 0 : i32
      %dma_wait3A_83 = arith.constant 0 : i32
      %dma_wait3A_84 = tpu.memref_slice %arg3[%dma_wait3A_82, %dma_wait3A_83] : memref<1000000x128xf32, #tpu.memory_space<hbm>> -> memref<128x128xf32, #tpu.memory_space<hbm>>
      tpu.wait_dma2 semaphore(%arg10 : memref<!tpu.dma_semaphore, #tpu.memory_space<semaphore_mem>>) src(%dma_wait3A_84 : memref<128x128xf32, #tpu.memory_space<hbm>>) dst(%dma_wait3A_81 : memref<128x128xf32, #tpu.memory_space<vmem>>)
      %dma_wait3A_85 = arith.constant 128 : i32
      %dma_wait3A_86 = arith.constant 0 : i32
      %dma_wait3A_87 = tpu.memref_slice %arg7[%dma_wait3A_85, %dma_wait3A_86] : memref<256x128xf32, #tpu.memory_space<vmem>> -> memref<128x128xf32, #tpu.memory_space<vmem>>
      %dma_wait3A_88 = arith.constant 0 : i32
      %dma_wait3A_89 = arith.constant 0 : i32
      %dma_wait3A_90 = tpu.memref_slice %arg3[%dma_wait3A_88, %dma_wait3A_89] : memref<1000000x128xf32, #tpu.memory_space<hbm>> -> memref<128x128xf32, #tpu.memory_space<hbm>>
      %dma_wait3A_91 = arith.constant 128 : i32
      %dma_wait3A_92 = arith.constant 0 : i32
      %dma_wait3A_93 = tpu.memref_slice %arg7[%dma_wait3A_91, %dma_wait3A_92] : memref<256x128xf32, #tpu.memory_space<vmem>> -> memref<128x128xf32, #tpu.memory_space<vmem>>
      %dma_wait3A_94 = arith.constant 0 : i32
      %dma_wait3A_95 = arith.constant 0 : i32
      %dma_wait3A_96 = tpu.memref_slice %arg3[%dma_wait3A_94, %dma_wait3A_95] : memref<1000000x128xf32, #tpu.memory_space<hbm>> -> memref<128x128xf32, #tpu.memory_space<hbm>>
      tpu.wait_dma2 semaphore(%arg10 : memref<!tpu.dma_semaphore, #tpu.memory_space<semaphore_mem>>) src(%dma_wait3A_96 : memref<128x128xf32, #tpu.memory_space<hbm>>) dst(%dma_wait3A_93 : memref<128x128xf32, #tpu.memory_space<vmem>>)
      %broadcast_in_dim3A = arith.constant 0 : i32
      %broadcast_in_dim3A_97 = vector.broadcast %broadcast_in_dim3A : i32 to vector<16xi32>
      %mul3A_98 = arith.constant 2 : i32
      %mul3A_99 = arith.muli %mul3A_42, %mul3A_98 : i32
      %add3A_100 = arith.constant 0 : i32
      %add3A_101 = arith.addi %mul3A_99, %add3A_100 : i32
      %get3A = arith.index_cast %add3A_101 : i32 to index
      %get3A_102 = arith.constant 0 : index
      %get3A_103 = tpu.vector_load %arg6[%get3A, %get3A_102] {strides = array<i32>} : memref<200x128xi32, #tpu.memory_space<vmem>>, vector<16xi32>,
      %max3A = arith.maxsi %broadcast_in_dim3A_97, %get3A_103 : vector<16xi32>
      %mul3A_104 = arith.constant 2 : i32
      %mul3A_105 = arith.muli %mul3A_42, %mul3A_104 : i32
      %add3A_106 = arith.constant 0 : i32
      %add3A_107 = arith.addi %mul3A_105, %add3A_106 : i32
      %get3A_108 = arith.index_cast %add3A_107 : i32 to index
      %get3A_109 = arith.constant 16 : index
      %get3A_110 = tpu.vector_load %arg6[%get3A_108, %get3A_109] {strides = array<i32>} : memref<200x128xi32, #tpu.memory_space<vmem>>, vector<16xi32>,
      %max3A_111 = arith.maxsi %max3A, %get3A_110 : vector<16xi32>
      %mul3A_112 = arith.constant 2 : i32
      %mul3A_113 = arith.muli %mul3A_42, %mul3A_112 : i32
      %add3A_114 = arith.constant 0 : i32
      %add3A_115 = arith.addi %mul3A_113, %add3A_114 : i32
      %get3A_116 = arith.index_cast %add3A_115 : i32 to index
      %get3A_117 = arith.constant 32 : index
      %get3A_118 = tpu.vector_load %arg6[%get3A_116, %get3A_117] {strides = array<i32>} : memref<200x128xi32, #tpu.memory_space<vmem>>, vector<16xi32>,
      %max3A_119 = arith.maxsi %max3A_111, %get3A_118 : vector<16xi32>
      %mul3A_120 = arith.constant 2 : i32
      %mul3A_121 = arith.muli %mul3A_42, %mul3A_120 : i32
      %add3A_122 = arith.constant 0 : i32
      %add3A_123 = arith.addi %mul3A_121, %add3A_122 : i32
      %get3A_124 = arith.index_cast %add3A_123 : i32 to index
      %get3A_125 = arith.constant 48 : index
      %get3A_126 = tpu.vector_load %arg6[%get3A_124, %get3A_125] {strides = array<i32>} : memref<200x128xi32, #tpu.memory_space<vmem>>, vector<16xi32>,
      %max3A_127 = arith.maxsi %max3A_119, %get3A_126 : vector<16xi32>
      %mul3A_128 = arith.constant 2 : i32
      %mul3A_129 = arith.muli %mul3A_42, %mul3A_128 : i32
      %add3A_130 = arith.constant 0 : i32
      %add3A_131 = arith.addi %mul3A_129, %add3A_130 : i32
      %get3A_132 = arith.index_cast %add3A_131 : i32 to index
      %get3A_133 = arith.constant 64 : index
      %get3A_134 = tpu.vector_load %arg6[%get3A_132, %get3A_133] {strides = array<i32>} : memref<200x128xi32, #tpu.memory_space<vmem>>, vector<16xi32>,
      %max3A_135 = arith.maxsi %max3A_127, %get3A_134 : vector<16xi32>
      %mul3A_136 = arith.constant 2 : i32
      %mul3A_137 = arith.muli %mul3A_42, %mul3A_136 : i32
      %add3A_138 = arith.constant 0 : i32
      %add3A_139 = arith.addi %mul3A_137, %add3A_138 : i32
      %get3A_140 = arith.index_cast %add3A_139 : i32 to index
      %get3A_141 = arith.constant 80 : index
      %get3A_142 = tpu.vector_load %arg6[%get3A_140, %get3A_141] {strides = array<i32>} : memref<200x128xi32, #tpu.memory_space<vmem>>, vector<16xi32>,
      %max3A_143 = arith.maxsi %max3A_135, %get3A_142 : vector<16xi32>
      %mul3A_144 = arith.constant 2 : i32
      %mul3A_145 = arith.muli %mul3A_42, %mul3A_144 : i32
      %add3A_146 = arith.constant 0 : i32
      %add3A_147 = arith.addi %mul3A_145, %add3A_146 : i32
      %get3A_148 = arith.index_cast %add3A_147 : i32 to index
      %get3A_149 = arith.constant 96 : index
      %get3A_150 = tpu.vector_load %arg6[%get3A_148, %get3A_149] {strides = array<i32>} : memref<200x128xi32, #tpu.memory_space<vmem>>, vector<16xi32>,
      %max3A_151 = arith.maxsi %max3A_143, %get3A_150 : vector<16xi32>
      %mul3A_152 = arith.constant 2 : i32
      %mul3A_153 = arith.muli %mul3A_42, %mul3A_152 : i32
      %add3A_154 = arith.constant 0 : i32
      %add3A_155 = arith.addi %mul3A_153, %add3A_154 : i32
      %get3A_156 = arith.index_cast %add3A_155 : i32 to index
      %get3A_157 = arith.constant 112 : index
      %get3A_158 = tpu.vector_load %arg6[%get3A_156, %get3A_157] {strides = array<i32>} : memref<200x128xi32, #tpu.memory_space<vmem>>, vector<16xi32>,
      %max3A_159 = arith.maxsi %max3A_151, %get3A_158 : vector<16xi32>
      %mul3A_160 = arith.constant 2 : i32
      %mul3A_161 = arith.muli %mul3A_42, %mul3A_160 : i32
      %add3A_162 = arith.constant 1 : i32
      %add3A_163 = arith.addi %mul3A_161, %add3A_162 : i32
      %get3A_164 = arith.index_cast %add3A_163 : i32 to index
      %get3A_165 = arith.constant 0 : index
      %get3A_166 = tpu.vector_load %arg6[%get3A_164, %get3A_165] {strides = array<i32>} : memref<200x128xi32, #tpu.memory_space<vmem>>, vector<16xi32>,
      %max3A_167 = arith.maxsi %max3A_159, %get3A_166 : vector<16xi32>
      %mul3A_168 = arith.constant 2 : i32
      %mul3A_169 = arith.muli %mul3A_42, %mul3A_168 : i32
      %add3A_170 = arith.constant 1 : i32
      %add3A_171 = arith.addi %mul3A_169, %add3A_170 : i32
      %get3A_172 = arith.index_cast %add3A_171 : i32 to index
      %get3A_173 = arith.constant 16 : index
      %get3A_174 = tpu.vector_load %arg6[%get3A_172, %get3A_173] {strides = array<i32>} : memref<200x128xi32, #tpu.memory_space<vmem>>, vector<16xi32>,
      %max3A_175 = arith.maxsi %max3A_167, %get3A_174 : vector<16xi32>
      %mul3A_176 = arith.constant 2 : i32
      %mul3A_177 = arith.muli %mul3A_42, %mul3A_176 : i32
      %add3A_178 = arith.constant 1 : i32
      %add3A_179 = arith.addi %mul3A_177, %add3A_178 : i32
      %get3A_180 = arith.index_cast %add3A_179 : i32 to index
      %get3A_181 = arith.constant 32 : index
      %get3A_182 = tpu.vector_load %arg6[%get3A_180, %get3A_181] {strides = array<i32>} : memref<200x128xi32, #tpu.memory_space<vmem>>, vector<16xi32>,
      %max3A_183 = arith.maxsi %max3A_175, %get3A_182 : vector<16xi32>
      %mul3A_184 = arith.constant 2 : i32
      %mul3A_185 = arith.muli %mul3A_42, %mul3A_184 : i32
      %add3A_186 = arith.constant 1 : i32
      %add3A_187 = arith.addi %mul3A_185, %add3A_186 : i32
      %get3A_188 = arith.index_cast %add3A_187 : i32 to index
      %get3A_189 = arith.constant 48 : index
      %get3A_190 = tpu.vector_load %arg6[%get3A_188, %get3A_189] {strides = array<i32>} : memref<200x128xi32, #tpu.memory_space<vmem>>, vector<16xi32>,
      %max3A_191 = arith.maxsi %max3A_183, %get3A_190 : vector<16xi32>
      %mul3A_192 = arith.constant 2 : i32
      %mul3A_193 = arith.muli %mul3A_42, %mul3A_192 : i32
      %add3A_194 = arith.constant 1 : i32
      %add3A_195 = arith.addi %mul3A_193, %add3A_194 : i32
      %get3A_196 = arith.index_cast %add3A_195 : i32 to index
      %get3A_197 = arith.constant 64 : index
      %get3A_198 = tpu.vector_load %arg6[%get3A_196, %get3A_197] {strides = array<i32>} : memref<200x128xi32, #tpu.memory_space<vmem>>, vector<16xi32>,
      %max3A_199 = arith.maxsi %max3A_191, %get3A_198 : vector<16xi32>
      %mul3A_200 = arith.constant 2 : i32
      %mul3A_201 = arith.muli %mul3A_42, %mul3A_200 : i32
      %add3A_202 = arith.constant 1 : i32
      %add3A_203 = arith.addi %mul3A_201, %add3A_202 : i32
      %get3A_204 = arith.index_cast %add3A_203 : i32 to index
      %get3A_205 = arith.constant 80 : index
      %get3A_206 = tpu.vector_load %arg6[%get3A_204, %get3A_205] {strides = array<i32>} : memref<200x128xi32, #tpu.memory_space<vmem>>, vector<16xi32>,
      %max3A_207 = arith.maxsi %max3A_199, %get3A_206 : vector<16xi32>
      %mul3A_208 = arith.constant 2 : i32
      %mul3A_209 = arith.muli %mul3A_42, %mul3A_208 : i32
      %add3A_210 = arith.constant 1 : i32
      %add3A_211 = arith.addi %mul3A_209, %add3A_210 : i32
      %get3A_212 = arith.index_cast %add3A_211 : i32 to index
      %get3A_213 = arith.constant 96 : index
      %get3A_214 = tpu.vector_load %arg6[%get3A_212, %get3A_213] {strides = array<i32>} : memref<200x128xi32, #tpu.memory_space<vmem>>, vector<16xi32>,
      %max3A_215 = arith.maxsi %max3A_207, %get3A_214 : vector<16xi32>
      %mul3A_216 = arith.constant 2 : i32
      %mul3A_217 = arith.muli %mul3A_42, %mul3A_216 : i32
      %add3A_218 = arith.constant 1 : i32
      %add3A_219 = arith.addi %mul3A_217, %add3A_218 : i32
      %get3A_220 = arith.index_cast %add3A_219 : i32 to index
      %get3A_221 = arith.constant 112 : index
      %get3A_222 = tpu.vector_load %arg6[%get3A_220, %get3A_221] {strides = array<i32>} : memref<200x128xi32, #tpu.memory_space<vmem>>, vector<16xi32>,
      %max3A_223 = arith.maxsi %max3A_215, %get3A_222 : vector<16xi32>
      %eq3A = arith.constant 999999 : i32
      %eq3A_224 = vector.broadcast %eq3A : i32 to vector<16xi32>
      %eq3A_225 = arith.cmpi eq, %max3A_223, %eq3A_224 : vector<16xi32>
      %all_reduce_population_count3A = tpu.all_reduce %eq3A_225 {dim = 0 : i64, kind = #tpu.reduction_kind<sum>} : vector<16xi1> -> vector<16xi32>
      %slice3A = vector.extract_strided_slice %all_reduce_population_count3A {offsets = [0], sizes = [1], strides = [1]} : vector<16xi32> to vector<1xi32>
      %squeeze3A = vector.extract %slice3A[0] : i32 from vector<1xi32>
      %gt3A_226 = arith.constant 0 : i32
      %gt3A_227 = arith.cmpi sgt, %squeeze3A, %gt3A_226 : i32
      %convert_element_type3A_228 = arith.extui %gt3A_227 : i1 to i32
      %cond3A_229 = arith.constant 0 : i32
      %cond3A_230 = arith.cmpi ne, %convert_element_type3A_228, %cond3A_229 : i32
      scf.if %cond3A_230 {
        %iota3A = tpu.iota {dimensions = array<i32: 0>} : vector<16xi32>
        %scan3A_443 = arith.constant 0 : i32
        %scan3A_444 = arith.constant 0 : i32
        %scan3A_445 = arith.constant 8 : i32
        %scan3A_446 = arith.addi %scan3A_444, %scan3A_445 : i32
        %scan3A_447 = arith.constant 1 : i32
        %scan3A_448 = scf.for %scan3A_457 = %scan3A_444 to %scan3A_446 step %scan3A_447 iter_args(%scan3A_458 = %scan3A_443) -> (i32)  : i32 {
          %mul3A_459 = arith.constant 2 : i32
          %mul3A_460 = arith.muli %mul3A_42, %mul3A_459 : i32
          %add3A_461 = arith.constant 0 : i32
          %add3A_462 = arith.addi %mul3A_460, %add3A_461 : i32
          %mul3A_463 = arith.constant 16 : i32
          %mul3A_464 = arith.muli %scan3A_457, %mul3A_463 : i32
          %get3A_465 = arith.index_cast %add3A_462 : i32 to index
          %get3A_466 = arith.index_cast %mul3A_464 : i32 to index
          %get3A_467 = tpu.vector_load %arg6[%get3A_465, %get3A_466] {strides = array<i32>} : memref<200x128xi32, #tpu.memory_space<vmem>>, vector<16xi32>,
          %eq3A_468 = arith.constant 999999 : i32
          %eq3A_469 = vector.broadcast %eq3A_468 : i32 to vector<16xi32>
          %eq3A_470 = arith.cmpi eq, %get3A_467, %eq3A_469 : vector<16xi32>
          %mul3A_471 = arith.constant 16 : i32
          %mul3A_472 = arith.muli %scan3A_457, %mul3A_471 : i32
          %add3A_473 = arith.constant 0 : i32
          %add3A_474 = arith.addi %add3A_473, %mul3A_472 : i32
          %add3A_475 = vector.broadcast %add3A_474 : i32 to vector<16xi32>
          %add3A_476 = arith.addi %add3A_475, %iota3A : vector<16xi32>
          %broadcast_in_dim3A_477 = arith.constant 0 : i32
          %broadcast_in_dim3A_478 = vector.broadcast %broadcast_in_dim3A_477 : i32 to vector<16xi32>
          %get3A_479 = arith.constant 0 : i32
          %get3A_480 = arith.index_cast %get3A_479 : i32 to index
          %get3A_481 = arith.constant 0 : index
          %get3A_482 = tpu.vector_load %arg9[%get3A_480, %get3A_481] {strides = array<i32>} : memref<64x16xf32, #tpu.memory_space<vmem>>, vector<16xf32>,
          tpu.vector_store_idx %arg7[%add3A_476, %broadcast_in_dim3A_478], %get3A_482 masked %eq3A_470 {add = true} : memref<256x128xf32, #tpu.memory_space<vmem>>[vector<16xi32>, vector<16xi32>], vector<16xf32>, vector<16xi1>
          %broadcast_in_dim3A_483 = arith.constant 1 : i32
          %broadcast_in_dim3A_484 = vector.broadcast %broadcast_in_dim3A_483 : i32 to vector<16xi32>
          %get3A_485 = arith.constant 1 : i32
          %get3A_486 = arith.index_cast %get3A_485 : i32 to index
          %get3A_487 = arith.constant 0 : index
          %get3A_488 = tpu.vector_load %arg9[%get3A_486, %get3A_487] {strides = array<i32>} : memref<64x16xf32, #tpu.memory_space<vmem>>, vector<16xf32>,
          tpu.vector_store_idx %arg7[%add3A_476, %broadcast_in_dim3A_484], %get3A_488 masked %eq3A_470 {add = true} : memref<256x128xf32, #tpu.memory_space<vmem>>[vector<16xi32>, vector<16xi32>], vector<16xf32>, vector<16xi1>
          %broadcast_in_dim3A_489 = arith.constant 2 : i32
          %broadcast_in_dim3A_490 = vector.broadcast %broadcast_in_dim3A_489 : i32 to vector<16xi32>
          %get3A_491 = arith.constant 2 : i32
          %get3A_492 = arith.index_cast %get3A_491 : i32 to index
          %get3A_493 = arith.constant 0 : index
          %get3A_494 = tpu.vector_load %arg9[%get3A_492, %get3A_493] {strides = array<i32>} : memref<64x16xf32, #tpu.memory_space<vmem>>, vector<16xf32>,
          tpu.vector_store_idx %arg7[%add3A_476, %broadcast_in_dim3A_490], %get3A_494 masked %eq3A_470 {add = true} : memref<256x128xf32, #tpu.memory_space<vmem>>[vector<16xi32>, vector<16xi32>], vector<16xf32>, vector<16xi1>
          %broadcast_in_dim3A_495 = arith.constant 3 : i32
          %broadcast_in_dim3A_496 = vector.broadcast %broadcast_in_dim3A_495 : i32 to vector<16xi32>
          %get3A_497 = arith.constant 3 : i32
          %get3A_498 = arith.index_cast %get3A_497 : i32 to index
          %get3A_499 = arith.constant 0 : index
          %get3A_500 = tpu.vector_load %arg9[%get3A_498, %get3A_499] {strides = array<i32>} : memref<64x16xf32, #tpu.memory_space<vmem>>, vector<16xf32>,
          tpu.vector_store_idx %arg7[%add3A_476, %broadcast_in_dim3A_496], %get3A_500 masked %eq3A_470 {add = true} : memref<256x128xf32, #tpu.memory_space<vmem>>[vector<16xi32>, vector<16xi32>], vector<16xf32>, vector<16xi1>
          %broadcast_in_dim3A_501 = arith.constant 4 : i32
          %broadcast_in_dim3A_502 = vector.broadcast %broadcast_in_dim3A_501 : i32 to vector<16xi32>
          %get3A_503 = arith.constant 4 : i32
          %get3A_504 = arith.index_cast %get3A_503 : i32 to index
          %get3A_505 = arith.constant 0 : index
          %get3A_506 = tpu.vector_load %arg9[%get3A_504, %get3A_505] {strides = array<i32>} : memref<64x16xf32, #tpu.memory_space<vmem>>, vector<16xf32>,
          tpu.vector_store_idx %arg7[%add3A_476, %broadcast_in_dim3A_502], %get3A_506 masked %eq3A_470 {add = true} : memref<256x128xf32, #tpu.memory_space<vmem>>[vector<16xi32>, vector<16xi32>], vector<16xf32>, vector<16xi1>
          %broadcast_in_dim3A_507 = arith.constant 5 : i32
          %broadcast_in_dim3A_508 = vector.broadcast %broadcast_in_dim3A_507 : i32 to vector<16xi32>
          %get3A_509 = arith.constant 5 : i32
          %get3A_510 = arith.index_cast %get3A_509 : i32 to index
          %get3A_511 = arith.constant 0 : index
          %get3A_512 = tpu.vector_load %arg9[%get3A_510, %get3A_511] {strides = array<i32>} : memref<64x16xf32, #tpu.memory_space<vmem>>, vector<16xf32>,
          tpu.vector_store_idx %arg7[%add3A_476, %broadcast_in_dim3A_508], %get3A_512 masked %eq3A_470 {add = true} : memref<256x128xf32, #tpu.memory_space<vmem>>[vector<16xi32>, vector<16xi32>], vector<16xf32>, vector<16xi1>
          %broadcast_in_dim3A_513 = arith.constant 6 : i32
          %broadcast_in_dim3A_514 = vector.broadcast %broadcast_in_dim3A_513 : i32 to vector<16xi32>
          %get3A_515 = arith.constant 6 : i32
          %get3A_516 = arith.index_cast %get3A_515 : i32 to index
          %get3A_517 = arith.constant 0 : index
          %get3A_518 = tpu.vector_load %arg9[%get3A_516, %get3A_517] {strides = array<i32>} : memref<64x16xf32, #tpu.memory_space<vmem>>, vector<16xf32>,
          tpu.vector_store_idx %arg7[%add3A_476, %broadcast_in_dim3A_514], %get3A_518 masked %eq3A_470 {add = true} : memref<256x128xf32, #tpu.memory_space<vmem>>[vector<16xi32>, vector<16xi32>], vector<16xf32>, vector<16xi1>
          %broadcast_in_dim3A_519 = arith.constant 7 : i32
          %broadcast_in_dim3A_520 = vector.broadcast %broadcast_in_dim3A_519 : i32 to vector<16xi32>
          %get3A_521 = arith.constant 7 : i32
          %get3A_522 = arith.index_cast %get3A_521 : i32 to index
          %get3A_523 = arith.constant 0 : index
          %get3A_524 = tpu.vector_load %arg9[%get3A_522, %get3A_523] {strides = array<i32>} : memref<64x16xf32, #tpu.memory_space<vmem>>, vector<16xf32>,
          tpu.vector_store_idx %arg7[%add3A_476, %broadcast_in_dim3A_520], %get3A_524 masked %eq3A_470 {add = true} : memref<256x128xf32, #tpu.memory_space<vmem>>[vector<16xi32>, vector<16xi32>], vector<16xf32>, vector<16xi1>
          %broadcast_in_dim3A_525 = arith.constant 8 : i32
          %broadcast_in_dim3A_526 = vector.broadcast %broadcast_in_dim3A_525 : i32 to vector<16xi32>
          %get3A_527 = arith.constant 8 : i32
          %get3A_528 = arith.index_cast %get3A_527 : i32 to index
          %get3A_529 = arith.constant 0 : index
          %get3A_530 = tpu.vector_load %arg9[%get3A_528, %get3A_529] {strides = array<i32>} : memref<64x16xf32, #tpu.memory_space<vmem>>, vector<16xf32>,
          tpu.vector_store_idx %arg7[%add3A_476, %broadcast_in_dim3A_526], %get3A_530 masked %eq3A_470 {add = true} : memref<256x128xf32, #tpu.memory_space<vmem>>[vector<16xi32>, vector<16xi32>], vector<16xf32>, vector<16xi1>
          %broadcast_in_dim3A_531 = arith.constant 9 : i32
          %broadcast_in_dim3A_532 = vector.broadcast %broadcast_in_dim3A_531 : i32 to vector<16xi32>
          %get3A_533 = arith.constant 9 : i32
          %get3A_534 = arith.index_cast %get3A_533 : i32 to index
          %get3A_535 = arith.constant 0 : index
          %get3A_536 = tpu.vector_load %arg9[%get3A_534, %get3A_535] {strides = array<i32>} : memref<64x16xf32, #tpu.memory_space<vmem>>, vector<16xf32>,
          tpu.vector_store_idx %arg7[%add3A_476, %broadcast_in_dim3A_532], %get3A_536 masked %eq3A_470 {add = true} : memref<256x128xf32, #tpu.memory_space<vmem>>[vector<16xi32>, vector<16xi32>], vector<16xf32>, vector<16xi1>
          %broadcast_in_dim3A_537 = arith.constant 10 : i32
          %broadcast_in_dim3A_538 = vector.broadcast %broadcast_in_dim3A_537 : i32 to vector<16xi32>
          %get3A_539 = arith.constant 10 : i32
          %get3A_540 = arith.index_cast %get3A_539 : i32 to index
          %get3A_541 = arith.constant 0 : index
          %get3A_542 = tpu.vector_load %arg9[%get3A_540, %get3A_541] {strides = array<i32>} : memref<64x16xf32, #tpu.memory_space<vmem>>, vector<16xf32>,
          tpu.vector_store_idx %arg7[%add3A_476, %broadcast_in_dim3A_538], %get3A_542 masked %eq3A_470 {add = true} : memref<256x128xf32, #tpu.memory_space<vmem>>[vector<16xi32>, vector<16xi32>], vector<16xf32>, vector<16xi1>
          %broadcast_in_dim3A_543 = arith.constant 11 : i32
          %broadcast_in_dim3A_544 = vector.broadcast %broadcast_in_dim3A_543 : i32 to vector<16xi32>
          %get3A_545 = arith.constant 11 : i32
          %get3A_546 = arith.index_cast %get3A_545 : i32 to index
          %get3A_547 = arith.constant 0 : index
          %get3A_548 = tpu.vector_load %arg9[%get3A_546, %get3A_547] {strides = array<i32>} : memref<64x16xf32, #tpu.memory_space<vmem>>, vector<16xf32>,
          tpu.vector_store_idx %arg7[%add3A_476, %broadcast_in_dim3A_544], %get3A_548 masked %eq3A_470 {add = true} : memref<256x128xf32, #tpu.memory_space<vmem>>[vector<16xi32>, vector<16xi32>], vector<16xf32>, vector<16xi1>
          %broadcast_in_dim3A_549 = arith.constant 12 : i32
          %broadcast_in_dim3A_550 = vector.broadcast %broadcast_in_dim3A_549 : i32 to vector<16xi32>
          %get3A_551 = arith.constant 12 : i32
          %get3A_552 = arith.index_cast %get3A_551 : i32 to index
          %get3A_553 = arith.constant 0 : index
          %get3A_554 = tpu.vector_load %arg9[%get3A_552, %get3A_553] {strides = array<i32>} : memref<64x16xf32, #tpu.memory_space<vmem>>, vector<16xf32>,
          tpu.vector_store_idx %arg7[%add3A_476, %broadcast_in_dim3A_550], %get3A_554 masked %eq3A_470 {add = true} : memref<256x128xf32, #tpu.memory_space<vmem>>[vector<16xi32>, vector<16xi32>], vector<16xf32>, vector<16xi1>
          %broadcast_in_dim3A_555 = arith.constant 13 : i32
          %broadcast_in_dim3A_556 = vector.broadcast %broadcast_in_dim3A_555 : i32 to vector<16xi32>
          %get3A_557 = arith.constant 13 : i32
          %get3A_558 = arith.index_cast %get3A_557 : i32 to index
          %get3A_559 = arith.constant 0 : index
          %get3A_560 = tpu.vector_load %arg9[%get3A_558, %get3A_559] {strides = array<i32>} : memref<64x16xf32, #tpu.memory_space<vmem>>, vector<16xf32>,
          tpu.vector_store_idx %arg7[%add3A_476, %broadcast_in_dim3A_556], %get3A_560 masked %eq3A_470 {add = true} : memref<256x128xf32, #tpu.memory_space<vmem>>[vector<16xi32>, vector<16xi32>], vector<16xf32>, vector<16xi1>
          %broadcast_in_dim3A_561 = arith.constant 14 : i32
          %broadcast_in_dim3A_562 = vector.broadcast %broadcast_in_dim3A_561 : i32 to vector<16xi32>
          %get3A_563 = arith.constant 14 : i32
          %get3A_564 = arith.index_cast %get3A_563 : i32 to index
          %get3A_565 = arith.constant 0 : index
          %get3A_566 = tpu.vector_load %arg9[%get3A_564, %get3A_565] {strides = array<i32>} : memref<64x16xf32, #tpu.memory_space<vmem>>, vector<16xf32>,
          tpu.vector_store_idx %arg7[%add3A_476, %broadcast_in_dim3A_562], %get3A_566 masked %eq3A_470 {add = true} : memref<256x128xf32, #tpu.memory_space<vmem>>[vector<16xi32>, vector<16xi32>], vector<16xf32>, vector<16xi1>
          %broadcast_in_dim3A_567 = arith.constant 15 : i32
          %broadcast_in_dim3A_568 = vector.broadcast %broadcast_in_dim3A_567 : i32 to vector<16xi32>
          %get3A_569 = arith.constant 15 : i32
          %get3A_570 = arith.index_cast %get3A_569 : i32 to index
          %get3A_571 = arith.constant 0 : index
          %get3A_572 = tpu.vector_load %arg9[%get3A_570, %get3A_571] {strides = array<i32>} : memref<64x16xf32, #tpu.memory_space<vmem>>, vector<16xf32>,
          tpu.vector_store_idx %arg7[%add3A_476, %broadcast_in_dim3A_568], %get3A_572 masked %eq3A_470 {add = true} : memref<256x128xf32, #tpu.memory_space<vmem>>[vector<16xi32>, vector<16xi32>], vector<16xf32>, vector<16xi1>
          %broadcast_in_dim3A_573 = arith.constant 16 : i32
          %broadcast_in_dim3A_574 = vector.broadcast %broadcast_in_dim3A_573 : i32 to vector<16xi32>
          %get3A_575 = arith.constant 16 : i32
          %get3A_576 = arith.index_cast %get3A_575 : i32 to index
          %get3A_577 = arith.constant 0 : index
          %get3A_578 = tpu.vector_load %arg9[%get3A_576, %get3A_577] {strides = array<i32>} : memref<64x16xf32, #tpu.memory_space<vmem>>, vector<16xf32>,
          tpu.vector_store_idx %arg7[%add3A_476, %broadcast_in_dim3A_574], %get3A_578 masked %eq3A_470 {add = true} : memref<256x128xf32, #tpu.memory_space<vmem>>[vector<16xi32>, vector<16xi32>], vector<16xf32>, vector<16xi1>
          %broadcast_in_dim3A_579 = arith.constant 17 : i32
          %broadcast_in_dim3A_580 = vector.broadcast %broadcast_in_dim3A_579 : i32 to vector<16xi32>
          %get3A_581 = arith.constant 17 : i32
          %get3A_582 = arith.index_cast %get3A_581 : i32 to index
          %get3A_583 = arith.constant 0 : index
          %get3A_584 = tpu.vector_load %arg9[%get3A_582, %get3A_583] {strides = array<i32>} : memref<64x16xf32, #tpu.memory_space<vmem>>, vector<16xf32>,
          tpu.vector_store_idx %arg7[%add3A_476, %broadcast_in_dim3A_580], %get3A_584 masked %eq3A_470 {add = true} : memref<256x128xf32, #tpu.memory_space<vmem>>[vector<16xi32>, vector<16xi32>], vector<16xf32>, vector<16xi1>
          %broadcast_in_dim3A_585 = arith.constant 18 : i32
          %broadcast_in_dim3A_586 = vector.broadcast %broadcast_in_dim3A_585 : i32 to vector<16xi32>
          %get3A_587 = arith.constant 18 : i32
          %get3A_588 = arith.index_cast %get3A_587 : i32 to index
          %get3A_589 = arith.constant 0 : index
          %get3A_590 = tpu.vector_load %arg9[%get3A_588, %get3A_589] {strides = array<i32>} : memref<64x16xf32, #tpu.memory_space<vmem>>, vector<16xf32>,
          tpu.vector_store_idx %arg7[%add3A_476, %broadcast_in_dim3A_586], %get3A_590 masked %eq3A_470 {add = true} : memref<256x128xf32, #tpu.memory_space<vmem>>[vector<16xi32>, vector<16xi32>], vector<16xf32>, vector<16xi1>
          %broadcast_in_dim3A_591 = arith.constant 19 : i32
          %broadcast_in_dim3A_592 = vector.broadcast %broadcast_in_dim3A_591 : i32 to vector<16xi32>
          %get3A_593 = arith.constant 19 : i32
          %get3A_594 = arith.index_cast %get3A_593 : i32 to index
          %get3A_595 = arith.constant 0 : index
          %get3A_596 = tpu.vector_load %arg9[%get3A_594, %get3A_595] {strides = array<i32>} : memref<64x16xf32, #tpu.memory_space<vmem>>, vector<16xf32>,
          tpu.vector_store_idx %arg7[%add3A_476, %broadcast_in_dim3A_592], %get3A_596 masked %eq3A_470 {add = true} : memref<256x128xf32, #tpu.memory_space<vmem>>[vector<16xi32>, vector<16xi32>], vector<16xf32>, vector<16xi1>
          %broadcast_in_dim3A_597 = arith.constant 20 : i32
          %broadcast_in_dim3A_598 = vector.broadcast %broadcast_in_dim3A_597 : i32 to vector<16xi32>
          %get3A_599 = arith.constant 20 : i32
          %get3A_600 = arith.index_cast %get3A_599 : i32 to index
          %get3A_601 = arith.constant 0 : index
          %get3A_602 = tpu.vector_load %arg9[%get3A_600, %get3A_601] {strides = array<i32>} : memref<64x16xf32, #tpu.memory_space<vmem>>, vector<16xf32>,
          tpu.vector_store_idx %arg7[%add3A_476, %broadcast_in_dim3A_598], %get3A_602 masked %eq3A_470 {add = true} : memref<256x128xf32, #tpu.memory_space<vmem>>[vector<16xi32>, vector<16xi32>], vector<16xf32>, vector<16xi1>
          %broadcast_in_dim3A_603 = arith.constant 21 : i32
          %broadcast_in_dim3A_604 = vector.broadcast %broadcast_in_dim3A_603 : i32 to vector<16xi32>
          %get3A_605 = arith.constant 21 : i32
          %get3A_606 = arith.index_cast %get3A_605 : i32 to index
          %get3A_607 = arith.constant 0 : index
          %get3A_608 = tpu.vector_load %arg9[%get3A_606, %get3A_607] {strides = array<i32>} : memref<64x16xf32, #tpu.memory_space<vmem>>, vector<16xf32>,
          tpu.vector_store_idx %arg7[%add3A_476, %broadcast_in_dim3A_604], %get3A_608 masked %eq3A_470 {add = true} : memref<256x128xf32, #tpu.memory_space<vmem>>[vector<16xi32>, vector<16xi32>], vector<16xf32>, vector<16xi1>
          %broadcast_in_dim3A_609 = arith.constant 22 : i32
          %broadcast_in_dim3A_610 = vector.broadcast %broadcast_in_dim3A_609 : i32 to vector<16xi32>
          %get3A_611 = arith.constant 22 : i32
          %get3A_612 = arith.index_cast %get3A_611 : i32 to index
          %get3A_613 = arith.constant 0 : index
          %get3A_614 = tpu.vector_load %arg9[%get3A_612, %get3A_613] {strides = array<i32>} : memref<64x16xf32, #tpu.memory_space<vmem>>, vector<16xf32>,
          tpu.vector_store_idx %arg7[%add3A_476, %broadcast_in_dim3A_610], %get3A_614 masked %eq3A_470 {add = true} : memref<256x128xf32, #tpu.memory_space<vmem>>[vector<16xi32>, vector<16xi32>], vector<16xf32>, vector<16xi1>
          %broadcast_in_dim3A_615 = arith.constant 23 : i32
          %broadcast_in_dim3A_616 = vector.broadcast %broadcast_in_dim3A_615 : i32 to vector<16xi32>
          %get3A_617 = arith.constant 23 : i32
          %get3A_618 = arith.index_cast %get3A_617 : i32 to index
          %get3A_619 = arith.constant 0 : index
          %get3A_620 = tpu.vector_load %arg9[%get3A_618, %get3A_619] {strides = array<i32>} : memref<64x16xf32, #tpu.memory_space<vmem>>, vector<16xf32>,
          tpu.vector_store_idx %arg7[%add3A_476, %broadcast_in_dim3A_616], %get3A_620 masked %eq3A_470 {add = true} : memref<256x128xf32, #tpu.memory_space<vmem>>[vector<16xi32>, vector<16xi32>], vector<16xf32>, vector<16xi1>
          %broadcast_in_dim3A_621 = arith.constant 24 : i32
          %broadcast_in_dim3A_622 = vector.broadcast %broadcast_in_dim3A_621 : i32 to vector<16xi32>
          %get3A_623 = arith.constant 24 : i32
          %get3A_624 = arith.index_cast %get3A_623 : i32 to index
          %get3A_625 = arith.constant 0 : index
          %get3A_626 = tpu.vector_load %arg9[%get3A_624, %get3A_625] {strides = array<i32>} : memref<64x16xf32, #tpu.memory_space<vmem>>, vector<16xf32>,
          tpu.vector_store_idx %arg7[%add3A_476, %broadcast_in_dim3A_622], %get3A_626 masked %eq3A_470 {add = true} : memref<256x128xf32, #tpu.memory_space<vmem>>[vector<16xi32>, vector<16xi32>], vector<16xf32>, vector<16xi1>
          %broadcast_in_dim3A_627 = arith.constant 25 : i32
          %broadcast_in_dim3A_628 = vector.broadcast %broadcast_in_dim3A_627 : i32 to vector<16xi32>
          %get3A_629 = arith.constant 25 : i32
          %get3A_630 = arith.index_cast %get3A_629 : i32 to index
          %get3A_631 = arith.constant 0 : index
          %get3A_632 = tpu.vector_load %arg9[%get3A_630, %get3A_631] {strides = array<i32>} : memref<64x16xf32, #tpu.memory_space<vmem>>, vector<16xf32>,
          tpu.vector_store_idx %arg7[%add3A_476, %broadcast_in_dim3A_628], %get3A_632 masked %eq3A_470 {add = true} : memref<256x128xf32, #tpu.memory_space<vmem>>[vector<16xi32>, vector<16xi32>], vector<16xf32>, vector<16xi1>
          %broadcast_in_dim3A_633 = arith.constant 26 : i32
          %broadcast_in_dim3A_634 = vector.broadcast %broadcast_in_dim3A_633 : i32 to vector<16xi32>
          %get3A_635 = arith.constant 26 : i32
          %get3A_636 = arith.index_cast %get3A_635 : i32 to index
          %get3A_637 = arith.constant 0 : index
          %get3A_638 = tpu.vector_load %arg9[%get3A_636, %get3A_637] {strides = array<i32>} : memref<64x16xf32, #tpu.memory_space<vmem>>, vector<16xf32>,
          tpu.vector_store_idx %arg7[%add3A_476, %broadcast_in_dim3A_634], %get3A_638 masked %eq3A_470 {add = true} : memref<256x128xf32, #tpu.memory_space<vmem>>[vector<16xi32>, vector<16xi32>], vector<16xf32>, vector<16xi1>
          %broadcast_in_dim3A_639 = arith.constant 27 : i32
          %broadcast_in_dim3A_640 = vector.broadcast %broadcast_in_dim3A_639 : i32 to vector<16xi32>
          %get3A_641 = arith.constant 27 : i32
          %get3A_642 = arith.index_cast %get3A_641 : i32 to index
          %get3A_643 = arith.constant 0 : index
          %get3A_644 = tpu.vector_load %arg9[%get3A_642, %get3A_643] {strides = array<i32>} : memref<64x16xf32, #tpu.memory_space<vmem>>, vector<16xf32>,
          tpu.vector_store_idx %arg7[%add3A_476, %broadcast_in_dim3A_640], %get3A_644 masked %eq3A_470 {add = true} : memref<256x128xf32, #tpu.memory_space<vmem>>[vector<16xi32>, vector<16xi32>], vector<16xf32>, vector<16xi1>
          %broadcast_in_dim3A_645 = arith.constant 28 : i32
          %broadcast_in_dim3A_646 = vector.broadcast %broadcast_in_dim3A_645 : i32 to vector<16xi32>
          %get3A_647 = arith.constant 28 : i32
          %get3A_648 = arith.index_cast %get3A_647 : i32 to index
          %get3A_649 = arith.constant 0 : index
          %get3A_650 = tpu.vector_load %arg9[%get3A_648, %get3A_649] {strides = array<i32>} : memref<64x16xf32, #tpu.memory_space<vmem>>, vector<16xf32>,
          tpu.vector_store_idx %arg7[%add3A_476, %broadcast_in_dim3A_646], %get3A_650 masked %eq3A_470 {add = true} : memref<256x128xf32, #tpu.memory_space<vmem>>[vector<16xi32>, vector<16xi32>], vector<16xf32>, vector<16xi1>
          %broadcast_in_dim3A_651 = arith.constant 29 : i32
          %broadcast_in_dim3A_652 = vector.broadcast %broadcast_in_dim3A_651 : i32 to vector<16xi32>
          %get3A_653 = arith.constant 29 : i32
          %get3A_654 = arith.index_cast %get3A_653 : i32 to index
          %get3A_655 = arith.constant 0 : index
          %get3A_656 = tpu.vector_load %arg9[%get3A_654, %get3A_655] {strides = array<i32>} : memref<64x16xf32, #tpu.memory_space<vmem>>, vector<16xf32>,
          tpu.vector_store_idx %arg7[%add3A_476, %broadcast_in_dim3A_652], %get3A_656 masked %eq3A_470 {add = true} : memref<256x128xf32, #tpu.memory_space<vmem>>[vector<16xi32>, vector<16xi32>], vector<16xf32>, vector<16xi1>
          %broadcast_in_dim3A_657 = arith.constant 30 : i32
          %broadcast_in_dim3A_658 = vector.broadcast %broadcast_in_dim3A_657 : i32 to vector<16xi32>
          %get3A_659 = arith.constant 30 : i32
          %get3A_660 = arith.index_cast %get3A_659 : i32 to index
          %get3A_661 = arith.constant 0 : index
          %get3A_662 = tpu.vector_load %arg9[%get3A_660, %get3A_661] {strides = array<i32>} : memref<64x16xf32, #tpu.memory_space<vmem>>, vector<16xf32>,
          tpu.vector_store_idx %arg7[%add3A_476, %broadcast_in_dim3A_658], %get3A_662 masked %eq3A_470 {add = true} : memref<256x128xf32, #tpu.memory_space<vmem>>[vector<16xi32>, vector<16xi32>], vector<16xf32>, vector<16xi1>
          %broadcast_in_dim3A_663 = arith.constant 31 : i32
          %broadcast_in_dim3A_664 = vector.broadcast %broadcast_in_dim3A_663 : i32 to vector<16xi32>
          %get3A_665 = arith.constant 31 : i32
          %get3A_666 = arith.index_cast %get3A_665 : i32 to index
          %get3A_667 = arith.constant 0 : index
          %get3A_668 = tpu.vector_load %arg9[%get3A_666, %get3A_667] {strides = array<i32>} : memref<64x16xf32, #tpu.memory_space<vmem>>, vector<16xf32>,
          tpu.vector_store_idx %arg7[%add3A_476, %broadcast_in_dim3A_664], %get3A_668 masked %eq3A_470 {add = true} : memref<256x128xf32, #tpu.memory_space<vmem>>[vector<16xi32>, vector<16xi32>], vector<16xf32>, vector<16xi1>
          %broadcast_in_dim3A_669 = arith.constant 32 : i32
          %broadcast_in_dim3A_670 = vector.broadcast %broadcast_in_dim3A_669 : i32 to vector<16xi32>
          %get3A_671 = arith.constant 32 : i32
          %get3A_672 = arith.index_cast %get3A_671 : i32 to index
          %get3A_673 = arith.constant 0 : index
          %get3A_674 = tpu.vector_load %arg9[%get3A_672, %get3A_673] {strides = array<i32>} : memref<64x16xf32, #tpu.memory_space<vmem>>, vector<16xf32>,
          tpu.vector_store_idx %arg7[%add3A_476, %broadcast_in_dim3A_670], %get3A_674 masked %eq3A_470 {add = true} : memref<256x128xf32, #tpu.memory_space<vmem>>[vector<16xi32>, vector<16xi32>], vector<16xf32>, vector<16xi1>
          %broadcast_in_dim3A_675 = arith.constant 33 : i32
          %broadcast_in_dim3A_676 = vector.broadcast %broadcast_in_dim3A_675 : i32 to vector<16xi32>
          %get3A_677 = arith.constant 33 : i32
          %get3A_678 = arith.index_cast %get3A_677 : i32 to index
          %get3A_679 = arith.constant 0 : index
          %get3A_680 = tpu.vector_load %arg9[%get3A_678, %get3A_679] {strides = array<i32>} : memref<64x16xf32, #tpu.memory_space<vmem>>, vector<16xf32>,
          tpu.vector_store_idx %arg7[%add3A_476, %broadcast_in_dim3A_676], %get3A_680 masked %eq3A_470 {add = true} : memref<256x128xf32, #tpu.memory_space<vmem>>[vector<16xi32>, vector<16xi32>], vector<16xf32>, vector<16xi1>
          %broadcast_in_dim3A_681 = arith.constant 34 : i32
          %broadcast_in_dim3A_682 = vector.broadcast %broadcast_in_dim3A_681 : i32 to vector<16xi32>
          %get3A_683 = arith.constant 34 : i32
          %get3A_684 = arith.index_cast %get3A_683 : i32 to index
          %get3A_685 = arith.constant 0 : index
          %get3A_686 = tpu.vector_load %arg9[%get3A_684, %get3A_685] {strides = array<i32>} : memref<64x16xf32, #tpu.memory_space<vmem>>, vector<16xf32>,
          tpu.vector_store_idx %arg7[%add3A_476, %broadcast_in_dim3A_682], %get3A_686 masked %eq3A_470 {add = true} : memref<256x128xf32, #tpu.memory_space<vmem>>[vector<16xi32>, vector<16xi32>], vector<16xf32>, vector<16xi1>
          %broadcast_in_dim3A_687 = arith.constant 35 : i32
          %broadcast_in_dim3A_688 = vector.broadcast %broadcast_in_dim3A_687 : i32 to vector<16xi32>
          %get3A_689 = arith.constant 35 : i32
          %get3A_690 = arith.index_cast %get3A_689 : i32 to index
          %get3A_691 = arith.constant 0 : index
          %get3A_692 = tpu.vector_load %arg9[%get3A_690, %get3A_691] {strides = array<i32>} : memref<64x16xf32, #tpu.memory_space<vmem>>, vector<16xf32>,
          tpu.vector_store_idx %arg7[%add3A_476, %broadcast_in_dim3A_688], %get3A_692 masked %eq3A_470 {add = true} : memref<256x128xf32, #tpu.memory_space<vmem>>[vector<16xi32>, vector<16xi32>], vector<16xf32>, vector<16xi1>
          %broadcast_in_dim3A_693 = arith.constant 36 : i32
          %broadcast_in_dim3A_694 = vector.broadcast %broadcast_in_dim3A_693 : i32 to vector<16xi32>
          %get3A_695 = arith.constant 36 : i32
          %get3A_696 = arith.index_cast %get3A_695 : i32 to index
          %get3A_697 = arith.constant 0 : index
          %get3A_698 = tpu.vector_load %arg9[%get3A_696, %get3A_697] {strides = array<i32>} : memref<64x16xf32, #tpu.memory_space<vmem>>, vector<16xf32>,
          tpu.vector_store_idx %arg7[%add3A_476, %broadcast_in_dim3A_694], %get3A_698 masked %eq3A_470 {add = true} : memref<256x128xf32, #tpu.memory_space<vmem>>[vector<16xi32>, vector<16xi32>], vector<16xf32>, vector<16xi1>
          %broadcast_in_dim3A_699 = arith.constant 37 : i32
          %broadcast_in_dim3A_700 = vector.broadcast %broadcast_in_dim3A_699 : i32 to vector<16xi32>
          %get3A_701 = arith.constant 37 : i32
          %get3A_702 = arith.index_cast %get3A_701 : i32 to index
          %get3A_703 = arith.constant 0 : index
          %get3A_704 = tpu.vector_load %arg9[%get3A_702, %get3A_703] {strides = array<i32>} : memref<64x16xf32, #tpu.memory_space<vmem>>, vector<16xf32>,
          tpu.vector_store_idx %arg7[%add3A_476, %broadcast_in_dim3A_700], %get3A_704 masked %eq3A_470 {add = true} : memref<256x128xf32, #tpu.memory_space<vmem>>[vector<16xi32>, vector<16xi32>], vector<16xf32>, vector<16xi1>
          %broadcast_in_dim3A_705 = arith.constant 38 : i32
          %broadcast_in_dim3A_706 = vector.broadcast %broadcast_in_dim3A_705 : i32 to vector<16xi32>
          %get3A_707 = arith.constant 38 : i32
          %get3A_708 = arith.index_cast %get3A_707 : i32 to index
          %get3A_709 = arith.constant 0 : index
          %get3A_710 = tpu.vector_load %arg9[%get3A_708, %get3A_709] {strides = array<i32>} : memref<64x16xf32, #tpu.memory_space<vmem>>, vector<16xf32>,
          tpu.vector_store_idx %arg7[%add3A_476, %broadcast_in_dim3A_706], %get3A_710 masked %eq3A_470 {add = true} : memref<256x128xf32, #tpu.memory_space<vmem>>[vector<16xi32>, vector<16xi32>], vector<16xf32>, vector<16xi1>
          %broadcast_in_dim3A_711 = arith.constant 39 : i32
          %broadcast_in_dim3A_712 = vector.broadcast %broadcast_in_dim3A_711 : i32 to vector<16xi32>
          %get3A_713 = arith.constant 39 : i32
          %get3A_714 = arith.index_cast %get3A_713 : i32 to index
          %get3A_715 = arith.constant 0 : index
          %get3A_716 = tpu.vector_load %arg9[%get3A_714, %get3A_715] {strides = array<i32>} : memref<64x16xf32, #tpu.memory_space<vmem>>, vector<16xf32>,
          tpu.vector_store_idx %arg7[%add3A_476, %broadcast_in_dim3A_712], %get3A_716 masked %eq3A_470 {add = true} : memref<256x128xf32, #tpu.memory_space<vmem>>[vector<16xi32>, vector<16xi32>], vector<16xf32>, vector<16xi1>
          %broadcast_in_dim3A_717 = arith.constant 40 : i32
          %broadcast_in_dim3A_718 = vector.broadcast %broadcast_in_dim3A_717 : i32 to vector<16xi32>
          %get3A_719 = arith.constant 40 : i32
          %get3A_720 = arith.index_cast %get3A_719 : i32 to index
          %get3A_721 = arith.constant 0 : index
          %get3A_722 = tpu.vector_load %arg9[%get3A_720, %get3A_721] {strides = array<i32>} : memref<64x16xf32, #tpu.memory_space<vmem>>, vector<16xf32>,
          tpu.vector_store_idx %arg7[%add3A_476, %broadcast_in_dim3A_718], %get3A_722 masked %eq3A_470 {add = true} : memref<256x128xf32, #tpu.memory_space<vmem>>[vector<16xi32>, vector<16xi32>], vector<16xf32>, vector<16xi1>
          %broadcast_in_dim3A_723 = arith.constant 41 : i32
          %broadcast_in_dim3A_724 = vector.broadcast %broadcast_in_dim3A_723 : i32 to vector<16xi32>
          %get3A_725 = arith.constant 41 : i32
          %get3A_726 = arith.index_cast %get3A_725 : i32 to index
          %get3A_727 = arith.constant 0 : index
          %get3A_728 = tpu.vector_load %arg9[%get3A_726, %get3A_727] {strides = array<i32>} : memref<64x16xf32, #tpu.memory_space<vmem>>, vector<16xf32>,
          tpu.vector_store_idx %arg7[%add3A_476, %broadcast_in_dim3A_724], %get3A_728 masked %eq3A_470 {add = true} : memref<256x128xf32, #tpu.memory_space<vmem>>[vector<16xi32>, vector<16xi32>], vector<16xf32>, vector<16xi1>
          %broadcast_in_dim3A_729 = arith.constant 42 : i32
          %broadcast_in_dim3A_730 = vector.broadcast %broadcast_in_dim3A_729 : i32 to vector<16xi32>
          %get3A_731 = arith.constant 42 : i32
          %get3A_732 = arith.index_cast %get3A_731 : i32 to index
          %get3A_733 = arith.constant 0 : index
          %get3A_734 = tpu.vector_load %arg9[%get3A_732, %get3A_733] {strides = array<i32>} : memref<64x16xf32, #tpu.memory_space<vmem>>, vector<16xf32>,
          tpu.vector_store_idx %arg7[%add3A_476, %broadcast_in_dim3A_730], %get3A_734 masked %eq3A_470 {add = true} : memref<256x128xf32, #tpu.memory_space<vmem>>[vector<16xi32>, vector<16xi32>], vector<16xf32>, vector<16xi1>
          %broadcast_in_dim3A_735 = arith.constant 43 : i32
          %broadcast_in_dim3A_736 = vector.broadcast %broadcast_in_dim3A_735 : i32 to vector<16xi32>
          %get3A_737 = arith.constant 43 : i32
          %get3A_738 = arith.index_cast %get3A_737 : i32 to index
          %get3A_739 = arith.constant 0 : index
          %get3A_740 = tpu.vector_load %arg9[%get3A_738, %get3A_739] {strides = array<i32>} : memref<64x16xf32, #tpu.memory_space<vmem>>, vector<16xf32>,
          tpu.vector_store_idx %arg7[%add3A_476, %broadcast_in_dim3A_736], %get3A_740 masked %eq3A_470 {add = true} : memref<256x128xf32, #tpu.memory_space<vmem>>[vector<16xi32>, vector<16xi32>], vector<16xf32>, vector<16xi1>
          %broadcast_in_dim3A_741 = arith.constant 44 : i32
          %broadcast_in_dim3A_742 = vector.broadcast %broadcast_in_dim3A_741 : i32 to vector<16xi32>
          %get3A_743 = arith.constant 44 : i32
          %get3A_744 = arith.index_cast %get3A_743 : i32 to index
          %get3A_745 = arith.constant 0 : index
          %get3A_746 = tpu.vector_load %arg9[%get3A_744, %get3A_745] {strides = array<i32>} : memref<64x16xf32, #tpu.memory_space<vmem>>, vector<16xf32>,
          tpu.vector_store_idx %arg7[%add3A_476, %broadcast_in_dim3A_742], %get3A_746 masked %eq3A_470 {add = true} : memref<256x128xf32, #tpu.memory_space<vmem>>[vector<16xi32>, vector<16xi32>], vector<16xf32>, vector<16xi1>
          %broadcast_in_dim3A_747 = arith.constant 45 : i32
          %broadcast_in_dim3A_748 = vector.broadcast %broadcast_in_dim3A_747 : i32 to vector<16xi32>
          %get3A_749 = arith.constant 45 : i32
          %get3A_750 = arith.index_cast %get3A_749 : i32 to index
          %get3A_751 = arith.constant 0 : index
          %get3A_752 = tpu.vector_load %arg9[%get3A_750, %get3A_751] {strides = array<i32>} : memref<64x16xf32, #tpu.memory_space<vmem>>, vector<16xf32>,
          tpu.vector_store_idx %arg7[%add3A_476, %broadcast_in_dim3A_748], %get3A_752 masked %eq3A_470 {add = true} : memref<256x128xf32, #tpu.memory_space<vmem>>[vector<16xi32>, vector<16xi32>], vector<16xf32>, vector<16xi1>
          %broadcast_in_dim3A_753 = arith.constant 46 : i32
          %broadcast_in_dim3A_754 = vector.broadcast %broadcast_in_dim3A_753 : i32 to vector<16xi32>
          %get3A_755 = arith.constant 46 : i32
          %get3A_756 = arith.index_cast %get3A_755 : i32 to index
          %get3A_757 = arith.constant 0 : index
          %get3A_758 = tpu.vector_load %arg9[%get3A_756, %get3A_757] {strides = array<i32>} : memref<64x16xf32, #tpu.memory_space<vmem>>, vector<16xf32>,
          tpu.vector_store_idx %arg7[%add3A_476, %broadcast_in_dim3A_754], %get3A_758 masked %eq3A_470 {add = true} : memref<256x128xf32, #tpu.memory_space<vmem>>[vector<16xi32>, vector<16xi32>], vector<16xf32>, vector<16xi1>
          %broadcast_in_dim3A_759 = arith.constant 47 : i32
          %broadcast_in_dim3A_760 = vector.broadcast %broadcast_in_dim3A_759 : i32 to vector<16xi32>
          %get3A_761 = arith.constant 47 : i32
          %get3A_762 = arith.index_cast %get3A_761 : i32 to index
          %get3A_763 = arith.constant 0 : index
          %get3A_764 = tpu.vector_load %arg9[%get3A_762, %get3A_763] {strides = array<i32>} : memref<64x16xf32, #tpu.memory_space<vmem>>, vector<16xf32>,
          tpu.vector_store_idx %arg7[%add3A_476, %broadcast_in_dim3A_760], %get3A_764 masked %eq3A_470 {add = true} : memref<256x128xf32, #tpu.memory_space<vmem>>[vector<16xi32>, vector<16xi32>], vector<16xf32>, vector<16xi1>
          %broadcast_in_dim3A_765 = arith.constant 48 : i32
          %broadcast_in_dim3A_766 = vector.broadcast %broadcast_in_dim3A_765 : i32 to vector<16xi32>
          %get3A_767 = arith.constant 48 : i32
          %get3A_768 = arith.index_cast %get3A_767 : i32 to index
          %get3A_769 = arith.constant 0 : index
          %get3A_770 = tpu.vector_load %arg9[%get3A_768, %get3A_769] {strides = array<i32>} : memref<64x16xf32, #tpu.memory_space<vmem>>, vector<16xf32>,
          tpu.vector_store_idx %arg7[%add3A_476, %broadcast_in_dim3A_766], %get3A_770 masked %eq3A_470 {add = true} : memref<256x128xf32, #tpu.memory_space<vmem>>[vector<16xi32>, vector<16xi32>], vector<16xf32>, vector<16xi1>
          %broadcast_in_dim3A_771 = arith.constant 49 : i32
          %broadcast_in_dim3A_772 = vector.broadcast %broadcast_in_dim3A_771 : i32 to vector<16xi32>
          %get3A_773 = arith.constant 49 : i32
          %get3A_774 = arith.index_cast %get3A_773 : i32 to index
          %get3A_775 = arith.constant 0 : index
          %get3A_776 = tpu.vector_load %arg9[%get3A_774, %get3A_775] {strides = array<i32>} : memref<64x16xf32, #tpu.memory_space<vmem>>, vector<16xf32>,
          tpu.vector_store_idx %arg7[%add3A_476, %broadcast_in_dim3A_772], %get3A_776 masked %eq3A_470 {add = true} : memref<256x128xf32, #tpu.memory_space<vmem>>[vector<16xi32>, vector<16xi32>], vector<16xf32>, vector<16xi1>
          %broadcast_in_dim3A_777 = arith.constant 50 : i32
          %broadcast_in_dim3A_778 = vector.broadcast %broadcast_in_dim3A_777 : i32 to vector<16xi32>
          %get3A_779 = arith.constant 50 : i32
          %get3A_780 = arith.index_cast %get3A_779 : i32 to index
          %get3A_781 = arith.constant 0 : index
          %get3A_782 = tpu.vector_load %arg9[%get3A_780, %get3A_781] {strides = array<i32>} : memref<64x16xf32, #tpu.memory_space<vmem>>, vector<16xf32>,
          tpu.vector_store_idx %arg7[%add3A_476, %broadcast_in_dim3A_778], %get3A_782 masked %eq3A_470 {add = true} : memref<256x128xf32, #tpu.memory_space<vmem>>[vector<16xi32>, vector<16xi32>], vector<16xf32>, vector<16xi1>
          %broadcast_in_dim3A_783 = arith.constant 51 : i32
          %broadcast_in_dim3A_784 = vector.broadcast %broadcast_in_dim3A_783 : i32 to vector<16xi32>
          %get3A_785 = arith.constant 51 : i32
          %get3A_786 = arith.index_cast %get3A_785 : i32 to index
          %get3A_787 = arith.constant 0 : index
          %get3A_788 = tpu.vector_load %arg9[%get3A_786, %get3A_787] {strides = array<i32>} : memref<64x16xf32, #tpu.memory_space<vmem>>, vector<16xf32>,
          tpu.vector_store_idx %arg7[%add3A_476, %broadcast_in_dim3A_784], %get3A_788 masked %eq3A_470 {add = true} : memref<256x128xf32, #tpu.memory_space<vmem>>[vector<16xi32>, vector<16xi32>], vector<16xf32>, vector<16xi1>
          %broadcast_in_dim3A_789 = arith.constant 52 : i32
          %broadcast_in_dim3A_790 = vector.broadcast %broadcast_in_dim3A_789 : i32 to vector<16xi32>
          %get3A_791 = arith.constant 52 : i32
          %get3A_792 = arith.index_cast %get3A_791 : i32 to index
          %get3A_793 = arith.constant 0 : index
          %get3A_794 = tpu.vector_load %arg9[%get3A_792, %get3A_793] {strides = array<i32>} : memref<64x16xf32, #tpu.memory_space<vmem>>, vector<16xf32>,
          tpu.vector_store_idx %arg7[%add3A_476, %broadcast_in_dim3A_790], %get3A_794 masked %eq3A_470 {add = true} : memref<256x128xf32, #tpu.memory_space<vmem>>[vector<16xi32>, vector<16xi32>], vector<16xf32>, vector<16xi1>
          %broadcast_in_dim3A_795 = arith.constant 53 : i32
          %broadcast_in_dim3A_796 = vector.broadcast %broadcast_in_dim3A_795 : i32 to vector<16xi32>
          %get3A_797 = arith.constant 53 : i32
          %get3A_798 = arith.index_cast %get3A_797 : i32 to index
          %get3A_799 = arith.constant 0 : index
          %get3A_800 = tpu.vector_load %arg9[%get3A_798, %get3A_799] {strides = array<i32>} : memref<64x16xf32, #tpu.memory_space<vmem>>, vector<16xf32>,
          tpu.vector_store_idx %arg7[%add3A_476, %broadcast_in_dim3A_796], %get3A_800 masked %eq3A_470 {add = true} : memref<256x128xf32, #tpu.memory_space<vmem>>[vector<16xi32>, vector<16xi32>], vector<16xf32>, vector<16xi1>
          %broadcast_in_dim3A_801 = arith.constant 54 : i32
          %broadcast_in_dim3A_802 = vector.broadcast %broadcast_in_dim3A_801 : i32 to vector<16xi32>
          %get3A_803 = arith.constant 54 : i32
          %get3A_804 = arith.index_cast %get3A_803 : i32 to index
          %get3A_805 = arith.constant 0 : index
          %get3A_806 = tpu.vector_load %arg9[%get3A_804, %get3A_805] {strides = array<i32>} : memref<64x16xf32, #tpu.memory_space<vmem>>, vector<16xf32>,
          tpu.vector_store_idx %arg7[%add3A_476, %broadcast_in_dim3A_802], %get3A_806 masked %eq3A_470 {add = true} : memref<256x128xf32, #tpu.memory_space<vmem>>[vector<16xi32>, vector<16xi32>], vector<16xf32>, vector<16xi1>
          %broadcast_in_dim3A_807 = arith.constant 55 : i32
          %broadcast_in_dim3A_808 = vector.broadcast %broadcast_in_dim3A_807 : i32 to vector<16xi32>
          %get3A_809 = arith.constant 55 : i32
          %get3A_810 = arith.index_cast %get3A_809 : i32 to index
          %get3A_811 = arith.constant 0 : index
          %get3A_812 = tpu.vector_load %arg9[%get3A_810, %get3A_811] {strides = array<i32>} : memref<64x16xf32, #tpu.memory_space<vmem>>, vector<16xf32>,
          tpu.vector_store_idx %arg7[%add3A_476, %broadcast_in_dim3A_808], %get3A_812 masked %eq3A_470 {add = true} : memref<256x128xf32, #tpu.memory_space<vmem>>[vector<16xi32>, vector<16xi32>], vector<16xf32>, vector<16xi1>
          %broadcast_in_dim3A_813 = arith.constant 56 : i32
          %broadcast_in_dim3A_814 = vector.broadcast %broadcast_in_dim3A_813 : i32 to vector<16xi32>
          %get3A_815 = arith.constant 56 : i32
          %get3A_816 = arith.index_cast %get3A_815 : i32 to index
          %get3A_817 = arith.constant 0 : index
          %get3A_818 = tpu.vector_load %arg9[%get3A_816, %get3A_817] {strides = array<i32>} : memref<64x16xf32, #tpu.memory_space<vmem>>, vector<16xf32>,
          tpu.vector_store_idx %arg7[%add3A_476, %broadcast_in_dim3A_814], %get3A_818 masked %eq3A_470 {add = true} : memref<256x128xf32, #tpu.memory_space<vmem>>[vector<16xi32>, vector<16xi32>], vector<16xf32>, vector<16xi1>
          %broadcast_in_dim3A_819 = arith.constant 57 : i32
          %broadcast_in_dim3A_820 = vector.broadcast %broadcast_in_dim3A_819 : i32 to vector<16xi32>
          %get3A_821 = arith.constant 57 : i32
          %get3A_822 = arith.index_cast %get3A_821 : i32 to index
          %get3A_823 = arith.constant 0 : index
          %get3A_824 = tpu.vector_load %arg9[%get3A_822, %get3A_823] {strides = array<i32>} : memref<64x16xf32, #tpu.memory_space<vmem>>, vector<16xf32>,
          tpu.vector_store_idx %arg7[%add3A_476, %broadcast_in_dim3A_820], %get3A_824 masked %eq3A_470 {add = true} : memref<256x128xf32, #tpu.memory_space<vmem>>[vector<16xi32>, vector<16xi32>], vector<16xf32>, vector<16xi1>
          %broadcast_in_dim3A_825 = arith.constant 58 : i32
          %broadcast_in_dim3A_826 = vector.broadcast %broadcast_in_dim3A_825 : i32 to vector<16xi32>
          %get3A_827 = arith.constant 58 : i32
          %get3A_828 = arith.index_cast %get3A_827 : i32 to index
          %get3A_829 = arith.constant 0 : index
          %get3A_830 = tpu.vector_load %arg9[%get3A_828, %get3A_829] {strides = array<i32>} : memref<64x16xf32, #tpu.memory_space<vmem>>, vector<16xf32>,
          tpu.vector_store_idx %arg7[%add3A_476, %broadcast_in_dim3A_826], %get3A_830 masked %eq3A_470 {add = true} : memref<256x128xf32, #tpu.memory_space<vmem>>[vector<16xi32>, vector<16xi32>], vector<16xf32>, vector<16xi1>
          %broadcast_in_dim3A_831 = arith.constant 59 : i32
          %broadcast_in_dim3A_832 = vector.broadcast %broadcast_in_dim3A_831 : i32 to vector<16xi32>
          %get3A_833 = arith.constant 59 : i32
          %get3A_834 = arith.index_cast %get3A_833 : i32 to index
          %get3A_835 = arith.constant 0 : index
          %get3A_836 = tpu.vector_load %arg9[%get3A_834, %get3A_835] {strides = array<i32>} : memref<64x16xf32, #tpu.memory_space<vmem>>, vector<16xf32>,
          tpu.vector_store_idx %arg7[%add3A_476, %broadcast_in_dim3A_832], %get3A_836 masked %eq3A_470 {add = true} : memref<256x128xf32, #tpu.memory_space<vmem>>[vector<16xi32>, vector<16xi32>], vector<16xf32>, vector<16xi1>
          %broadcast_in_dim3A_837 = arith.constant 60 : i32
          %broadcast_in_dim3A_838 = vector.broadcast %broadcast_in_dim3A_837 : i32 to vector<16xi32>
          %get3A_839 = arith.constant 60 : i32
          %get3A_840 = arith.index_cast %get3A_839 : i32 to index
          %get3A_841 = arith.constant 0 : index
          %get3A_842 = tpu.vector_load %arg9[%get3A_840, %get3A_841] {strides = array<i32>} : memref<64x16xf32, #tpu.memory_space<vmem>>, vector<16xf32>,
          tpu.vector_store_idx %arg7[%add3A_476, %broadcast_in_dim3A_838], %get3A_842 masked %eq3A_470 {add = true} : memref<256x128xf32, #tpu.memory_space<vmem>>[vector<16xi32>, vector<16xi32>], vector<16xf32>, vector<16xi1>
          %broadcast_in_dim3A_843 = arith.constant 61 : i32
          %broadcast_in_dim3A_844 = vector.broadcast %broadcast_in_dim3A_843 : i32 to vector<16xi32>
          %get3A_845 = arith.constant 61 : i32
          %get3A_846 = arith.index_cast %get3A_845 : i32 to index
          %get3A_847 = arith.constant 0 : index
          %get3A_848 = tpu.vector_load %arg9[%get3A_846, %get3A_847] {strides = array<i32>} : memref<64x16xf32, #tpu.memory_space<vmem>>, vector<16xf32>,
          tpu.vector_store_idx %arg7[%add3A_476, %broadcast_in_dim3A_844], %get3A_848 masked %eq3A_470 {add = true} : memref<256x128xf32, #tpu.memory_space<vmem>>[vector<16xi32>, vector<16xi32>], vector<16xf32>, vector<16xi1>
          %broadcast_in_dim3A_849 = arith.constant 62 : i32
          %broadcast_in_dim3A_850 = vector.broadcast %broadcast_in_dim3A_849 : i32 to vector<16xi32>
          %get3A_851 = arith.constant 62 : i32
          %get3A_852 = arith.index_cast %get3A_851 : i32 to index
          %get3A_853 = arith.constant 0 : index
          %get3A_854 = tpu.vector_load %arg9[%get3A_852, %get3A_853] {strides = array<i32>} : memref<64x16xf32, #tpu.memory_space<vmem>>, vector<16xf32>,
          tpu.vector_store_idx %arg7[%add3A_476, %broadcast_in_dim3A_850], %get3A_854 masked %eq3A_470 {add = true} : memref<256x128xf32, #tpu.memory_space<vmem>>[vector<16xi32>, vector<16xi32>], vector<16xf32>, vector<16xi1>
          %broadcast_in_dim3A_855 = arith.constant 63 : i32
          %broadcast_in_dim3A_856 = vector.broadcast %broadcast_in_dim3A_855 : i32 to vector<16xi32>
          %get3A_857 = arith.constant 63 : i32
          %get3A_858 = arith.index_cast %get3A_857 : i32 to index
          %get3A_859 = arith.constant 0 : index
          %get3A_860 = tpu.vector_load %arg9[%get3A_858, %get3A_859] {strides = array<i32>} : memref<64x16xf32, #tpu.memory_space<vmem>>, vector<16xf32>,
          tpu.vector_store_idx %arg7[%add3A_476, %broadcast_in_dim3A_856], %get3A_860 masked %eq3A_470 {add = true} : memref<256x128xf32, #tpu.memory_space<vmem>>[vector<16xi32>, vector<16xi32>], vector<16xf32>, vector<16xi1>
          %scan3A_861 = arith.constant 0 : i32
          scf.yield %scan3A_861 : i32
        }
        %scan3A_449 = arith.constant 8 : i32
        %scan3A_450 = arith.constant 0 : i32
        %scan3A_451 = arith.constant 0 : i32
        %scan3A_452 = arith.constant 8 : i32
        %scan3A_453 = arith.addi %scan3A_451, %scan3A_452 : i32
        %scan3A_454 = arith.constant 1 : i32
        %scan3A_455 = scf.for %scan3A_457 = %scan3A_451 to %scan3A_453 step %scan3A_454 iter_args(%scan3A_458 = %scan3A_450) -> (i32)  : i32 {
          %mul3A_459 = arith.constant 2 : i32
          %mul3A_460 = arith.muli %mul3A_42, %mul3A_459 : i32
          %add3A_461 = arith.constant 1 : i32
          %add3A_462 = arith.addi %mul3A_460, %add3A_461 : i32
          %mul3A_463 = arith.constant 16 : i32
          %mul3A_464 = arith.muli %scan3A_457, %mul3A_463 : i32
          %get3A_465 = arith.index_cast %add3A_462 : i32 to index
          %get3A_466 = arith.index_cast %mul3A_464 : i32 to index
          %get3A_467 = tpu.vector_load %arg6[%get3A_465, %get3A_466] {strides = array<i32>} : memref<200x128xi32, #tpu.memory_space<vmem>>, vector<16xi32>,
          %eq3A_468 = arith.constant 999999 : i32
          %eq3A_469 = vector.broadcast %eq3A_468 : i32 to vector<16xi32>
          %eq3A_470 = arith.cmpi eq, %get3A_467, %eq3A_469 : vector<16xi32>
          %mul3A_471 = arith.constant 16 : i32
          %mul3A_472 = arith.muli %scan3A_457, %mul3A_471 : i32
          %add3A_473 = arith.constant 128 : i32
          %add3A_474 = arith.addi %add3A_473, %mul3A_472 : i32
          %add3A_475 = vector.broadcast %add3A_474 : i32 to vector<16xi32>
          %add3A_476 = arith.addi %add3A_475, %iota3A : vector<16xi32>
          %broadcast_in_dim3A_477 = arith.constant 0 : i32
          %broadcast_in_dim3A_478 = vector.broadcast %broadcast_in_dim3A_477 : i32 to vector<16xi32>
          %get3A_479 = arith.constant 0 : i32
          %get3A_480 = arith.index_cast %get3A_479 : i32 to index
          %get3A_481 = arith.constant 0 : index
          %get3A_482 = tpu.vector_load %arg9[%get3A_480, %get3A_481] {strides = array<i32>} : memref<64x16xf32, #tpu.memory_space<vmem>>, vector<16xf32>,
          tpu.vector_store_idx %arg7[%add3A_476, %broadcast_in_dim3A_478], %get3A_482 masked %eq3A_470 {add = true} : memref<256x128xf32, #tpu.memory_space<vmem>>[vector<16xi32>, vector<16xi32>], vector<16xf32>, vector<16xi1>
          %broadcast_in_dim3A_483 = arith.constant 1 : i32
          %broadcast_in_dim3A_484 = vector.broadcast %broadcast_in_dim3A_483 : i32 to vector<16xi32>
          %get3A_485 = arith.constant 1 : i32
          %get3A_486 = arith.index_cast %get3A_485 : i32 to index
          %get3A_487 = arith.constant 0 : index
          %get3A_488 = tpu.vector_load %arg9[%get3A_486, %get3A_487] {strides = array<i32>} : memref<64x16xf32, #tpu.memory_space<vmem>>, vector<16xf32>,
          tpu.vector_store_idx %arg7[%add3A_476, %broadcast_in_dim3A_484], %get3A_488 masked %eq3A_470 {add = true} : memref<256x128xf32, #tpu.memory_space<vmem>>[vector<16xi32>, vector<16xi32>], vector<16xf32>, vector<16xi1>
          %broadcast_in_dim3A_489 = arith.constant 2 : i32
          %broadcast_in_dim3A_490 = vector.broadcast %broadcast_in_dim3A_489 : i32 to vector<16xi32>
          %get3A_491 = arith.constant 2 : i32
          %get3A_492 = arith.index_cast %get3A_491 : i32 to index
          %get3A_493 = arith.constant 0 : index
          %get3A_494 = tpu.vector_load %arg9[%get3A_492, %get3A_493] {strides = array<i32>} : memref<64x16xf32, #tpu.memory_space<vmem>>, vector<16xf32>,
          tpu.vector_store_idx %arg7[%add3A_476, %broadcast_in_dim3A_490], %get3A_494 masked %eq3A_470 {add = true} : memref<256x128xf32, #tpu.memory_space<vmem>>[vector<16xi32>, vector<16xi32>], vector<16xf32>, vector<16xi1>
          %broadcast_in_dim3A_495 = arith.constant 3 : i32
          %broadcast_in_dim3A_496 = vector.broadcast %broadcast_in_dim3A_495 : i32 to vector<16xi32>
          %get3A_497 = arith.constant 3 : i32
          %get3A_498 = arith.index_cast %get3A_497 : i32 to index
          %get3A_499 = arith.constant 0 : index
          %get3A_500 = tpu.vector_load %arg9[%get3A_498, %get3A_499] {strides = array<i32>} : memref<64x16xf32, #tpu.memory_space<vmem>>, vector<16xf32>,
          tpu.vector_store_idx %arg7[%add3A_476, %broadcast_in_dim3A_496], %get3A_500 masked %eq3A_470 {add = true} : memref<256x128xf32, #tpu.memory_space<vmem>>[vector<16xi32>, vector<16xi32>], vector<16xf32>, vector<16xi1>
          %broadcast_in_dim3A_501 = arith.constant 4 : i32
          %broadcast_in_dim3A_502 = vector.broadcast %broadcast_in_dim3A_501 : i32 to vector<16xi32>
          %get3A_503 = arith.constant 4 : i32
          %get3A_504 = arith.index_cast %get3A_503 : i32 to index
          %get3A_505 = arith.constant 0 : index
          %get3A_506 = tpu.vector_load %arg9[%get3A_504, %get3A_505] {strides = array<i32>} : memref<64x16xf32, #tpu.memory_space<vmem>>, vector<16xf32>,
          tpu.vector_store_idx %arg7[%add3A_476, %broadcast_in_dim3A_502], %get3A_506 masked %eq3A_470 {add = true} : memref<256x128xf32, #tpu.memory_space<vmem>>[vector<16xi32>, vector<16xi32>], vector<16xf32>, vector<16xi1>
          %broadcast_in_dim3A_507 = arith.constant 5 : i32
          %broadcast_in_dim3A_508 = vector.broadcast %broadcast_in_dim3A_507 : i32 to vector<16xi32>
          %get3A_509 = arith.constant 5 : i32
          %get3A_510 = arith.index_cast %get3A_509 : i32 to index
          %get3A_511 = arith.constant 0 : index
          %get3A_512 = tpu.vector_load %arg9[%get3A_510, %get3A_511] {strides = array<i32>} : memref<64x16xf32, #tpu.memory_space<vmem>>, vector<16xf32>,
          tpu.vector_store_idx %arg7[%add3A_476, %broadcast_in_dim3A_508], %get3A_512 masked %eq3A_470 {add = true} : memref<256x128xf32, #tpu.memory_space<vmem>>[vector<16xi32>, vector<16xi32>], vector<16xf32>, vector<16xi1>
          %broadcast_in_dim3A_513 = arith.constant 6 : i32
          %broadcast_in_dim3A_514 = vector.broadcast %broadcast_in_dim3A_513 : i32 to vector<16xi32>
          %get3A_515 = arith.constant 6 : i32
          %get3A_516 = arith.index_cast %get3A_515 : i32 to index
          %get3A_517 = arith.constant 0 : index
          %get3A_518 = tpu.vector_load %arg9[%get3A_516, %get3A_517] {strides = array<i32>} : memref<64x16xf32, #tpu.memory_space<vmem>>, vector<16xf32>,
          tpu.vector_store_idx %arg7[%add3A_476, %broadcast_in_dim3A_514], %get3A_518 masked %eq3A_470 {add = true} : memref<256x128xf32, #tpu.memory_space<vmem>>[vector<16xi32>, vector<16xi32>], vector<16xf32>, vector<16xi1>
          %broadcast_in_dim3A_519 = arith.constant 7 : i32
          %broadcast_in_dim3A_520 = vector.broadcast %broadcast_in_dim3A_519 : i32 to vector<16xi32>
          %get3A_521 = arith.constant 7 : i32
          %get3A_522 = arith.index_cast %get3A_521 : i32 to index
          %get3A_523 = arith.constant 0 : index
          %get3A_524 = tpu.vector_load %arg9[%get3A_522, %get3A_523] {strides = array<i32>} : memref<64x16xf32, #tpu.memory_space<vmem>>, vector<16xf32>,
          tpu.vector_store_idx %arg7[%add3A_476, %broadcast_in_dim3A_520], %get3A_524 masked %eq3A_470 {add = true} : memref<256x128xf32, #tpu.memory_space<vmem>>[vector<16xi32>, vector<16xi32>], vector<16xf32>, vector<16xi1>
          %broadcast_in_dim3A_525 = arith.constant 8 : i32
          %broadcast_in_dim3A_526 = vector.broadcast %broadcast_in_dim3A_525 : i32 to vector<16xi32>
          %get3A_527 = arith.constant 8 : i32
          %get3A_528 = arith.index_cast %get3A_527 : i32 to index
          %get3A_529 = arith.constant 0 : index
          %get3A_530 = tpu.vector_load %arg9[%get3A_528, %get3A_529] {strides = array<i32>} : memref<64x16xf32, #tpu.memory_space<vmem>>, vector<16xf32>,
          tpu.vector_store_idx %arg7[%add3A_476, %broadcast_in_dim3A_526], %get3A_530 masked %eq3A_470 {add = true} : memref<256x128xf32, #tpu.memory_space<vmem>>[vector<16xi32>, vector<16xi32>], vector<16xf32>, vector<16xi1>
          %broadcast_in_dim3A_531 = arith.constant 9 : i32
          %broadcast_in_dim3A_532 = vector.broadcast %broadcast_in_dim3A_531 : i32 to vector<16xi32>
          %get3A_533 = arith.constant 9 : i32
          %get3A_534 = arith.index_cast %get3A_533 : i32 to index
          %get3A_535 = arith.constant 0 : index
          %get3A_536 = tpu.vector_load %arg9[%get3A_534, %get3A_535] {strides = array<i32>} : memref<64x16xf32, #tpu.memory_space<vmem>>, vector<16xf32>,
          tpu.vector_store_idx %arg7[%add3A_476, %broadcast_in_dim3A_532], %get3A_536 masked %eq3A_470 {add = true} : memref<256x128xf32, #tpu.memory_space<vmem>>[vector<16xi32>, vector<16xi32>], vector<16xf32>, vector<16xi1>
          %broadcast_in_dim3A_537 = arith.constant 10 : i32
          %broadcast_in_dim3A_538 = vector.broadcast %broadcast_in_dim3A_537 : i32 to vector<16xi32>
          %get3A_539 = arith.constant 10 : i32
          %get3A_540 = arith.index_cast %get3A_539 : i32 to index
          %get3A_541 = arith.constant 0 : index
          %get3A_542 = tpu.vector_load %arg9[%get3A_540, %get3A_541] {strides = array<i32>} : memref<64x16xf32, #tpu.memory_space<vmem>>, vector<16xf32>,
          tpu.vector_store_idx %arg7[%add3A_476, %broadcast_in_dim3A_538], %get3A_542 masked %eq3A_470 {add = true} : memref<256x128xf32, #tpu.memory_space<vmem>>[vector<16xi32>, vector<16xi32>], vector<16xf32>, vector<16xi1>
          %broadcast_in_dim3A_543 = arith.constant 11 : i32
          %broadcast_in_dim3A_544 = vector.broadcast %broadcast_in_dim3A_543 : i32 to vector<16xi32>
          %get3A_545 = arith.constant 11 : i32
          %get3A_546 = arith.index_cast %get3A_545 : i32 to index
          %get3A_547 = arith.constant 0 : index
          %get3A_548 = tpu.vector_load %arg9[%get3A_546, %get3A_547] {strides = array<i32>} : memref<64x16xf32, #tpu.memory_space<vmem>>, vector<16xf32>,
          tpu.vector_store_idx %arg7[%add3A_476, %broadcast_in_dim3A_544], %get3A_548 masked %eq3A_470 {add = true} : memref<256x128xf32, #tpu.memory_space<vmem>>[vector<16xi32>, vector<16xi32>], vector<16xf32>, vector<16xi1>
          %broadcast_in_dim3A_549 = arith.constant 12 : i32
          %broadcast_in_dim3A_550 = vector.broadcast %broadcast_in_dim3A_549 : i32 to vector<16xi32>
          %get3A_551 = arith.constant 12 : i32
          %get3A_552 = arith.index_cast %get3A_551 : i32 to index
          %get3A_553 = arith.constant 0 : index
          %get3A_554 = tpu.vector_load %arg9[%get3A_552, %get3A_553] {strides = array<i32>} : memref<64x16xf32, #tpu.memory_space<vmem>>, vector<16xf32>,
          tpu.vector_store_idx %arg7[%add3A_476, %broadcast_in_dim3A_550], %get3A_554 masked %eq3A_470 {add = true} : memref<256x128xf32, #tpu.memory_space<vmem>>[vector<16xi32>, vector<16xi32>], vector<16xf32>, vector<16xi1>
          %broadcast_in_dim3A_555 = arith.constant 13 : i32
          %broadcast_in_dim3A_556 = vector.broadcast %broadcast_in_dim3A_555 : i32 to vector<16xi32>
          %get3A_557 = arith.constant 13 : i32
          %get3A_558 = arith.index_cast %get3A_557 : i32 to index
          %get3A_559 = arith.constant 0 : index
          %get3A_560 = tpu.vector_load %arg9[%get3A_558, %get3A_559] {strides = array<i32>} : memref<64x16xf32, #tpu.memory_space<vmem>>, vector<16xf32>,
          tpu.vector_store_idx %arg7[%add3A_476, %broadcast_in_dim3A_556], %get3A_560 masked %eq3A_470 {add = true} : memref<256x128xf32, #tpu.memory_space<vmem>>[vector<16xi32>, vector<16xi32>], vector<16xf32>, vector<16xi1>
          %broadcast_in_dim3A_561 = arith.constant 14 : i32
          %broadcast_in_dim3A_562 = vector.broadcast %broadcast_in_dim3A_561 : i32 to vector<16xi32>
          %get3A_563 = arith.constant 14 : i32
          %get3A_564 = arith.index_cast %get3A_563 : i32 to index
          %get3A_565 = arith.constant 0 : index
          %get3A_566 = tpu.vector_load %arg9[%get3A_564, %get3A_565] {strides = array<i32>} : memref<64x16xf32, #tpu.memory_space<vmem>>, vector<16xf32>,
          tpu.vector_store_idx %arg7[%add3A_476, %broadcast_in_dim3A_562], %get3A_566 masked %eq3A_470 {add = true} : memref<256x128xf32, #tpu.memory_space<vmem>>[vector<16xi32>, vector<16xi32>], vector<16xf32>, vector<16xi1>
          %broadcast_in_dim3A_567 = arith.constant 15 : i32
          %broadcast_in_dim3A_568 = vector.broadcast %broadcast_in_dim3A_567 : i32 to vector<16xi32>
          %get3A_569 = arith.constant 15 : i32
          %get3A_570 = arith.index_cast %get3A_569 : i32 to index
          %get3A_571 = arith.constant 0 : index
          %get3A_572 = tpu.vector_load %arg9[%get3A_570, %get3A_571] {strides = array<i32>} : memref<64x16xf32, #tpu.memory_space<vmem>>, vector<16xf32>,
          tpu.vector_store_idx %arg7[%add3A_476, %broadcast_in_dim3A_568], %get3A_572 masked %eq3A_470 {add = true} : memref<256x128xf32, #tpu.memory_space<vmem>>[vector<16xi32>, vector<16xi32>], vector<16xf32>, vector<16xi1>
          %broadcast_in_dim3A_573 = arith.constant 16 : i32
          %broadcast_in_dim3A_574 = vector.broadcast %broadcast_in_dim3A_573 : i32 to vector<16xi32>
          %get3A_575 = arith.constant 16 : i32
          %get3A_576 = arith.index_cast %get3A_575 : i32 to index
          %get3A_577 = arith.constant 0 : index
          %get3A_578 = tpu.vector_load %arg9[%get3A_576, %get3A_577] {strides = array<i32>} : memref<64x16xf32, #tpu.memory_space<vmem>>, vector<16xf32>,
          tpu.vector_store_idx %arg7[%add3A_476, %broadcast_in_dim3A_574], %get3A_578 masked %eq3A_470 {add = true} : memref<256x128xf32, #tpu.memory_space<vmem>>[vector<16xi32>, vector<16xi32>], vector<16xf32>, vector<16xi1>
          %broadcast_in_dim3A_579 = arith.constant 17 : i32
          %broadcast_in_dim3A_580 = vector.broadcast %broadcast_in_dim3A_579 : i32 to vector<16xi32>
          %get3A_581 = arith.constant 17 : i32
          %get3A_582 = arith.index_cast %get3A_581 : i32 to index
          %get3A_583 = arith.constant 0 : index
          %get3A_584 = tpu.vector_load %arg9[%get3A_582, %get3A_583] {strides = array<i32>} : memref<64x16xf32, #tpu.memory_space<vmem>>, vector<16xf32>,
          tpu.vector_store_idx %arg7[%add3A_476, %broadcast_in_dim3A_580], %get3A_584 masked %eq3A_470 {add = true} : memref<256x128xf32, #tpu.memory_space<vmem>>[vector<16xi32>, vector<16xi32>], vector<16xf32>, vector<16xi1>
          %broadcast_in_dim3A_585 = arith.constant 18 : i32
          %broadcast_in_dim3A_586 = vector.broadcast %broadcast_in_dim3A_585 : i32 to vector<16xi32>
          %get3A_587 = arith.constant 18 : i32
          %get3A_588 = arith.index_cast %get3A_587 : i32 to index
          %get3A_589 = arith.constant 0 : index
          %get3A_590 = tpu.vector_load %arg9[%get3A_588, %get3A_589] {strides = array<i32>} : memref<64x16xf32, #tpu.memory_space<vmem>>, vector<16xf32>,
          tpu.vector_store_idx %arg7[%add3A_476, %broadcast_in_dim3A_586], %get3A_590 masked %eq3A_470 {add = true} : memref<256x128xf32, #tpu.memory_space<vmem>>[vector<16xi32>, vector<16xi32>], vector<16xf32>, vector<16xi1>
          %broadcast_in_dim3A_591 = arith.constant 19 : i32
          %broadcast_in_dim3A_592 = vector.broadcast %broadcast_in_dim3A_591 : i32 to vector<16xi32>
          %get3A_593 = arith.constant 19 : i32
          %get3A_594 = arith.index_cast %get3A_593 : i32 to index
          %get3A_595 = arith.constant 0 : index
          %get3A_596 = tpu.vector_load %arg9[%get3A_594, %get3A_595] {strides = array<i32>} : memref<64x16xf32, #tpu.memory_space<vmem>>, vector<16xf32>,
          tpu.vector_store_idx %arg7[%add3A_476, %broadcast_in_dim3A_592], %get3A_596 masked %eq3A_470 {add = true} : memref<256x128xf32, #tpu.memory_space<vmem>>[vector<16xi32>, vector<16xi32>], vector<16xf32>, vector<16xi1>
          %broadcast_in_dim3A_597 = arith.constant 20 : i32
          %broadcast_in_dim3A_598 = vector.broadcast %broadcast_in_dim3A_597 : i32 to vector<16xi32>
          %get3A_599 = arith.constant 20 : i32
          %get3A_600 = arith.index_cast %get3A_599 : i32 to index
          %get3A_601 = arith.constant 0 : index
          %get3A_602 = tpu.vector_load %arg9[%get3A_600, %get3A_601] {strides = array<i32>} : memref<64x16xf32, #tpu.memory_space<vmem>>, vector<16xf32>,
          tpu.vector_store_idx %arg7[%add3A_476, %broadcast_in_dim3A_598], %get3A_602 masked %eq3A_470 {add = true} : memref<256x128xf32, #tpu.memory_space<vmem>>[vector<16xi32>, vector<16xi32>], vector<16xf32>, vector<16xi1>
          %broadcast_in_dim3A_603 = arith.constant 21 : i32
          %broadcast_in_dim3A_604 = vector.broadcast %broadcast_in_dim3A_603 : i32 to vector<16xi32>
          %get3A_605 = arith.constant 21 : i32
          %get3A_606 = arith.index_cast %get3A_605 : i32 to index
          %get3A_607 = arith.constant 0 : index
          %get3A_608 = tpu.vector_load %arg9[%get3A_606, %get3A_607] {strides = array<i32>} : memref<64x16xf32, #tpu.memory_space<vmem>>, vector<16xf32>,
          tpu.vector_store_idx %arg7[%add3A_476, %broadcast_in_dim3A_604], %get3A_608 masked %eq3A_470 {add = true} : memref<256x128xf32, #tpu.memory_space<vmem>>[vector<16xi32>, vector<16xi32>], vector<16xf32>, vector<16xi1>
          %broadcast_in_dim3A_609 = arith.constant 22 : i32
          %broadcast_in_dim3A_610 = vector.broadcast %broadcast_in_dim3A_609 : i32 to vector<16xi32>
          %get3A_611 = arith.constant 22 : i32
          %get3A_612 = arith.index_cast %get3A_611 : i32 to index
          %get3A_613 = arith.constant 0 : index
          %get3A_614 = tpu.vector_load %arg9[%get3A_612, %get3A_613] {strides = array<i32>} : memref<64x16xf32, #tpu.memory_space<vmem>>, vector<16xf32>,
          tpu.vector_store_idx %arg7[%add3A_476, %broadcast_in_dim3A_610], %get3A_614 masked %eq3A_470 {add = true} : memref<256x128xf32, #tpu.memory_space<vmem>>[vector<16xi32>, vector<16xi32>], vector<16xf32>, vector<16xi1>
          %broadcast_in_dim3A_615 = arith.constant 23 : i32
          %broadcast_in_dim3A_616 = vector.broadcast %broadcast_in_dim3A_615 : i32 to vector<16xi32>
          %get3A_617 = arith.constant 23 : i32
          %get3A_618 = arith.index_cast %get3A_617 : i32 to index
          %get3A_619 = arith.constant 0 : index
          %get3A_620 = tpu.vector_load %arg9[%get3A_618, %get3A_619] {strides = array<i32>} : memref<64x16xf32, #tpu.memory_space<vmem>>, vector<16xf32>,
          tpu.vector_store_idx %arg7[%add3A_476, %broadcast_in_dim3A_616], %get3A_620 masked %eq3A_470 {add = true} : memref<256x128xf32, #tpu.memory_space<vmem>>[vector<16xi32>, vector<16xi32>], vector<16xf32>, vector<16xi1>
          %broadcast_in_dim3A_621 = arith.constant 24 : i32
          %broadcast_in_dim3A_622 = vector.broadcast %broadcast_in_dim3A_621 : i32 to vector<16xi32>
          %get3A_623 = arith.constant 24 : i32
          %get3A_624 = arith.index_cast %get3A_623 : i32 to index
          %get3A_625 = arith.constant 0 : index
          %get3A_626 = tpu.vector_load %arg9[%get3A_624, %get3A_625] {strides = array<i32>} : memref<64x16xf32, #tpu.memory_space<vmem>>, vector<16xf32>,
          tpu.vector_store_idx %arg7[%add3A_476, %broadcast_in_dim3A_622], %get3A_626 masked %eq3A_470 {add = true} : memref<256x128xf32, #tpu.memory_space<vmem>>[vector<16xi32>, vector<16xi32>], vector<16xf32>, vector<16xi1>
          %broadcast_in_dim3A_627 = arith.constant 25 : i32
          %broadcast_in_dim3A_628 = vector.broadcast %broadcast_in_dim3A_627 : i32 to vector<16xi32>
          %get3A_629 = arith.constant 25 : i32
          %get3A_630 = arith.index_cast %get3A_629 : i32 to index
          %get3A_631 = arith.constant 0 : index
          %get3A_632 = tpu.vector_load %arg9[%get3A_630, %get3A_631] {strides = array<i32>} : memref<64x16xf32, #tpu.memory_space<vmem>>, vector<16xf32>,
          tpu.vector_store_idx %arg7[%add3A_476, %broadcast_in_dim3A_628], %get3A_632 masked %eq3A_470 {add = true} : memref<256x128xf32, #tpu.memory_space<vmem>>[vector<16xi32>, vector<16xi32>], vector<16xf32>, vector<16xi1>
          %broadcast_in_dim3A_633 = arith.constant 26 : i32
          %broadcast_in_dim3A_634 = vector.broadcast %broadcast_in_dim3A_633 : i32 to vector<16xi32>
          %get3A_635 = arith.constant 26 : i32
          %get3A_636 = arith.index_cast %get3A_635 : i32 to index
          %get3A_637 = arith.constant 0 : index
          %get3A_638 = tpu.vector_load %arg9[%get3A_636, %get3A_637] {strides = array<i32>} : memref<64x16xf32, #tpu.memory_space<vmem>>, vector<16xf32>,
          tpu.vector_store_idx %arg7[%add3A_476, %broadcast_in_dim3A_634], %get3A_638 masked %eq3A_470 {add = true} : memref<256x128xf32, #tpu.memory_space<vmem>>[vector<16xi32>, vector<16xi32>], vector<16xf32>, vector<16xi1>
          %broadcast_in_dim3A_639 = arith.constant 27 : i32
          %broadcast_in_dim3A_640 = vector.broadcast %broadcast_in_dim3A_639 : i32 to vector<16xi32>
          %get3A_641 = arith.constant 27 : i32
          %get3A_642 = arith.index_cast %get3A_641 : i32 to index
          %get3A_643 = arith.constant 0 : index
          %get3A_644 = tpu.vector_load %arg9[%get3A_642, %get3A_643] {strides = array<i32>} : memref<64x16xf32, #tpu.memory_space<vmem>>, vector<16xf32>,
          tpu.vector_store_idx %arg7[%add3A_476, %broadcast_in_dim3A_640], %get3A_644 masked %eq3A_470 {add = true} : memref<256x128xf32, #tpu.memory_space<vmem>>[vector<16xi32>, vector<16xi32>], vector<16xf32>, vector<16xi1>
          %broadcast_in_dim3A_645 = arith.constant 28 : i32
          %broadcast_in_dim3A_646 = vector.broadcast %broadcast_in_dim3A_645 : i32 to vector<16xi32>
          %get3A_647 = arith.constant 28 : i32
          %get3A_648 = arith.index_cast %get3A_647 : i32 to index
          %get3A_649 = arith.constant 0 : index
          %get3A_650 = tpu.vector_load %arg9[%get3A_648, %get3A_649] {strides = array<i32>} : memref<64x16xf32, #tpu.memory_space<vmem>>, vector<16xf32>,
          tpu.vector_store_idx %arg7[%add3A_476, %broadcast_in_dim3A_646], %get3A_650 masked %eq3A_470 {add = true} : memref<256x128xf32, #tpu.memory_space<vmem>>[vector<16xi32>, vector<16xi32>], vector<16xf32>, vector<16xi1>
          %broadcast_in_dim3A_651 = arith.constant 29 : i32
          %broadcast_in_dim3A_652 = vector.broadcast %broadcast_in_dim3A_651 : i32 to vector<16xi32>
          %get3A_653 = arith.constant 29 : i32
          %get3A_654 = arith.index_cast %get3A_653 : i32 to index
          %get3A_655 = arith.constant 0 : index
          %get3A_656 = tpu.vector_load %arg9[%get3A_654, %get3A_655] {strides = array<i32>} : memref<64x16xf32, #tpu.memory_space<vmem>>, vector<16xf32>,
          tpu.vector_store_idx %arg7[%add3A_476, %broadcast_in_dim3A_652], %get3A_656 masked %eq3A_470 {add = true} : memref<256x128xf32, #tpu.memory_space<vmem>>[vector<16xi32>, vector<16xi32>], vector<16xf32>, vector<16xi1>
          %broadcast_in_dim3A_657 = arith.constant 30 : i32
          %broadcast_in_dim3A_658 = vector.broadcast %broadcast_in_dim3A_657 : i32 to vector<16xi32>
          %get3A_659 = arith.constant 30 : i32
          %get3A_660 = arith.index_cast %get3A_659 : i32 to index
          %get3A_661 = arith.constant 0 : index
          %get3A_662 = tpu.vector_load %arg9[%get3A_660, %get3A_661] {strides = array<i32>} : memref<64x16xf32, #tpu.memory_space<vmem>>, vector<16xf32>,
          tpu.vector_store_idx %arg7[%add3A_476, %broadcast_in_dim3A_658], %get3A_662 masked %eq3A_470 {add = true} : memref<256x128xf32, #tpu.memory_space<vmem>>[vector<16xi32>, vector<16xi32>], vector<16xf32>, vector<16xi1>
          %broadcast_in_dim3A_663 = arith.constant 31 : i32
          %broadcast_in_dim3A_664 = vector.broadcast %broadcast_in_dim3A_663 : i32 to vector<16xi32>
          %get3A_665 = arith.constant 31 : i32
          %get3A_666 = arith.index_cast %get3A_665 : i32 to index
          %get3A_667 = arith.constant 0 : index
          %get3A_668 = tpu.vector_load %arg9[%get3A_666, %get3A_667] {strides = array<i32>} : memref<64x16xf32, #tpu.memory_space<vmem>>, vector<16xf32>,
          tpu.vector_store_idx %arg7[%add3A_476, %broadcast_in_dim3A_664], %get3A_668 masked %eq3A_470 {add = true} : memref<256x128xf32, #tpu.memory_space<vmem>>[vector<16xi32>, vector<16xi32>], vector<16xf32>, vector<16xi1>
          %broadcast_in_dim3A_669 = arith.constant 32 : i32
          %broadcast_in_dim3A_670 = vector.broadcast %broadcast_in_dim3A_669 : i32 to vector<16xi32>
          %get3A_671 = arith.constant 32 : i32
          %get3A_672 = arith.index_cast %get3A_671 : i32 to index
          %get3A_673 = arith.constant 0 : index
          %get3A_674 = tpu.vector_load %arg9[%get3A_672, %get3A_673] {strides = array<i32>} : memref<64x16xf32, #tpu.memory_space<vmem>>, vector<16xf32>,
          tpu.vector_store_idx %arg7[%add3A_476, %broadcast_in_dim3A_670], %get3A_674 masked %eq3A_470 {add = true} : memref<256x128xf32, #tpu.memory_space<vmem>>[vector<16xi32>, vector<16xi32>], vector<16xf32>, vector<16xi1>
          %broadcast_in_dim3A_675 = arith.constant 33 : i32
          %broadcast_in_dim3A_676 = vector.broadcast %broadcast_in_dim3A_675 : i32 to vector<16xi32>
          %get3A_677 = arith.constant 33 : i32
          %get3A_678 = arith.index_cast %get3A_677 : i32 to index
          %get3A_679 = arith.constant 0 : index
          %get3A_680 = tpu.vector_load %arg9[%get3A_678, %get3A_679] {strides = array<i32>} : memref<64x16xf32, #tpu.memory_space<vmem>>, vector<16xf32>,
          tpu.vector_store_idx %arg7[%add3A_476, %broadcast_in_dim3A_676], %get3A_680 masked %eq3A_470 {add = true} : memref<256x128xf32, #tpu.memory_space<vmem>>[vector<16xi32>, vector<16xi32>], vector<16xf32>, vector<16xi1>
          %broadcast_in_dim3A_681 = arith.constant 34 : i32
          %broadcast_in_dim3A_682 = vector.broadcast %broadcast_in_dim3A_681 : i32 to vector<16xi32>
          %get3A_683 = arith.constant 34 : i32
          %get3A_684 = arith.index_cast %get3A_683 : i32 to index
          %get3A_685 = arith.constant 0 : index
          %get3A_686 = tpu.vector_load %arg9[%get3A_684, %get3A_685] {strides = array<i32>} : memref<64x16xf32, #tpu.memory_space<vmem>>, vector<16xf32>,
          tpu.vector_store_idx %arg7[%add3A_476, %broadcast_in_dim3A_682], %get3A_686 masked %eq3A_470 {add = true} : memref<256x128xf32, #tpu.memory_space<vmem>>[vector<16xi32>, vector<16xi32>], vector<16xf32>, vector<16xi1>
          %broadcast_in_dim3A_687 = arith.constant 35 : i32
          %broadcast_in_dim3A_688 = vector.broadcast %broadcast_in_dim3A_687 : i32 to vector<16xi32>
          %get3A_689 = arith.constant 35 : i32
          %get3A_690 = arith.index_cast %get3A_689 : i32 to index
          %get3A_691 = arith.constant 0 : index
          %get3A_692 = tpu.vector_load %arg9[%get3A_690, %get3A_691] {strides = array<i32>} : memref<64x16xf32, #tpu.memory_space<vmem>>, vector<16xf32>,
          tpu.vector_store_idx %arg7[%add3A_476, %broadcast_in_dim3A_688], %get3A_692 masked %eq3A_470 {add = true} : memref<256x128xf32, #tpu.memory_space<vmem>>[vector<16xi32>, vector<16xi32>], vector<16xf32>, vector<16xi1>
          %broadcast_in_dim3A_693 = arith.constant 36 : i32
          %broadcast_in_dim3A_694 = vector.broadcast %broadcast_in_dim3A_693 : i32 to vector<16xi32>
          %get3A_695 = arith.constant 36 : i32
          %get3A_696 = arith.index_cast %get3A_695 : i32 to index
          %get3A_697 = arith.constant 0 : index
          %get3A_698 = tpu.vector_load %arg9[%get3A_696, %get3A_697] {strides = array<i32>} : memref<64x16xf32, #tpu.memory_space<vmem>>, vector<16xf32>,
          tpu.vector_store_idx %arg7[%add3A_476, %broadcast_in_dim3A_694], %get3A_698 masked %eq3A_470 {add = true} : memref<256x128xf32, #tpu.memory_space<vmem>>[vector<16xi32>, vector<16xi32>], vector<16xf32>, vector<16xi1>
          %broadcast_in_dim3A_699 = arith.constant 37 : i32
          %broadcast_in_dim3A_700 = vector.broadcast %broadcast_in_dim3A_699 : i32 to vector<16xi32>
          %get3A_701 = arith.constant 37 : i32
          %get3A_702 = arith.index_cast %get3A_701 : i32 to index
          %get3A_703 = arith.constant 0 : index
          %get3A_704 = tpu.vector_load %arg9[%get3A_702, %get3A_703] {strides = array<i32>} : memref<64x16xf32, #tpu.memory_space<vmem>>, vector<16xf32>,
          tpu.vector_store_idx %arg7[%add3A_476, %broadcast_in_dim3A_700], %get3A_704 masked %eq3A_470 {add = true} : memref<256x128xf32, #tpu.memory_space<vmem>>[vector<16xi32>, vector<16xi32>], vector<16xf32>, vector<16xi1>
          %broadcast_in_dim3A_705 = arith.constant 38 : i32
          %broadcast_in_dim3A_706 = vector.broadcast %broadcast_in_dim3A_705 : i32 to vector<16xi32>
          %get3A_707 = arith.constant 38 : i32
          %get3A_708 = arith.index_cast %get3A_707 : i32 to index
          %get3A_709 = arith.constant 0 : index
          %get3A_710 = tpu.vector_load %arg9[%get3A_708, %get3A_709] {strides = array<i32>} : memref<64x16xf32, #tpu.memory_space<vmem>>, vector<16xf32>,
          tpu.vector_store_idx %arg7[%add3A_476, %broadcast_in_dim3A_706], %get3A_710 masked %eq3A_470 {add = true} : memref<256x128xf32, #tpu.memory_space<vmem>>[vector<16xi32>, vector<16xi32>], vector<16xf32>, vector<16xi1>
          %broadcast_in_dim3A_711 = arith.constant 39 : i32
          %broadcast_in_dim3A_712 = vector.broadcast %broadcast_in_dim3A_711 : i32 to vector<16xi32>
          %get3A_713 = arith.constant 39 : i32
          %get3A_714 = arith.index_cast %get3A_713 : i32 to index
          %get3A_715 = arith.constant 0 : index
          %get3A_716 = tpu.vector_load %arg9[%get3A_714, %get3A_715] {strides = array<i32>} : memref<64x16xf32, #tpu.memory_space<vmem>>, vector<16xf32>,
          tpu.vector_store_idx %arg7[%add3A_476, %broadcast_in_dim3A_712], %get3A_716 masked %eq3A_470 {add = true} : memref<256x128xf32, #tpu.memory_space<vmem>>[vector<16xi32>, vector<16xi32>], vector<16xf32>, vector<16xi1>
          %broadcast_in_dim3A_717 = arith.constant 40 : i32
          %broadcast_in_dim3A_718 = vector.broadcast %broadcast_in_dim3A_717 : i32 to vector<16xi32>
          %get3A_719 = arith.constant 40 : i32
          %get3A_720 = arith.index_cast %get3A_719 : i32 to index
          %get3A_721 = arith.constant 0 : index
          %get3A_722 = tpu.vector_load %arg9[%get3A_720, %get3A_721] {strides = array<i32>} : memref<64x16xf32, #tpu.memory_space<vmem>>, vector<16xf32>,
          tpu.vector_store_idx %arg7[%add3A_476, %broadcast_in_dim3A_718], %get3A_722 masked %eq3A_470 {add = true} : memref<256x128xf32, #tpu.memory_space<vmem>>[vector<16xi32>, vector<16xi32>], vector<16xf32>, vector<16xi1>
          %broadcast_in_dim3A_723 = arith.constant 41 : i32
          %broadcast_in_dim3A_724 = vector.broadcast %broadcast_in_dim3A_723 : i32 to vector<16xi32>
          %get3A_725 = arith.constant 41 : i32
          %get3A_726 = arith.index_cast %get3A_725 : i32 to index
          %get3A_727 = arith.constant 0 : index
          %get3A_728 = tpu.vector_load %arg9[%get3A_726, %get3A_727] {strides = array<i32>} : memref<64x16xf32, #tpu.memory_space<vmem>>, vector<16xf32>,
          tpu.vector_store_idx %arg7[%add3A_476, %broadcast_in_dim3A_724], %get3A_728 masked %eq3A_470 {add = true} : memref<256x128xf32, #tpu.memory_space<vmem>>[vector<16xi32>, vector<16xi32>], vector<16xf32>, vector<16xi1>
          %broadcast_in_dim3A_729 = arith.constant 42 : i32
          %broadcast_in_dim3A_730 = vector.broadcast %broadcast_in_dim3A_729 : i32 to vector<16xi32>
          %get3A_731 = arith.constant 42 : i32
          %get3A_732 = arith.index_cast %get3A_731 : i32 to index
          %get3A_733 = arith.constant 0 : index
          %get3A_734 = tpu.vector_load %arg9[%get3A_732, %get3A_733] {strides = array<i32>} : memref<64x16xf32, #tpu.memory_space<vmem>>, vector<16xf32>,
          tpu.vector_store_idx %arg7[%add3A_476, %broadcast_in_dim3A_730], %get3A_734 masked %eq3A_470 {add = true} : memref<256x128xf32, #tpu.memory_space<vmem>>[vector<16xi32>, vector<16xi32>], vector<16xf32>, vector<16xi1>
          %broadcast_in_dim3A_735 = arith.constant 43 : i32
          %broadcast_in_dim3A_736 = vector.broadcast %broadcast_in_dim3A_735 : i32 to vector<16xi32>
          %get3A_737 = arith.constant 43 : i32
          %get3A_738 = arith.index_cast %get3A_737 : i32 to index
          %get3A_739 = arith.constant 0 : index
          %get3A_740 = tpu.vector_load %arg9[%get3A_738, %get3A_739] {strides = array<i32>} : memref<64x16xf32, #tpu.memory_space<vmem>>, vector<16xf32>,
          tpu.vector_store_idx %arg7[%add3A_476, %broadcast_in_dim3A_736], %get3A_740 masked %eq3A_470 {add = true} : memref<256x128xf32, #tpu.memory_space<vmem>>[vector<16xi32>, vector<16xi32>], vector<16xf32>, vector<16xi1>
          %broadcast_in_dim3A_741 = arith.constant 44 : i32
          %broadcast_in_dim3A_742 = vector.broadcast %broadcast_in_dim3A_741 : i32 to vector<16xi32>
          %get3A_743 = arith.constant 44 : i32
          %get3A_744 = arith.index_cast %get3A_743 : i32 to index
          %get3A_745 = arith.constant 0 : index
          %get3A_746 = tpu.vector_load %arg9[%get3A_744, %get3A_745] {strides = array<i32>} : memref<64x16xf32, #tpu.memory_space<vmem>>, vector<16xf32>,
          tpu.vector_store_idx %arg7[%add3A_476, %broadcast_in_dim3A_742], %get3A_746 masked %eq3A_470 {add = true} : memref<256x128xf32, #tpu.memory_space<vmem>>[vector<16xi32>, vector<16xi32>], vector<16xf32>, vector<16xi1>
          %broadcast_in_dim3A_747 = arith.constant 45 : i32
          %broadcast_in_dim3A_748 = vector.broadcast %broadcast_in_dim3A_747 : i32 to vector<16xi32>
          %get3A_749 = arith.constant 45 : i32
          %get3A_750 = arith.index_cast %get3A_749 : i32 to index
          %get3A_751 = arith.constant 0 : index
          %get3A_752 = tpu.vector_load %arg9[%get3A_750, %get3A_751] {strides = array<i32>} : memref<64x16xf32, #tpu.memory_space<vmem>>, vector<16xf32>,
          tpu.vector_store_idx %arg7[%add3A_476, %broadcast_in_dim3A_748], %get3A_752 masked %eq3A_470 {add = true} : memref<256x128xf32, #tpu.memory_space<vmem>>[vector<16xi32>, vector<16xi32>], vector<16xf32>, vector<16xi1>
          %broadcast_in_dim3A_753 = arith.constant 46 : i32
          %broadcast_in_dim3A_754 = vector.broadcast %broadcast_in_dim3A_753 : i32 to vector<16xi32>
          %get3A_755 = arith.constant 46 : i32
          %get3A_756 = arith.index_cast %get3A_755 : i32 to index
          %get3A_757 = arith.constant 0 : index
          %get3A_758 = tpu.vector_load %arg9[%get3A_756, %get3A_757] {strides = array<i32>} : memref<64x16xf32, #tpu.memory_space<vmem>>, vector<16xf32>,
          tpu.vector_store_idx %arg7[%add3A_476, %broadcast_in_dim3A_754], %get3A_758 masked %eq3A_470 {add = true} : memref<256x128xf32, #tpu.memory_space<vmem>>[vector<16xi32>, vector<16xi32>], vector<16xf32>, vector<16xi1>
          %broadcast_in_dim3A_759 = arith.constant 47 : i32
          %broadcast_in_dim3A_760 = vector.broadcast %broadcast_in_dim3A_759 : i32 to vector<16xi32>
          %get3A_761 = arith.constant 47 : i32
          %get3A_762 = arith.index_cast %get3A_761 : i32 to index
          %get3A_763 = arith.constant 0 : index
          %get3A_764 = tpu.vector_load %arg9[%get3A_762, %get3A_763] {strides = array<i32>} : memref<64x16xf32, #tpu.memory_space<vmem>>, vector<16xf32>,
          tpu.vector_store_idx %arg7[%add3A_476, %broadcast_in_dim3A_760], %get3A_764 masked %eq3A_470 {add = true} : memref<256x128xf32, #tpu.memory_space<vmem>>[vector<16xi32>, vector<16xi32>], vector<16xf32>, vector<16xi1>
          %broadcast_in_dim3A_765 = arith.constant 48 : i32
          %broadcast_in_dim3A_766 = vector.broadcast %broadcast_in_dim3A_765 : i32 to vector<16xi32>
          %get3A_767 = arith.constant 48 : i32
          %get3A_768 = arith.index_cast %get3A_767 : i32 to index
          %get3A_769 = arith.constant 0 : index
          %get3A_770 = tpu.vector_load %arg9[%get3A_768, %get3A_769] {strides = array<i32>} : memref<64x16xf32, #tpu.memory_space<vmem>>, vector<16xf32>,
          tpu.vector_store_idx %arg7[%add3A_476, %broadcast_in_dim3A_766], %get3A_770 masked %eq3A_470 {add = true} : memref<256x128xf32, #tpu.memory_space<vmem>>[vector<16xi32>, vector<16xi32>], vector<16xf32>, vector<16xi1>
          %broadcast_in_dim3A_771 = arith.constant 49 : i32
          %broadcast_in_dim3A_772 = vector.broadcast %broadcast_in_dim3A_771 : i32 to vector<16xi32>
          %get3A_773 = arith.constant 49 : i32
          %get3A_774 = arith.index_cast %get3A_773 : i32 to index
          %get3A_775 = arith.constant 0 : index
          %get3A_776 = tpu.vector_load %arg9[%get3A_774, %get3A_775] {strides = array<i32>} : memref<64x16xf32, #tpu.memory_space<vmem>>, vector<16xf32>,
          tpu.vector_store_idx %arg7[%add3A_476, %broadcast_in_dim3A_772], %get3A_776 masked %eq3A_470 {add = true} : memref<256x128xf32, #tpu.memory_space<vmem>>[vector<16xi32>, vector<16xi32>], vector<16xf32>, vector<16xi1>
          %broadcast_in_dim3A_777 = arith.constant 50 : i32
          %broadcast_in_dim3A_778 = vector.broadcast %broadcast_in_dim3A_777 : i32 to vector<16xi32>
          %get3A_779 = arith.constant 50 : i32
          %get3A_780 = arith.index_cast %get3A_779 : i32 to index
          %get3A_781 = arith.constant 0 : index
          %get3A_782 = tpu.vector_load %arg9[%get3A_780, %get3A_781] {strides = array<i32>} : memref<64x16xf32, #tpu.memory_space<vmem>>, vector<16xf32>,
          tpu.vector_store_idx %arg7[%add3A_476, %broadcast_in_dim3A_778], %get3A_782 masked %eq3A_470 {add = true} : memref<256x128xf32, #tpu.memory_space<vmem>>[vector<16xi32>, vector<16xi32>], vector<16xf32>, vector<16xi1>
          %broadcast_in_dim3A_783 = arith.constant 51 : i32
          %broadcast_in_dim3A_784 = vector.broadcast %broadcast_in_dim3A_783 : i32 to vector<16xi32>
          %get3A_785 = arith.constant 51 : i32
          %get3A_786 = arith.index_cast %get3A_785 : i32 to index
          %get3A_787 = arith.constant 0 : index
          %get3A_788 = tpu.vector_load %arg9[%get3A_786, %get3A_787] {strides = array<i32>} : memref<64x16xf32, #tpu.memory_space<vmem>>, vector<16xf32>,
          tpu.vector_store_idx %arg7[%add3A_476, %broadcast_in_dim3A_784], %get3A_788 masked %eq3A_470 {add = true} : memref<256x128xf32, #tpu.memory_space<vmem>>[vector<16xi32>, vector<16xi32>], vector<16xf32>, vector<16xi1>
          %broadcast_in_dim3A_789 = arith.constant 52 : i32
          %broadcast_in_dim3A_790 = vector.broadcast %broadcast_in_dim3A_789 : i32 to vector<16xi32>
          %get3A_791 = arith.constant 52 : i32
          %get3A_792 = arith.index_cast %get3A_791 : i32 to index
          %get3A_793 = arith.constant 0 : index
          %get3A_794 = tpu.vector_load %arg9[%get3A_792, %get3A_793] {strides = array<i32>} : memref<64x16xf32, #tpu.memory_space<vmem>>, vector<16xf32>,
          tpu.vector_store_idx %arg7[%add3A_476, %broadcast_in_dim3A_790], %get3A_794 masked %eq3A_470 {add = true} : memref<256x128xf32, #tpu.memory_space<vmem>>[vector<16xi32>, vector<16xi32>], vector<16xf32>, vector<16xi1>
          %broadcast_in_dim3A_795 = arith.constant 53 : i32
          %broadcast_in_dim3A_796 = vector.broadcast %broadcast_in_dim3A_795 : i32 to vector<16xi32>
          %get3A_797 = arith.constant 53 : i32
          %get3A_798 = arith.index_cast %get3A_797 : i32 to index
          %get3A_799 = arith.constant 0 : index
          %get3A_800 = tpu.vector_load %arg9[%get3A_798, %get3A_799] {strides = array<i32>} : memref<64x16xf32, #tpu.memory_space<vmem>>, vector<16xf32>,
          tpu.vector_store_idx %arg7[%add3A_476, %broadcast_in_dim3A_796], %get3A_800 masked %eq3A_470 {add = true} : memref<256x128xf32, #tpu.memory_space<vmem>>[vector<16xi32>, vector<16xi32>], vector<16xf32>, vector<16xi1>
          %broadcast_in_dim3A_801 = arith.constant 54 : i32
          %broadcast_in_dim3A_802 = vector.broadcast %broadcast_in_dim3A_801 : i32 to vector<16xi32>
          %get3A_803 = arith.constant 54 : i32
          %get3A_804 = arith.index_cast %get3A_803 : i32 to index
          %get3A_805 = arith.constant 0 : index
          %get3A_806 = tpu.vector_load %arg9[%get3A_804, %get3A_805] {strides = array<i32>} : memref<64x16xf32, #tpu.memory_space<vmem>>, vector<16xf32>,
          tpu.vector_store_idx %arg7[%add3A_476, %broadcast_in_dim3A_802], %get3A_806 masked %eq3A_470 {add = true} : memref<256x128xf32, #tpu.memory_space<vmem>>[vector<16xi32>, vector<16xi32>], vector<16xf32>, vector<16xi1>
          %broadcast_in_dim3A_807 = arith.constant 55 : i32
          %broadcast_in_dim3A_808 = vector.broadcast %broadcast_in_dim3A_807 : i32 to vector<16xi32>
          %get3A_809 = arith.constant 55 : i32
          %get3A_810 = arith.index_cast %get3A_809 : i32 to index
          %get3A_811 = arith.constant 0 : index
          %get3A_812 = tpu.vector_load %arg9[%get3A_810, %get3A_811] {strides = array<i32>} : memref<64x16xf32, #tpu.memory_space<vmem>>, vector<16xf32>,
          tpu.vector_store_idx %arg7[%add3A_476, %broadcast_in_dim3A_808], %get3A_812 masked %eq3A_470 {add = true} : memref<256x128xf32, #tpu.memory_space<vmem>>[vector<16xi32>, vector<16xi32>], vector<16xf32>, vector<16xi1>
          %broadcast_in_dim3A_813 = arith.constant 56 : i32
          %broadcast_in_dim3A_814 = vector.broadcast %broadcast_in_dim3A_813 : i32 to vector<16xi32>
          %get3A_815 = arith.constant 56 : i32
          %get3A_816 = arith.index_cast %get3A_815 : i32 to index
          %get3A_817 = arith.constant 0 : index
          %get3A_818 = tpu.vector_load %arg9[%get3A_816, %get3A_817] {strides = array<i32>} : memref<64x16xf32, #tpu.memory_space<vmem>>, vector<16xf32>,
          tpu.vector_store_idx %arg7[%add3A_476, %broadcast_in_dim3A_814], %get3A_818 masked %eq3A_470 {add = true} : memref<256x128xf32, #tpu.memory_space<vmem>>[vector<16xi32>, vector<16xi32>], vector<16xf32>, vector<16xi1>
          %broadcast_in_dim3A_819 = arith.constant 57 : i32
          %broadcast_in_dim3A_820 = vector.broadcast %broadcast_in_dim3A_819 : i32 to vector<16xi32>
          %get3A_821 = arith.constant 57 : i32
          %get3A_822 = arith.index_cast %get3A_821 : i32 to index
          %get3A_823 = arith.constant 0 : index
          %get3A_824 = tpu.vector_load %arg9[%get3A_822, %get3A_823] {strides = array<i32>} : memref<64x16xf32, #tpu.memory_space<vmem>>, vector<16xf32>,
          tpu.vector_store_idx %arg7[%add3A_476, %broadcast_in_dim3A_820], %get3A_824 masked %eq3A_470 {add = true} : memref<256x128xf32, #tpu.memory_space<vmem>>[vector<16xi32>, vector<16xi32>], vector<16xf32>, vector<16xi1>
          %broadcast_in_dim3A_825 = arith.constant 58 : i32
          %broadcast_in_dim3A_826 = vector.broadcast %broadcast_in_dim3A_825 : i32 to vector<16xi32>
          %get3A_827 = arith.constant 58 : i32
          %get3A_828 = arith.index_cast %get3A_827 : i32 to index
          %get3A_829 = arith.constant 0 : index
          %get3A_830 = tpu.vector_load %arg9[%get3A_828, %get3A_829] {strides = array<i32>} : memref<64x16xf32, #tpu.memory_space<vmem>>, vector<16xf32>,
          tpu.vector_store_idx %arg7[%add3A_476, %broadcast_in_dim3A_826], %get3A_830 masked %eq3A_470 {add = true} : memref<256x128xf32, #tpu.memory_space<vmem>>[vector<16xi32>, vector<16xi32>], vector<16xf32>, vector<16xi1>
          %broadcast_in_dim3A_831 = arith.constant 59 : i32
          %broadcast_in_dim3A_832 = vector.broadcast %broadcast_in_dim3A_831 : i32 to vector<16xi32>
          %get3A_833 = arith.constant 59 : i32
          %get3A_834 = arith.index_cast %get3A_833 : i32 to index
          %get3A_835 = arith.constant 0 : index
          %get3A_836 = tpu.vector_load %arg9[%get3A_834, %get3A_835] {strides = array<i32>} : memref<64x16xf32, #tpu.memory_space<vmem>>, vector<16xf32>,
          tpu.vector_store_idx %arg7[%add3A_476, %broadcast_in_dim3A_832], %get3A_836 masked %eq3A_470 {add = true} : memref<256x128xf32, #tpu.memory_space<vmem>>[vector<16xi32>, vector<16xi32>], vector<16xf32>, vector<16xi1>
          %broadcast_in_dim3A_837 = arith.constant 60 : i32
          %broadcast_in_dim3A_838 = vector.broadcast %broadcast_in_dim3A_837 : i32 to vector<16xi32>
          %get3A_839 = arith.constant 60 : i32
          %get3A_840 = arith.index_cast %get3A_839 : i32 to index
          %get3A_841 = arith.constant 0 : index
          %get3A_842 = tpu.vector_load %arg9[%get3A_840, %get3A_841] {strides = array<i32>} : memref<64x16xf32, #tpu.memory_space<vmem>>, vector<16xf32>,
          tpu.vector_store_idx %arg7[%add3A_476, %broadcast_in_dim3A_838], %get3A_842 masked %eq3A_470 {add = true} : memref<256x128xf32, #tpu.memory_space<vmem>>[vector<16xi32>, vector<16xi32>], vector<16xf32>, vector<16xi1>
          %broadcast_in_dim3A_843 = arith.constant 61 : i32
          %broadcast_in_dim3A_844 = vector.broadcast %broadcast_in_dim3A_843 : i32 to vector<16xi32>
          %get3A_845 = arith.constant 61 : i32
          %get3A_846 = arith.index_cast %get3A_845 : i32 to index
          %get3A_847 = arith.constant 0 : index
          %get3A_848 = tpu.vector_load %arg9[%get3A_846, %get3A_847] {strides = array<i32>} : memref<64x16xf32, #tpu.memory_space<vmem>>, vector<16xf32>,
          tpu.vector_store_idx %arg7[%add3A_476, %broadcast_in_dim3A_844], %get3A_848 masked %eq3A_470 {add = true} : memref<256x128xf32, #tpu.memory_space<vmem>>[vector<16xi32>, vector<16xi32>], vector<16xf32>, vector<16xi1>
          %broadcast_in_dim3A_849 = arith.constant 62 : i32
          %broadcast_in_dim3A_850 = vector.broadcast %broadcast_in_dim3A_849 : i32 to vector<16xi32>
          %get3A_851 = arith.constant 62 : i32
          %get3A_852 = arith.index_cast %get3A_851 : i32 to index
          %get3A_853 = arith.constant 0 : index
          %get3A_854 = tpu.vector_load %arg9[%get3A_852, %get3A_853] {strides = array<i32>} : memref<64x16xf32, #tpu.memory_space<vmem>>, vector<16xf32>,
          tpu.vector_store_idx %arg7[%add3A_476, %broadcast_in_dim3A_850], %get3A_854 masked %eq3A_470 {add = true} : memref<256x128xf32, #tpu.memory_space<vmem>>[vector<16xi32>, vector<16xi32>], vector<16xf32>, vector<16xi1>
          %broadcast_in_dim3A_855 = arith.constant 63 : i32
          %broadcast_in_dim3A_856 = vector.broadcast %broadcast_in_dim3A_855 : i32 to vector<16xi32>
          %get3A_857 = arith.constant 63 : i32
          %get3A_858 = arith.index_cast %get3A_857 : i32 to index
          %get3A_859 = arith.constant 0 : index
          %get3A_860 = tpu.vector_load %arg9[%get3A_858, %get3A_859] {strides = array<i32>} : memref<64x16xf32, #tpu.memory_space<vmem>>, vector<16xf32>,
          tpu.vector_store_idx %arg7[%add3A_476, %broadcast_in_dim3A_856], %get3A_860 masked %eq3A_470 {add = true} : memref<256x128xf32, #tpu.memory_space<vmem>>[vector<16xi32>, vector<16xi32>], vector<16xf32>, vector<16xi1>
          %scan3A_861 = arith.constant 0 : i32
          scf.yield %scan3A_861 : i32
        }
        %scan3A_456 = arith.constant 8 : i32
      } else {
      }
      %mul3A_231 = arith.constant 25600 : i32
      %mul3A_232 = arith.muli %add3A, %mul3A_231 : i32
      %mul3A_233 = arith.constant 256 : i32
      %mul3A_234 = arith.muli %mul3A_42, %mul3A_233 : i32
      %add3A_235 = arith.addi %mul3A_232, %mul3A_234 : i32
      %dma_start3A_236 = arith.constant 0 : i32
      %dma_start3A_237 = arith.constant 0 : i32
      %dma_start3A_238 = tpu.memref_slice %arg7[%dma_start3A_236, %dma_start3A_237] : memref<256x128xf32, #tpu.memory_space<vmem>> -> memref<256x64xf32, #tpu.memory_space<vmem>>
      %dma_start3A_239 = arith.constant 0 : i32
      %dma_start3A_240 = tpu.memref_slice %arg5[%add3A_235, %dma_start3A_239] : memref<819200x128xf32, #tpu.memory_space<hbm>> -> memref<256x64xf32, #tpu.memory_space<hbm>>
      %dma_start3A_241 = arith.constant 0 : i32
      %dma_start3A_242 = tpu.memref_slice %arg5[%add3A_235, %dma_start3A_241] : memref<819200x128xf32, #tpu.memory_space<hbm>> -> memref<256x64xf32, #tpu.memory_space<hbm>>
      %dma_start3A_243 = arith.constant 0 : i32
      %dma_start3A_244 = arith.constant 0 : i32
      %dma_start3A_245 = tpu.memref_slice %arg7[%dma_start3A_243, %dma_start3A_244] : memref<256x128xf32, #tpu.memory_space<vmem>> -> memref<256x64xf32, #tpu.memory_space<vmem>>
      tpu.enqueue_dma source(%dma_start3A_245 : memref<256x64xf32, #tpu.memory_space<vmem>>) target(%dma_start3A_242 : memref<256x64xf32, #tpu.memory_space<hbm>>) target_semaphore(%arg12 : memref<!tpu.dma_semaphore, #tpu.memory_space<semaphore_mem>>)
      %dma_wait3A_246 = arith.constant 0 : i32
      %dma_wait3A_247 = arith.constant 0 : i32
      %dma_wait3A_248 = tpu.memref_slice %arg7[%dma_wait3A_246, %dma_wait3A_247] : memref<256x128xf32, #tpu.memory_space<vmem>> -> memref<256x64xf32, #tpu.memory_space<vmem>>
      %dma_wait3A_249 = arith.constant 0 : i32
      %dma_wait3A_250 = arith.constant 0 : i32
      %dma_wait3A_251 = tpu.memref_slice %arg5[%dma_wait3A_249, %dma_wait3A_250] : memref<819200x128xf32, #tpu.memory_space<hbm>> -> memref<256x64xf32, #tpu.memory_space<hbm>>
      %dma_wait3A_252 = arith.constant 0 : i32
      %dma_wait3A_253 = arith.constant 0 : i32
      %dma_wait3A_254 = tpu.memref_slice %arg5[%dma_wait3A_252, %dma_wait3A_253] : memref<819200x128xf32, #tpu.memory_space<hbm>> -> memref<256x64xf32, #tpu.memory_space<hbm>>
      %dma_wait3A_255 = arith.constant 0 : i32
      %dma_wait3A_256 = arith.constant 0 : i32
      %dma_wait3A_257 = tpu.memref_slice %arg7[%dma_wait3A_255, %dma_wait3A_256] : memref<256x128xf32, #tpu.memory_space<vmem>> -> memref<256x64xf32, #tpu.memory_space<vmem>>
      tpu.wait_dma2 semaphore(%arg12 : memref<!tpu.dma_semaphore, #tpu.memory_space<semaphore_mem>>) src(%dma_wait3A_257 : memref<256x64xf32, #tpu.memory_space<vmem>>) dst(%dma_wait3A_254 : memref<256x64xf32, #tpu.memory_space<hbm>>)
      %lt3A = arith.constant 49 : i32
      %lt3A_258 = arith.cmpi slt, %scan3A_39, %lt3A : i32
      %convert_element_type3A_259 = arith.extui %lt3A_258 : i1 to i32
      %cond3A_260 = arith.constant 0 : i32
      %cond3A_261 = arith.cmpi ne, %convert_element_type3A_259, %cond3A_260 : i32
      scf.if %cond3A_261 {
        %add3A_443 = arith.constant 2 : i32
        %add3A_444 = arith.addi %mul3A_42, %add3A_443 : i32
        %mul3A_445 = arith.constant 2 : i32
        %mul3A_446 = arith.muli %add3A_444, %mul3A_445 : i32
        %add3A_447 = arith.constant 0 : i32
        %add3A_448 = arith.addi %mul3A_446, %add3A_447 : i32
        %dma_start3A_449 = arith.constant 0 : i32
        %dma_start3A_450 = arith.constant 0 : i32
        %dma_start3A_451 = tpu.memref_slice %arg7[%dma_start3A_449, %dma_start3A_450] : memref<256x128xf32, #tpu.memory_space<vmem>> -> memref<128x128xf32, #tpu.memory_space<vmem>>
        %dma_start3A_452 = arith.constant 0 : i32
        %dma_start3A_453 = tpu.memref_slice %arg6[%add3A_448, %dma_start3A_452] : memref<200x128xi32, #tpu.memory_space<vmem>> -> memref<1x128xi32, #tpu.memory_space<vmem>>
        %dma_start3A_454 = tpu.memref_squeeze %dma_start3A_453 : memref<1x128xi32, #tpu.memory_space<vmem>> -> memref<128xi32, #tpu.memory_space<vmem>>
        %dma_start3A_455 = arith.constant 0 : i32
        %dma_start3A_456 = arith.constant 0 : i32
        %dma_start3A_457 = tpu.memref_slice %arg3[%dma_start3A_455, %dma_start3A_456] : memref<1000000x128xf32, #tpu.memory_space<hbm>> -> memref<1000000x128xf32, #tpu.memory_space<hbm>>
        tpu.enqueue_indirect_dma source(%dma_start3A_457 : memref<1000000x128xf32, #tpu.memory_space<hbm>>) target(%dma_start3A_451 : memref<128x128xf32, #tpu.memory_space<vmem>>) offsets(%dma_start3A_454 : memref<128xi32, #tpu.memory_space<vmem>>) semaphore(%arg10 : memref<!tpu.dma_semaphore, #tpu.memory_space<semaphore_mem>>)
        %mul3A_458 = arith.constant 2 : i32
        %mul3A_459 = arith.muli %add3A_444, %mul3A_458 : i32
        %add3A_460 = arith.constant 1 : i32
        %add3A_461 = arith.addi %mul3A_459, %add3A_460 : i32
        %dma_start3A_462 = arith.constant 128 : i32
        %dma_start3A_463 = arith.constant 0 : i32
        %dma_start3A_464 = tpu.memref_slice %arg7[%dma_start3A_462, %dma_start3A_463] : memref<256x128xf32, #tpu.memory_space<vmem>> -> memref<128x128xf32, #tpu.memory_space<vmem>>
        %dma_start3A_465 = arith.constant 0 : i32
        %dma_start3A_466 = tpu.memref_slice %arg6[%add3A_461, %dma_start3A_465] : memref<200x128xi32, #tpu.memory_space<vmem>> -> memref<1x128xi32, #tpu.memory_space<vmem>>
        %dma_start3A_467 = tpu.memref_squeeze %dma_start3A_466 : memref<1x128xi32, #tpu.memory_space<vmem>> -> memref<128xi32, #tpu.memory_space<vmem>>
        %dma_start3A_468 = arith.constant 0 : i32
        %dma_start3A_469 = arith.constant 0 : i32
        %dma_start3A_470 = tpu.memref_slice %arg3[%dma_start3A_468, %dma_start3A_469] : memref<1000000x128xf32, #tpu.memory_space<hbm>> -> memref<1000000x128xf32, #tpu.memory_space<hbm>>
        tpu.enqueue_indirect_dma source(%dma_start3A_470 : memref<1000000x128xf32, #tpu.memory_space<hbm>>) target(%dma_start3A_464 : memref<128x128xf32, #tpu.memory_space<vmem>>) offsets(%dma_start3A_467 : memref<128xi32, #tpu.memory_space<vmem>>) semaphore(%arg10 : memref<!tpu.dma_semaphore, #tpu.memory_space<semaphore_mem>>)
      } else {
      }
      %dma_wait3A_262 = arith.constant 0 : i32
      %dma_wait3A_263 = arith.constant 0 : i32
      %dma_wait3A_264 = tpu.memref_slice %arg8[%dma_wait3A_262, %dma_wait3A_263] : memref<256x128xf32, #tpu.memory_space<vmem>> -> memref<128x128xf32, #tpu.memory_space<vmem>>
      %dma_wait3A_265 = arith.constant 0 : i32
      %dma_wait3A_266 = arith.constant 0 : i32
      %dma_wait3A_267 = tpu.memref_slice %arg3[%dma_wait3A_265, %dma_wait3A_266] : memref<1000000x128xf32, #tpu.memory_space<hbm>> -> memref<128x128xf32, #tpu.memory_space<hbm>>
      %dma_wait3A_268 = arith.constant 0 : i32
      %dma_wait3A_269 = arith.constant 0 : i32
      %dma_wait3A_270 = tpu.memref_slice %arg8[%dma_wait3A_268, %dma_wait3A_269] : memref<256x128xf32, #tpu.memory_space<vmem>> -> memref<128x128xf32, #tpu.memory_space<vmem>>
      %dma_wait3A_271 = arith.constant 0 : i32
      %dma_wait3A_272 = arith.constant 0 : i32
      %dma_wait3A_273 = tpu.memref_slice %arg3[%dma_wait3A_271, %dma_wait3A_272] : memref<1000000x128xf32, #tpu.memory_space<hbm>> -> memref<128x128xf32, #tpu.memory_space<hbm>>
      tpu.wait_dma2 semaphore(%arg11 : memref<!tpu.dma_semaphore, #tpu.memory_space<semaphore_mem>>) src(%dma_wait3A_273 : memref<128x128xf32, #tpu.memory_space<hbm>>) dst(%dma_wait3A_270 : memref<128x128xf32, #tpu.memory_space<vmem>>)
      %dma_wait3A_274 = arith.constant 128 : i32
      %dma_wait3A_275 = arith.constant 0 : i32
      %dma_wait3A_276 = tpu.memref_slice %arg8[%dma_wait3A_274, %dma_wait3A_275] : memref<256x128xf32, #tpu.memory_space<vmem>> -> memref<128x128xf32, #tpu.memory_space<vmem>>
      %dma_wait3A_277 = arith.constant 0 : i32
      %dma_wait3A_278 = arith.constant 0 : i32
      %dma_wait3A_279 = tpu.memref_slice %arg3[%dma_wait3A_277, %dma_wait3A_278] : memref<1000000x128xf32, #tpu.memory_space<hbm>> -> memref<128x128xf32, #tpu.memory_space<hbm>>
      %dma_wait3A_280 = arith.constant 128 : i32
      %dma_wait3A_281 = arith.constant 0 : i32
      %dma_wait3A_282 = tpu.memref_slice %arg8[%dma_wait3A_280, %dma_wait3A_281] : memref<256x128xf32, #tpu.memory_space<vmem>> -> memref<128x128xf32, #tpu.memory_space<vmem>>
      %dma_wait3A_283 = arith.constant 0 : i32
      %dma_wait3A_284 = arith.constant 0 : i32
      %dma_wait3A_285 = tpu.memref_slice %arg3[%dma_wait3A_283, %dma_wait3A_284] : memref<1000000x128xf32, #tpu.memory_space<hbm>> -> memref<128x128xf32, #tpu.memory_space<hbm>>
      tpu.wait_dma2 semaphore(%arg11 : memref<!tpu.dma_semaphore, #tpu.memory_space<semaphore_mem>>) src(%dma_wait3A_285 : memref<128x128xf32, #tpu.memory_space<hbm>>) dst(%dma_wait3A_282 : memref<128x128xf32, #tpu.memory_space<vmem>>)
      %broadcast_in_dim3A_286 = arith.constant 0 : i32
      %broadcast_in_dim3A_287 = vector.broadcast %broadcast_in_dim3A_286 : i32 to vector<16xi32>
      %mul3A_288 = arith.constant 2 : i32
      %mul3A_289 = arith.muli %add3A_44, %mul3A_288 : i32
      %add3A_290 = arith.constant 0 : i32
      %add3A_291 = arith.addi %mul3A_289, %add3A_290 : i32
      %get3A_292 = arith.index_cast %add3A_291 : i32 to index
      %get3A_293 = arith.constant 0 : index
      %get3A_294 = tpu.vector_load %arg6[%get3A_292, %get3A_293] {strides = array<i32>} : memref<200x128xi32, #tpu.memory_space<vmem>>, vector<16xi32>,
      %max3A_295 = arith.maxsi %broadcast_in_dim3A_287, %get3A_294 : vector<16xi32>
      %mul3A_296 = arith.constant 2 : i32
      %mul3A_297 = arith.muli %add3A_44, %mul3A_296 : i32
      %add3A_298 = arith.constant 0 : i32
      %add3A_299 = arith.addi %mul3A_297, %add3A_298 : i32
      %get3A_300 = arith.index_cast %add3A_299 : i32 to index
      %get3A_301 = arith.constant 16 : index
      %get3A_302 = tpu.vector_load %arg6[%get3A_300, %get3A_301] {strides = array<i32>} : memref<200x128xi32, #tpu.memory_space<vmem>>, vector<16xi32>,
      %max3A_303 = arith.maxsi %max3A_295, %get3A_302 : vector<16xi32>
      %mul3A_304 = arith.constant 2 : i32
      %mul3A_305 = arith.muli %add3A_44, %mul3A_304 : i32
      %add3A_306 = arith.constant 0 : i32
      %add3A_307 = arith.addi %mul3A_305, %add3A_306 : i32
      %get3A_308 = arith.index_cast %add3A_307 : i32 to index
      %get3A_309 = arith.constant 32 : index
      %get3A_310 = tpu.vector_load %arg6[%get3A_308, %get3A_309] {strides = array<i32>} : memref<200x128xi32, #tpu.memory_space<vmem>>, vector<16xi32>,
      %max3A_311 = arith.maxsi %max3A_303, %get3A_310 : vector<16xi32>
      %mul3A_312 = arith.constant 2 : i32
      %mul3A_313 = arith.muli %add3A_44, %mul3A_312 : i32
      %add3A_314 = arith.constant 0 : i32
      %add3A_315 = arith.addi %mul3A_313, %add3A_314 : i32
      %get3A_316 = arith.index_cast %add3A_315 : i32 to index
      %get3A_317 = arith.constant 48 : index
      %get3A_318 = tpu.vector_load %arg6[%get3A_316, %get3A_317] {strides = array<i32>} : memref<200x128xi32, #tpu.memory_space<vmem>>, vector<16xi32>,
      %max3A_319 = arith.maxsi %max3A_311, %get3A_318 : vector<16xi32>
      %mul3A_320 = arith.constant 2 : i32
      %mul3A_321 = arith.muli %add3A_44, %mul3A_320 : i32
      %add3A_322 = arith.constant 0 : i32
      %add3A_323 = arith.addi %mul3A_321, %add3A_322 : i32
      %get3A_324 = arith.index_cast %add3A_323 : i32 to index
      %get3A_325 = arith.constant 64 : index
      %get3A_326 = tpu.vector_load %arg6[%get3A_324, %get3A_325] {strides = array<i32>} : memref<200x128xi32, #tpu.memory_space<vmem>>, vector<16xi32>,
      %max3A_327 = arith.maxsi %max3A_319, %get3A_326 : vector<16xi32>
      %mul3A_328 = arith.constant 2 : i32
      %mul3A_329 = arith.muli %add3A_44, %mul3A_328 : i32
      %add3A_330 = arith.constant 0 : i32
      %add3A_331 = arith.addi %mul3A_329, %add3A_330 : i32
      %get3A_332 = arith.index_cast %add3A_331 : i32 to index
      %get3A_333 = arith.constant 80 : index
      %get3A_334 = tpu.vector_load %arg6[%get3A_332, %get3A_333] {strides = array<i32>} : memref<200x128xi32, #tpu.memory_space<vmem>>, vector<16xi32>,
      %max3A_335 = arith.maxsi %max3A_327, %get3A_334 : vector<16xi32>
      %mul3A_336 = arith.constant 2 : i32
      %mul3A_337 = arith.muli %add3A_44, %mul3A_336 : i32
      %add3A_338 = arith.constant 0 : i32
      %add3A_339 = arith.addi %mul3A_337, %add3A_338 : i32
      %get3A_340 = arith.index_cast %add3A_339 : i32 to index
      %get3A_341 = arith.constant 96 : index
      %get3A_342 = tpu.vector_load %arg6[%get3A_340, %get3A_341] {strides = array<i32>} : memref<200x128xi32, #tpu.memory_space<vmem>>, vector<16xi32>,
      %max3A_343 = arith.maxsi %max3A_335, %get3A_342 : vector<16xi32>
      %mul3A_344 = arith.constant 2 : i32
      %mul3A_345 = arith.muli %add3A_44, %mul3A_344 : i32
      %add3A_346 = arith.constant 0 : i32
      %add3A_347 = arith.addi %mul3A_345, %add3A_346 : i32
      %get3A_348 = arith.index_cast %add3A_347 : i32 to index
      %get3A_349 = arith.constant 112 : index
      %get3A_350 = tpu.vector_load %arg6[%get3A_348, %get3A_349] {strides = array<i32>} : memref<200x128xi32, #tpu.memory_space<vmem>>, vector<16xi32>,
      %max3A_351 = arith.maxsi %max3A_343, %get3A_350 : vector<16xi32>
      %mul3A_352 = arith.constant 2 : i32
      %mul3A_353 = arith.muli %add3A_44, %mul3A_352 : i32
      %add3A_354 = arith.constant 1 : i32
      %add3A_355 = arith.addi %mul3A_353, %add3A_354 : i32
      %get3A_356 = arith.index_cast %add3A_355 : i32 to index
      %get3A_357 = arith.constant 0 : index
      %get3A_358 = tpu.vector_load %arg6[%get3A_356, %get3A_357] {strides = array<i32>} : memref<200x128xi32, #tpu.memory_space<vmem>>, vector<16xi32>,
      %max3A_359 = arith.maxsi %max3A_351, %get3A_358 : vector<16xi32>
      %mul3A_360 = arith.constant 2 : i32
      %mul3A_361 = arith.muli %add3A_44, %mul3A_360 : i32
      %add3A_362 = arith.constant 1 : i32
      %add3A_363 = arith.addi %mul3A_361, %add3A_362 : i32
      %get3A_364 = arith.index_cast %add3A_363 : i32 to index
      %get3A_365 = arith.constant 16 : index
      %get3A_366 = tpu.vector_load %arg6[%get3A_364, %get3A_365] {strides = array<i32>} : memref<200x128xi32, #tpu.memory_space<vmem>>, vector<16xi32>,
      %max3A_367 = arith.maxsi %max3A_359, %get3A_366 : vector<16xi32>
      %mul3A_368 = arith.constant 2 : i32
      %mul3A_369 = arith.muli %add3A_44, %mul3A_368 : i32
      %add3A_370 = arith.constant 1 : i32
      %add3A_371 = arith.addi %mul3A_369, %add3A_370 : i32
      %get3A_372 = arith.index_cast %add3A_371 : i32 to index
      %get3A_373 = arith.constant 32 : index
      %get3A_374 = tpu.vector_load %arg6[%get3A_372, %get3A_373] {strides = array<i32>} : memref<200x128xi32, #tpu.memory_space<vmem>>, vector<16xi32>,
      %max3A_375 = arith.maxsi %max3A_367, %get3A_374 : vector<16xi32>
      %mul3A_376 = arith.constant 2 : i32
      %mul3A_377 = arith.muli %add3A_44, %mul3A_376 : i32
      %add3A_378 = arith.constant 1 : i32
      %add3A_379 = arith.addi %mul3A_377, %add3A_378 : i32
      %get3A_380 = arith.index_cast %add3A_379 : i32 to index
      %get3A_381 = arith.constant 48 : index
      %get3A_382 = tpu.vector_load %arg6[%get3A_380, %get3A_381] {strides = array<i32>} : memref<200x128xi32, #tpu.memory_space<vmem>>, vector<16xi32>,
      %max3A_383 = arith.maxsi %max3A_375, %get3A_382 : vector<16xi32>
      %mul3A_384 = arith.constant 2 : i32
      %mul3A_385 = arith.muli %add3A_44, %mul3A_384 : i32
      %add3A_386 = arith.constant 1 : i32
      %add3A_387 = arith.addi %mul3A_385, %add3A_386 : i32
      %get3A_388 = arith.index_cast %add3A_387 : i32 to index
      %get3A_389 = arith.constant 64 : index
      %get3A_390 = tpu.vector_load %arg6[%get3A_388, %get3A_389] {strides = array<i32>} : memref<200x128xi32, #tpu.memory_space<vmem>>, vector<16xi32>,
      %max3A_391 = arith.maxsi %max3A_383, %get3A_390 : vector<16xi32>
      %mul3A_392 = arith.constant 2 : i32
      %mul3A_393 = arith.muli %add3A_44, %mul3A_392 : i32
      %add3A_394 = arith.constant 1 : i32
      %add3A_395 = arith.addi %mul3A_393, %add3A_394 : i32
      %get3A_396 = arith.index_cast %add3A_395 : i32 to index
      %get3A_397 = arith.constant 80 : index
      %get3A_398 = tpu.vector_load %arg6[%get3A_396, %get3A_397] {strides = array<i32>} : memref<200x128xi32, #tpu.memory_space<vmem>>, vector<16xi32>,
      %max3A_399 = arith.maxsi %max3A_391, %get3A_398 : vector<16xi32>
      %mul3A_400 = arith.constant 2 : i32
      %mul3A_401 = arith.muli %add3A_44, %mul3A_400 : i32
      %add3A_402 = arith.constant 1 : i32
      %add3A_403 = arith.addi %mul3A_401, %add3A_402 : i32
      %get3A_404 = arith.index_cast %add3A_403 : i32 to index
      %get3A_405 = arith.constant 96 : index
      %get3A_406 = tpu.vector_load %arg6[%get3A_404, %get3A_405] {strides = array<i32>} : memref<200x128xi32, #tpu.memory_space<vmem>>, vector<16xi32>,
      %max3A_407 = arith.maxsi %max3A_399, %get3A_406 : vector<16xi32>
      %mul3A_408 = arith.constant 2 : i32
      %mul3A_409 = arith.muli %add3A_44, %mul3A_408 : i32
      %add3A_410 = arith.constant 1 : i32
      %add3A_411 = arith.addi %mul3A_409, %add3A_410 : i32
      %get3A_412 = arith.index_cast %add3A_411 : i32 to index
      %get3A_413 = arith.constant 112 : index
      %get3A_414 = tpu.vector_load %arg6[%get3A_412, %get3A_413] {strides = array<i32>} : memref<200x128xi32, #tpu.memory_space<vmem>>, vector<16xi32>,
      %max3A_415 = arith.maxsi %max3A_407, %get3A_414 : vector<16xi32>
      %eq3A_416 = arith.constant 999999 : i32
      %eq3A_417 = vector.broadcast %eq3A_416 : i32 to vector<16xi32>
      %eq3A_418 = arith.cmpi eq, %max3A_415, %eq3A_417 : vector<16xi32>
      %all_reduce_population_count3A_419 = tpu.all_reduce %eq3A_418 {dim = 0 : i64, kind = #tpu.reduction_kind<sum>} : vector<16xi1> -> vector<16xi32>
      %slice3A_420 = vector.extract_strided_slice %all_reduce_population_count3A_419 {offsets = [0], sizes = [1], strides = [1]} : vector<16xi32> to vector<1xi32>
      %squeeze3A_421 = vector.extract %slice3A_420[0] : i32 from vector<1xi32>
      %gt3A_422 = arith.constant 0 : i32
      %gt3A_423 = arith.cmpi sgt, %squeeze3A_421, %gt3A_422 : i32
      %convert_element_type3A_424 = arith.extui %gt3A_423 : i1 to i32
      %cond3A_425 = arith.constant 0 : i32
      %cond3A_426 = arith.cmpi ne, %convert_element_type3A_424, %cond3A_425 : i32
      scf.if %cond3A_426 {
        %iota3A = tpu.iota {dimensions = array<i32: 0>} : vector<16xi32>
        %scan3A_443 = arith.constant 0 : i32
        %scan3A_444 = arith.constant 0 : i32
        %scan3A_445 = arith.constant 8 : i32
        %scan3A_446 = arith.addi %scan3A_444, %scan3A_445 : i32
        %scan3A_447 = arith.constant 1 : i32
        %scan3A_448 = scf.for %scan3A_457 = %scan3A_444 to %scan3A_446 step %scan3A_447 iter_args(%scan3A_458 = %scan3A_443) -> (i32)  : i32 {
          %mul3A_459 = arith.constant 2 : i32
          %mul3A_460 = arith.muli %add3A_44, %mul3A_459 : i32
          %add3A_461 = arith.constant 0 : i32
          %add3A_462 = arith.addi %mul3A_460, %add3A_461 : i32
          %mul3A_463 = arith.constant 16 : i32
          %mul3A_464 = arith.muli %scan3A_457, %mul3A_463 : i32
          %get3A_465 = arith.index_cast %add3A_462 : i32 to index
          %get3A_466 = arith.index_cast %mul3A_464 : i32 to index
          %get3A_467 = tpu.vector_load %arg6[%get3A_465, %get3A_466] {strides = array<i32>} : memref<200x128xi32, #tpu.memory_space<vmem>>, vector<16xi32>,
          %eq3A_468 = arith.constant 999999 : i32
          %eq3A_469 = vector.broadcast %eq3A_468 : i32 to vector<16xi32>
          %eq3A_470 = arith.cmpi eq, %get3A_467, %eq3A_469 : vector<16xi32>
          %mul3A_471 = arith.constant 16 : i32
          %mul3A_472 = arith.muli %scan3A_457, %mul3A_471 : i32
          %add3A_473 = arith.constant 0 : i32
          %add3A_474 = arith.addi %add3A_473, %mul3A_472 : i32
          %add3A_475 = vector.broadcast %add3A_474 : i32 to vector<16xi32>
          %add3A_476 = arith.addi %add3A_475, %iota3A : vector<16xi32>
          %broadcast_in_dim3A_477 = arith.constant 0 : i32
          %broadcast_in_dim3A_478 = vector.broadcast %broadcast_in_dim3A_477 : i32 to vector<16xi32>
          %get3A_479 = arith.constant 0 : i32
          %get3A_480 = arith.index_cast %get3A_479 : i32 to index
          %get3A_481 = arith.constant 0 : index
          %get3A_482 = tpu.vector_load %arg9[%get3A_480, %get3A_481] {strides = array<i32>} : memref<64x16xf32, #tpu.memory_space<vmem>>, vector<16xf32>,
          tpu.vector_store_idx %arg8[%add3A_476, %broadcast_in_dim3A_478], %get3A_482 masked %eq3A_470 {add = true} : memref<256x128xf32, #tpu.memory_space<vmem>>[vector<16xi32>, vector<16xi32>], vector<16xf32>, vector<16xi1>
          %broadcast_in_dim3A_483 = arith.constant 1 : i32
          %broadcast_in_dim3A_484 = vector.broadcast %broadcast_in_dim3A_483 : i32 to vector<16xi32>
          %get3A_485 = arith.constant 1 : i32
          %get3A_486 = arith.index_cast %get3A_485 : i32 to index
          %get3A_487 = arith.constant 0 : index
          %get3A_488 = tpu.vector_load %arg9[%get3A_486, %get3A_487] {strides = array<i32>} : memref<64x16xf32, #tpu.memory_space<vmem>>, vector<16xf32>,
          tpu.vector_store_idx %arg8[%add3A_476, %broadcast_in_dim3A_484], %get3A_488 masked %eq3A_470 {add = true} : memref<256x128xf32, #tpu.memory_space<vmem>>[vector<16xi32>, vector<16xi32>], vector<16xf32>, vector<16xi1>
          %broadcast_in_dim3A_489 = arith.constant 2 : i32
          %broadcast_in_dim3A_490 = vector.broadcast %broadcast_in_dim3A_489 : i32 to vector<16xi32>
          %get3A_491 = arith.constant 2 : i32
          %get3A_492 = arith.index_cast %get3A_491 : i32 to index
          %get3A_493 = arith.constant 0 : index
          %get3A_494 = tpu.vector_load %arg9[%get3A_492, %get3A_493] {strides = array<i32>} : memref<64x16xf32, #tpu.memory_space<vmem>>, vector<16xf32>,
          tpu.vector_store_idx %arg8[%add3A_476, %broadcast_in_dim3A_490], %get3A_494 masked %eq3A_470 {add = true} : memref<256x128xf32, #tpu.memory_space<vmem>>[vector<16xi32>, vector<16xi32>], vector<16xf32>, vector<16xi1>
          %broadcast_in_dim3A_495 = arith.constant 3 : i32
          %broadcast_in_dim3A_496 = vector.broadcast %broadcast_in_dim3A_495 : i32 to vector<16xi32>
          %get3A_497 = arith.constant 3 : i32
          %get3A_498 = arith.index_cast %get3A_497 : i32 to index
          %get3A_499 = arith.constant 0 : index
          %get3A_500 = tpu.vector_load %arg9[%get3A_498, %get3A_499] {strides = array<i32>} : memref<64x16xf32, #tpu.memory_space<vmem>>, vector<16xf32>,
          tpu.vector_store_idx %arg8[%add3A_476, %broadcast_in_dim3A_496], %get3A_500 masked %eq3A_470 {add = true} : memref<256x128xf32, #tpu.memory_space<vmem>>[vector<16xi32>, vector<16xi32>], vector<16xf32>, vector<16xi1>
          %broadcast_in_dim3A_501 = arith.constant 4 : i32
          %broadcast_in_dim3A_502 = vector.broadcast %broadcast_in_dim3A_501 : i32 to vector<16xi32>
          %get3A_503 = arith.constant 4 : i32
          %get3A_504 = arith.index_cast %get3A_503 : i32 to index
          %get3A_505 = arith.constant 0 : index
          %get3A_506 = tpu.vector_load %arg9[%get3A_504, %get3A_505] {strides = array<i32>} : memref<64x16xf32, #tpu.memory_space<vmem>>, vector<16xf32>,
          tpu.vector_store_idx %arg8[%add3A_476, %broadcast_in_dim3A_502], %get3A_506 masked %eq3A_470 {add = true} : memref<256x128xf32, #tpu.memory_space<vmem>>[vector<16xi32>, vector<16xi32>], vector<16xf32>, vector<16xi1>
          %broadcast_in_dim3A_507 = arith.constant 5 : i32
          %broadcast_in_dim3A_508 = vector.broadcast %broadcast_in_dim3A_507 : i32 to vector<16xi32>
          %get3A_509 = arith.constant 5 : i32
          %get3A_510 = arith.index_cast %get3A_509 : i32 to index
          %get3A_511 = arith.constant 0 : index
          %get3A_512 = tpu.vector_load %arg9[%get3A_510, %get3A_511] {strides = array<i32>} : memref<64x16xf32, #tpu.memory_space<vmem>>, vector<16xf32>,
          tpu.vector_store_idx %arg8[%add3A_476, %broadcast_in_dim3A_508], %get3A_512 masked %eq3A_470 {add = true} : memref<256x128xf32, #tpu.memory_space<vmem>>[vector<16xi32>, vector<16xi32>], vector<16xf32>, vector<16xi1>
          %broadcast_in_dim3A_513 = arith.constant 6 : i32
          %broadcast_in_dim3A_514 = vector.broadcast %broadcast_in_dim3A_513 : i32 to vector<16xi32>
          %get3A_515 = arith.constant 6 : i32
          %get3A_516 = arith.index_cast %get3A_515 : i32 to index
          %get3A_517 = arith.constant 0 : index
          %get3A_518 = tpu.vector_load %arg9[%get3A_516, %get3A_517] {strides = array<i32>} : memref<64x16xf32, #tpu.memory_space<vmem>>, vector<16xf32>,
          tpu.vector_store_idx %arg8[%add3A_476, %broadcast_in_dim3A_514], %get3A_518 masked %eq3A_470 {add = true} : memref<256x128xf32, #tpu.memory_space<vmem>>[vector<16xi32>, vector<16xi32>], vector<16xf32>, vector<16xi1>
          %broadcast_in_dim3A_519 = arith.constant 7 : i32
          %broadcast_in_dim3A_520 = vector.broadcast %broadcast_in_dim3A_519 : i32 to vector<16xi32>
          %get3A_521 = arith.constant 7 : i32
          %get3A_522 = arith.index_cast %get3A_521 : i32 to index
          %get3A_523 = arith.constant 0 : index
          %get3A_524 = tpu.vector_load %arg9[%get3A_522, %get3A_523] {strides = array<i32>} : memref<64x16xf32, #tpu.memory_space<vmem>>, vector<16xf32>,
          tpu.vector_store_idx %arg8[%add3A_476, %broadcast_in_dim3A_520], %get3A_524 masked %eq3A_470 {add = true} : memref<256x128xf32, #tpu.memory_space<vmem>>[vector<16xi32>, vector<16xi32>], vector<16xf32>, vector<16xi1>
          %broadcast_in_dim3A_525 = arith.constant 8 : i32
          %broadcast_in_dim3A_526 = vector.broadcast %broadcast_in_dim3A_525 : i32 to vector<16xi32>
          %get3A_527 = arith.constant 8 : i32
          %get3A_528 = arith.index_cast %get3A_527 : i32 to index
          %get3A_529 = arith.constant 0 : index
          %get3A_530 = tpu.vector_load %arg9[%get3A_528, %get3A_529] {strides = array<i32>} : memref<64x16xf32, #tpu.memory_space<vmem>>, vector<16xf32>,
          tpu.vector_store_idx %arg8[%add3A_476, %broadcast_in_dim3A_526], %get3A_530 masked %eq3A_470 {add = true} : memref<256x128xf32, #tpu.memory_space<vmem>>[vector<16xi32>, vector<16xi32>], vector<16xf32>, vector<16xi1>
          %broadcast_in_dim3A_531 = arith.constant 9 : i32
          %broadcast_in_dim3A_532 = vector.broadcast %broadcast_in_dim3A_531 : i32 to vector<16xi32>
          %get3A_533 = arith.constant 9 : i32
          %get3A_534 = arith.index_cast %get3A_533 : i32 to index
          %get3A_535 = arith.constant 0 : index
          %get3A_536 = tpu.vector_load %arg9[%get3A_534, %get3A_535] {strides = array<i32>} : memref<64x16xf32, #tpu.memory_space<vmem>>, vector<16xf32>,
          tpu.vector_store_idx %arg8[%add3A_476, %broadcast_in_dim3A_532], %get3A_536 masked %eq3A_470 {add = true} : memref<256x128xf32, #tpu.memory_space<vmem>>[vector<16xi32>, vector<16xi32>], vector<16xf32>, vector<16xi1>
          %broadcast_in_dim3A_537 = arith.constant 10 : i32
          %broadcast_in_dim3A_538 = vector.broadcast %broadcast_in_dim3A_537 : i32 to vector<16xi32>
          %get3A_539 = arith.constant 10 : i32
          %get3A_540 = arith.index_cast %get3A_539 : i32 to index
          %get3A_541 = arith.constant 0 : index
          %get3A_542 = tpu.vector_load %arg9[%get3A_540, %get3A_541] {strides = array<i32>} : memref<64x16xf32, #tpu.memory_space<vmem>>, vector<16xf32>,
          tpu.vector_store_idx %arg8[%add3A_476, %broadcast_in_dim3A_538], %get3A_542 masked %eq3A_470 {add = true} : memref<256x128xf32, #tpu.memory_space<vmem>>[vector<16xi32>, vector<16xi32>], vector<16xf32>, vector<16xi1>
          %broadcast_in_dim3A_543 = arith.constant 11 : i32
          %broadcast_in_dim3A_544 = vector.broadcast %broadcast_in_dim3A_543 : i32 to vector<16xi32>
          %get3A_545 = arith.constant 11 : i32
          %get3A_546 = arith.index_cast %get3A_545 : i32 to index
          %get3A_547 = arith.constant 0 : index
          %get3A_548 = tpu.vector_load %arg9[%get3A_546, %get3A_547] {strides = array<i32>} : memref<64x16xf32, #tpu.memory_space<vmem>>, vector<16xf32>,
          tpu.vector_store_idx %arg8[%add3A_476, %broadcast_in_dim3A_544], %get3A_548 masked %eq3A_470 {add = true} : memref<256x128xf32, #tpu.memory_space<vmem>>[vector<16xi32>, vector<16xi32>], vector<16xf32>, vector<16xi1>
          %broadcast_in_dim3A_549 = arith.constant 12 : i32
          %broadcast_in_dim3A_550 = vector.broadcast %broadcast_in_dim3A_549 : i32 to vector<16xi32>
          %get3A_551 = arith.constant 12 : i32
          %get3A_552 = arith.index_cast %get3A_551 : i32 to index
          %get3A_553 = arith.constant 0 : index
          %get3A_554 = tpu.vector_load %arg9[%get3A_552, %get3A_553] {strides = array<i32>} : memref<64x16xf32, #tpu.memory_space<vmem>>, vector<16xf32>,
          tpu.vector_store_idx %arg8[%add3A_476, %broadcast_in_dim3A_550], %get3A_554 masked %eq3A_470 {add = true} : memref<256x128xf32, #tpu.memory_space<vmem>>[vector<16xi32>, vector<16xi32>], vector<16xf32>, vector<16xi1>
          %broadcast_in_dim3A_555 = arith.constant 13 : i32
          %broadcast_in_dim3A_556 = vector.broadcast %broadcast_in_dim3A_555 : i32 to vector<16xi32>
          %get3A_557 = arith.constant 13 : i32
          %get3A_558 = arith.index_cast %get3A_557 : i32 to index
          %get3A_559 = arith.constant 0 : index
          %get3A_560 = tpu.vector_load %arg9[%get3A_558, %get3A_559] {strides = array<i32>} : memref<64x16xf32, #tpu.memory_space<vmem>>, vector<16xf32>,
          tpu.vector_store_idx %arg8[%add3A_476, %broadcast_in_dim3A_556], %get3A_560 masked %eq3A_470 {add = true} : memref<256x128xf32, #tpu.memory_space<vmem>>[vector<16xi32>, vector<16xi32>], vector<16xf32>, vector<16xi1>
          %broadcast_in_dim3A_561 = arith.constant 14 : i32
          %broadcast_in_dim3A_562 = vector.broadcast %broadcast_in_dim3A_561 : i32 to vector<16xi32>
          %get3A_563 = arith.constant 14 : i32
          %get3A_564 = arith.index_cast %get3A_563 : i32 to index
          %get3A_565 = arith.constant 0 : index
          %get3A_566 = tpu.vector_load %arg9[%get3A_564, %get3A_565] {strides = array<i32>} : memref<64x16xf32, #tpu.memory_space<vmem>>, vector<16xf32>,
          tpu.vector_store_idx %arg8[%add3A_476, %broadcast_in_dim3A_562], %get3A_566 masked %eq3A_470 {add = true} : memref<256x128xf32, #tpu.memory_space<vmem>>[vector<16xi32>, vector<16xi32>], vector<16xf32>, vector<16xi1>
          %broadcast_in_dim3A_567 = arith.constant 15 : i32
          %broadcast_in_dim3A_568 = vector.broadcast %broadcast_in_dim3A_567 : i32 to vector<16xi32>
          %get3A_569 = arith.constant 15 : i32
          %get3A_570 = arith.index_cast %get3A_569 : i32 to index
          %get3A_571 = arith.constant 0 : index
          %get3A_572 = tpu.vector_load %arg9[%get3A_570, %get3A_571] {strides = array<i32>} : memref<64x16xf32, #tpu.memory_space<vmem>>, vector<16xf32>,
          tpu.vector_store_idx %arg8[%add3A_476, %broadcast_in_dim3A_568], %get3A_572 masked %eq3A_470 {add = true} : memref<256x128xf32, #tpu.memory_space<vmem>>[vector<16xi32>, vector<16xi32>], vector<16xf32>, vector<16xi1>
          %broadcast_in_dim3A_573 = arith.constant 16 : i32
          %broadcast_in_dim3A_574 = vector.broadcast %broadcast_in_dim3A_573 : i32 to vector<16xi32>
          %get3A_575 = arith.constant 16 : i32
          %get3A_576 = arith.index_cast %get3A_575 : i32 to index
          %get3A_577 = arith.constant 0 : index
          %get3A_578 = tpu.vector_load %arg9[%get3A_576, %get3A_577] {strides = array<i32>} : memref<64x16xf32, #tpu.memory_space<vmem>>, vector<16xf32>,
          tpu.vector_store_idx %arg8[%add3A_476, %broadcast_in_dim3A_574], %get3A_578 masked %eq3A_470 {add = true} : memref<256x128xf32, #tpu.memory_space<vmem>>[vector<16xi32>, vector<16xi32>], vector<16xf32>, vector<16xi1>
          %broadcast_in_dim3A_579 = arith.constant 17 : i32
          %broadcast_in_dim3A_580 = vector.broadcast %broadcast_in_dim3A_579 : i32 to vector<16xi32>
          %get3A_581 = arith.constant 17 : i32
          %get3A_582 = arith.index_cast %get3A_581 : i32 to index
          %get3A_583 = arith.constant 0 : index
          %get3A_584 = tpu.vector_load %arg9[%get3A_582, %get3A_583] {strides = array<i32>} : memref<64x16xf32, #tpu.memory_space<vmem>>, vector<16xf32>,
          tpu.vector_store_idx %arg8[%add3A_476, %broadcast_in_dim3A_580], %get3A_584 masked %eq3A_470 {add = true} : memref<256x128xf32, #tpu.memory_space<vmem>>[vector<16xi32>, vector<16xi32>], vector<16xf32>, vector<16xi1>
          %broadcast_in_dim3A_585 = arith.constant 18 : i32
          %broadcast_in_dim3A_586 = vector.broadcast %broadcast_in_dim3A_585 : i32 to vector<16xi32>
          %get3A_587 = arith.constant 18 : i32
          %get3A_588 = arith.index_cast %get3A_587 : i32 to index
          %get3A_589 = arith.constant 0 : index
          %get3A_590 = tpu.vector_load %arg9[%get3A_588, %get3A_589] {strides = array<i32>} : memref<64x16xf32, #tpu.memory_space<vmem>>, vector<16xf32>,
          tpu.vector_store_idx %arg8[%add3A_476, %broadcast_in_dim3A_586], %get3A_590 masked %eq3A_470 {add = true} : memref<256x128xf32, #tpu.memory_space<vmem>>[vector<16xi32>, vector<16xi32>], vector<16xf32>, vector<16xi1>
          %broadcast_in_dim3A_591 = arith.constant 19 : i32
          %broadcast_in_dim3A_592 = vector.broadcast %broadcast_in_dim3A_591 : i32 to vector<16xi32>
          %get3A_593 = arith.constant 19 : i32
          %get3A_594 = arith.index_cast %get3A_593 : i32 to index
          %get3A_595 = arith.constant 0 : index
          %get3A_596 = tpu.vector_load %arg9[%get3A_594, %get3A_595] {strides = array<i32>} : memref<64x16xf32, #tpu.memory_space<vmem>>, vector<16xf32>,
          tpu.vector_store_idx %arg8[%add3A_476, %broadcast_in_dim3A_592], %get3A_596 masked %eq3A_470 {add = true} : memref<256x128xf32, #tpu.memory_space<vmem>>[vector<16xi32>, vector<16xi32>], vector<16xf32>, vector<16xi1>
          %broadcast_in_dim3A_597 = arith.constant 20 : i32
          %broadcast_in_dim3A_598 = vector.broadcast %broadcast_in_dim3A_597 : i32 to vector<16xi32>
          %get3A_599 = arith.constant 20 : i32
          %get3A_600 = arith.index_cast %get3A_599 : i32 to index
          %get3A_601 = arith.constant 0 : index
          %get3A_602 = tpu.vector_load %arg9[%get3A_600, %get3A_601] {strides = array<i32>} : memref<64x16xf32, #tpu.memory_space<vmem>>, vector<16xf32>,
          tpu.vector_store_idx %arg8[%add3A_476, %broadcast_in_dim3A_598], %get3A_602 masked %eq3A_470 {add = true} : memref<256x128xf32, #tpu.memory_space<vmem>>[vector<16xi32>, vector<16xi32>], vector<16xf32>, vector<16xi1>
          %broadcast_in_dim3A_603 = arith.constant 21 : i32
          %broadcast_in_dim3A_604 = vector.broadcast %broadcast_in_dim3A_603 : i32 to vector<16xi32>
          %get3A_605 = arith.constant 21 : i32
          %get3A_606 = arith.index_cast %get3A_605 : i32 to index
          %get3A_607 = arith.constant 0 : index
          %get3A_608 = tpu.vector_load %arg9[%get3A_606, %get3A_607] {strides = array<i32>} : memref<64x16xf32, #tpu.memory_space<vmem>>, vector<16xf32>,
          tpu.vector_store_idx %arg8[%add3A_476, %broadcast_in_dim3A_604], %get3A_608 masked %eq3A_470 {add = true} : memref<256x128xf32, #tpu.memory_space<vmem>>[vector<16xi32>, vector<16xi32>], vector<16xf32>, vector<16xi1>
          %broadcast_in_dim3A_609 = arith.constant 22 : i32
          %broadcast_in_dim3A_610 = vector.broadcast %broadcast_in_dim3A_609 : i32 to vector<16xi32>
          %get3A_611 = arith.constant 22 : i32
          %get3A_612 = arith.index_cast %get3A_611 : i32 to index
          %get3A_613 = arith.constant 0 : index
          %get3A_614 = tpu.vector_load %arg9[%get3A_612, %get3A_613] {strides = array<i32>} : memref<64x16xf32, #tpu.memory_space<vmem>>, vector<16xf32>,
          tpu.vector_store_idx %arg8[%add3A_476, %broadcast_in_dim3A_610], %get3A_614 masked %eq3A_470 {add = true} : memref<256x128xf32, #tpu.memory_space<vmem>>[vector<16xi32>, vector<16xi32>], vector<16xf32>, vector<16xi1>
          %broadcast_in_dim3A_615 = arith.constant 23 : i32
          %broadcast_in_dim3A_616 = vector.broadcast %broadcast_in_dim3A_615 : i32 to vector<16xi32>
          %get3A_617 = arith.constant 23 : i32
          %get3A_618 = arith.index_cast %get3A_617 : i32 to index
          %get3A_619 = arith.constant 0 : index
          %get3A_620 = tpu.vector_load %arg9[%get3A_618, %get3A_619] {strides = array<i32>} : memref<64x16xf32, #tpu.memory_space<vmem>>, vector<16xf32>,
          tpu.vector_store_idx %arg8[%add3A_476, %broadcast_in_dim3A_616], %get3A_620 masked %eq3A_470 {add = true} : memref<256x128xf32, #tpu.memory_space<vmem>>[vector<16xi32>, vector<16xi32>], vector<16xf32>, vector<16xi1>
          %broadcast_in_dim3A_621 = arith.constant 24 : i32
          %broadcast_in_dim3A_622 = vector.broadcast %broadcast_in_dim3A_621 : i32 to vector<16xi32>
          %get3A_623 = arith.constant 24 : i32
          %get3A_624 = arith.index_cast %get3A_623 : i32 to index
          %get3A_625 = arith.constant 0 : index
          %get3A_626 = tpu.vector_load %arg9[%get3A_624, %get3A_625] {strides = array<i32>} : memref<64x16xf32, #tpu.memory_space<vmem>>, vector<16xf32>,
          tpu.vector_store_idx %arg8[%add3A_476, %broadcast_in_dim3A_622], %get3A_626 masked %eq3A_470 {add = true} : memref<256x128xf32, #tpu.memory_space<vmem>>[vector<16xi32>, vector<16xi32>], vector<16xf32>, vector<16xi1>
          %broadcast_in_dim3A_627 = arith.constant 25 : i32
          %broadcast_in_dim3A_628 = vector.broadcast %broadcast_in_dim3A_627 : i32 to vector<16xi32>
          %get3A_629 = arith.constant 25 : i32
          %get3A_630 = arith.index_cast %get3A_629 : i32 to index
          %get3A_631 = arith.constant 0 : index
          %get3A_632 = tpu.vector_load %arg9[%get3A_630, %get3A_631] {strides = array<i32>} : memref<64x16xf32, #tpu.memory_space<vmem>>, vector<16xf32>,
          tpu.vector_store_idx %arg8[%add3A_476, %broadcast_in_dim3A_628], %get3A_632 masked %eq3A_470 {add = true} : memref<256x128xf32, #tpu.memory_space<vmem>>[vector<16xi32>, vector<16xi32>], vector<16xf32>, vector<16xi1>
          %broadcast_in_dim3A_633 = arith.constant 26 : i32
          %broadcast_in_dim3A_634 = vector.broadcast %broadcast_in_dim3A_633 : i32 to vector<16xi32>
          %get3A_635 = arith.constant 26 : i32
          %get3A_636 = arith.index_cast %get3A_635 : i32 to index
          %get3A_637 = arith.constant 0 : index
          %get3A_638 = tpu.vector_load %arg9[%get3A_636, %get3A_637] {strides = array<i32>} : memref<64x16xf32, #tpu.memory_space<vmem>>, vector<16xf32>,
          tpu.vector_store_idx %arg8[%add3A_476, %broadcast_in_dim3A_634], %get3A_638 masked %eq3A_470 {add = true} : memref<256x128xf32, #tpu.memory_space<vmem>>[vector<16xi32>, vector<16xi32>], vector<16xf32>, vector<16xi1>
          %broadcast_in_dim3A_639 = arith.constant 27 : i32
          %broadcast_in_dim3A_640 = vector.broadcast %broadcast_in_dim3A_639 : i32 to vector<16xi32>
          %get3A_641 = arith.constant 27 : i32
          %get3A_642 = arith.index_cast %get3A_641 : i32 to index
          %get3A_643 = arith.constant 0 : index
          %get3A_644 = tpu.vector_load %arg9[%get3A_642, %get3A_643] {strides = array<i32>} : memref<64x16xf32, #tpu.memory_space<vmem>>, vector<16xf32>,
          tpu.vector_store_idx %arg8[%add3A_476, %broadcast_in_dim3A_640], %get3A_644 masked %eq3A_470 {add = true} : memref<256x128xf32, #tpu.memory_space<vmem>>[vector<16xi32>, vector<16xi32>], vector<16xf32>, vector<16xi1>
          %broadcast_in_dim3A_645 = arith.constant 28 : i32
          %broadcast_in_dim3A_646 = vector.broadcast %broadcast_in_dim3A_645 : i32 to vector<16xi32>
          %get3A_647 = arith.constant 28 : i32
          %get3A_648 = arith.index_cast %get3A_647 : i32 to index
          %get3A_649 = arith.constant 0 : index
          %get3A_650 = tpu.vector_load %arg9[%get3A_648, %get3A_649] {strides = array<i32>} : memref<64x16xf32, #tpu.memory_space<vmem>>, vector<16xf32>,
          tpu.vector_store_idx %arg8[%add3A_476, %broadcast_in_dim3A_646], %get3A_650 masked %eq3A_470 {add = true} : memref<256x128xf32, #tpu.memory_space<vmem>>[vector<16xi32>, vector<16xi32>], vector<16xf32>, vector<16xi1>
          %broadcast_in_dim3A_651 = arith.constant 29 : i32
          %broadcast_in_dim3A_652 = vector.broadcast %broadcast_in_dim3A_651 : i32 to vector<16xi32>
          %get3A_653 = arith.constant 29 : i32
          %get3A_654 = arith.index_cast %get3A_653 : i32 to index
          %get3A_655 = arith.constant 0 : index
          %get3A_656 = tpu.vector_load %arg9[%get3A_654, %get3A_655] {strides = array<i32>} : memref<64x16xf32, #tpu.memory_space<vmem>>, vector<16xf32>,
          tpu.vector_store_idx %arg8[%add3A_476, %broadcast_in_dim3A_652], %get3A_656 masked %eq3A_470 {add = true} : memref<256x128xf32, #tpu.memory_space<vmem>>[vector<16xi32>, vector<16xi32>], vector<16xf32>, vector<16xi1>
          %broadcast_in_dim3A_657 = arith.constant 30 : i32
          %broadcast_in_dim3A_658 = vector.broadcast %broadcast_in_dim3A_657 : i32 to vector<16xi32>
          %get3A_659 = arith.constant 30 : i32
          %get3A_660 = arith.index_cast %get3A_659 : i32 to index
          %get3A_661 = arith.constant 0 : index
          %get3A_662 = tpu.vector_load %arg9[%get3A_660, %get3A_661] {strides = array<i32>} : memref<64x16xf32, #tpu.memory_space<vmem>>, vector<16xf32>,
          tpu.vector_store_idx %arg8[%add3A_476, %broadcast_in_dim3A_658], %get3A_662 masked %eq3A_470 {add = true} : memref<256x128xf32, #tpu.memory_space<vmem>>[vector<16xi32>, vector<16xi32>], vector<16xf32>, vector<16xi1>
          %broadcast_in_dim3A_663 = arith.constant 31 : i32
          %broadcast_in_dim3A_664 = vector.broadcast %broadcast_in_dim3A_663 : i32 to vector<16xi32>
          %get3A_665 = arith.constant 31 : i32
          %get3A_666 = arith.index_cast %get3A_665 : i32 to index
          %get3A_667 = arith.constant 0 : index
          %get3A_668 = tpu.vector_load %arg9[%get3A_666, %get3A_667] {strides = array<i32>} : memref<64x16xf32, #tpu.memory_space<vmem>>, vector<16xf32>,
          tpu.vector_store_idx %arg8[%add3A_476, %broadcast_in_dim3A_664], %get3A_668 masked %eq3A_470 {add = true} : memref<256x128xf32, #tpu.memory_space<vmem>>[vector<16xi32>, vector<16xi32>], vector<16xf32>, vector<16xi1>
          %broadcast_in_dim3A_669 = arith.constant 32 : i32
          %broadcast_in_dim3A_670 = vector.broadcast %broadcast_in_dim3A_669 : i32 to vector<16xi32>
          %get3A_671 = arith.constant 32 : i32
          %get3A_672 = arith.index_cast %get3A_671 : i32 to index
          %get3A_673 = arith.constant 0 : index
          %get3A_674 = tpu.vector_load %arg9[%get3A_672, %get3A_673] {strides = array<i32>} : memref<64x16xf32, #tpu.memory_space<vmem>>, vector<16xf32>,
          tpu.vector_store_idx %arg8[%add3A_476, %broadcast_in_dim3A_670], %get3A_674 masked %eq3A_470 {add = true} : memref<256x128xf32, #tpu.memory_space<vmem>>[vector<16xi32>, vector<16xi32>], vector<16xf32>, vector<16xi1>
          %broadcast_in_dim3A_675 = arith.constant 33 : i32
          %broadcast_in_dim3A_676 = vector.broadcast %broadcast_in_dim3A_675 : i32 to vector<16xi32>
          %get3A_677 = arith.constant 33 : i32
          %get3A_678 = arith.index_cast %get3A_677 : i32 to index
          %get3A_679 = arith.constant 0 : index
          %get3A_680 = tpu.vector_load %arg9[%get3A_678, %get3A_679] {strides = array<i32>} : memref<64x16xf32, #tpu.memory_space<vmem>>, vector<16xf32>,
          tpu.vector_store_idx %arg8[%add3A_476, %broadcast_in_dim3A_676], %get3A_680 masked %eq3A_470 {add = true} : memref<256x128xf32, #tpu.memory_space<vmem>>[vector<16xi32>, vector<16xi32>], vector<16xf32>, vector<16xi1>
          %broadcast_in_dim3A_681 = arith.constant 34 : i32
          %broadcast_in_dim3A_682 = vector.broadcast %broadcast_in_dim3A_681 : i32 to vector<16xi32>
          %get3A_683 = arith.constant 34 : i32
          %get3A_684 = arith.index_cast %get3A_683 : i32 to index
          %get3A_685 = arith.constant 0 : index
          %get3A_686 = tpu.vector_load %arg9[%get3A_684, %get3A_685] {strides = array<i32>} : memref<64x16xf32, #tpu.memory_space<vmem>>, vector<16xf32>,
          tpu.vector_store_idx %arg8[%add3A_476, %broadcast_in_dim3A_682], %get3A_686 masked %eq3A_470 {add = true} : memref<256x128xf32, #tpu.memory_space<vmem>>[vector<16xi32>, vector<16xi32>], vector<16xf32>, vector<16xi1>
          %broadcast_in_dim3A_687 = arith.constant 35 : i32
          %broadcast_in_dim3A_688 = vector.broadcast %broadcast_in_dim3A_687 : i32 to vector<16xi32>
          %get3A_689 = arith.constant 35 : i32
          %get3A_690 = arith.index_cast %get3A_689 : i32 to index
          %get3A_691 = arith.constant 0 : index
          %get3A_692 = tpu.vector_load %arg9[%get3A_690, %get3A_691] {strides = array<i32>} : memref<64x16xf32, #tpu.memory_space<vmem>>, vector<16xf32>,
          tpu.vector_store_idx %arg8[%add3A_476, %broadcast_in_dim3A_688], %get3A_692 masked %eq3A_470 {add = true} : memref<256x128xf32, #tpu.memory_space<vmem>>[vector<16xi32>, vector<16xi32>], vector<16xf32>, vector<16xi1>
          %broadcast_in_dim3A_693 = arith.constant 36 : i32
          %broadcast_in_dim3A_694 = vector.broadcast %broadcast_in_dim3A_693 : i32 to vector<16xi32>
          %get3A_695 = arith.constant 36 : i32
          %get3A_696 = arith.index_cast %get3A_695 : i32 to index
          %get3A_697 = arith.constant 0 : index
          %get3A_698 = tpu.vector_load %arg9[%get3A_696, %get3A_697] {strides = array<i32>} : memref<64x16xf32, #tpu.memory_space<vmem>>, vector<16xf32>,
          tpu.vector_store_idx %arg8[%add3A_476, %broadcast_in_dim3A_694], %get3A_698 masked %eq3A_470 {add = true} : memref<256x128xf32, #tpu.memory_space<vmem>>[vector<16xi32>, vector<16xi32>], vector<16xf32>, vector<16xi1>
          %broadcast_in_dim3A_699 = arith.constant 37 : i32
          %broadcast_in_dim3A_700 = vector.broadcast %broadcast_in_dim3A_699 : i32 to vector<16xi32>
          %get3A_701 = arith.constant 37 : i32
          %get3A_702 = arith.index_cast %get3A_701 : i32 to index
          %get3A_703 = arith.constant 0 : index
          %get3A_704 = tpu.vector_load %arg9[%get3A_702, %get3A_703] {strides = array<i32>} : memref<64x16xf32, #tpu.memory_space<vmem>>, vector<16xf32>,
          tpu.vector_store_idx %arg8[%add3A_476, %broadcast_in_dim3A_700], %get3A_704 masked %eq3A_470 {add = true} : memref<256x128xf32, #tpu.memory_space<vmem>>[vector<16xi32>, vector<16xi32>], vector<16xf32>, vector<16xi1>
          %broadcast_in_dim3A_705 = arith.constant 38 : i32
          %broadcast_in_dim3A_706 = vector.broadcast %broadcast_in_dim3A_705 : i32 to vector<16xi32>
          %get3A_707 = arith.constant 38 : i32
          %get3A_708 = arith.index_cast %get3A_707 : i32 to index
          %get3A_709 = arith.constant 0 : index
          %get3A_710 = tpu.vector_load %arg9[%get3A_708, %get3A_709] {strides = array<i32>} : memref<64x16xf32, #tpu.memory_space<vmem>>, vector<16xf32>,
          tpu.vector_store_idx %arg8[%add3A_476, %broadcast_in_dim3A_706], %get3A_710 masked %eq3A_470 {add = true} : memref<256x128xf32, #tpu.memory_space<vmem>>[vector<16xi32>, vector<16xi32>], vector<16xf32>, vector<16xi1>
          %broadcast_in_dim3A_711 = arith.constant 39 : i32
          %broadcast_in_dim3A_712 = vector.broadcast %broadcast_in_dim3A_711 : i32 to vector<16xi32>
          %get3A_713 = arith.constant 39 : i32
          %get3A_714 = arith.index_cast %get3A_713 : i32 to index
          %get3A_715 = arith.constant 0 : index
          %get3A_716 = tpu.vector_load %arg9[%get3A_714, %get3A_715] {strides = array<i32>} : memref<64x16xf32, #tpu.memory_space<vmem>>, vector<16xf32>,
          tpu.vector_store_idx %arg8[%add3A_476, %broadcast_in_dim3A_712], %get3A_716 masked %eq3A_470 {add = true} : memref<256x128xf32, #tpu.memory_space<vmem>>[vector<16xi32>, vector<16xi32>], vector<16xf32>, vector<16xi1>
          %broadcast_in_dim3A_717 = arith.constant 40 : i32
          %broadcast_in_dim3A_718 = vector.broadcast %broadcast_in_dim3A_717 : i32 to vector<16xi32>
          %get3A_719 = arith.constant 40 : i32
          %get3A_720 = arith.index_cast %get3A_719 : i32 to index
          %get3A_721 = arith.constant 0 : index
          %get3A_722 = tpu.vector_load %arg9[%get3A_720, %get3A_721] {strides = array<i32>} : memref<64x16xf32, #tpu.memory_space<vmem>>, vector<16xf32>,
          tpu.vector_store_idx %arg8[%add3A_476, %broadcast_in_dim3A_718], %get3A_722 masked %eq3A_470 {add = true} : memref<256x128xf32, #tpu.memory_space<vmem>>[vector<16xi32>, vector<16xi32>], vector<16xf32>, vector<16xi1>
          %broadcast_in_dim3A_723 = arith.constant 41 : i32
          %broadcast_in_dim3A_724 = vector.broadcast %broadcast_in_dim3A_723 : i32 to vector<16xi32>
          %get3A_725 = arith.constant 41 : i32
          %get3A_726 = arith.index_cast %get3A_725 : i32 to index
          %get3A_727 = arith.constant 0 : index
          %get3A_728 = tpu.vector_load %arg9[%get3A_726, %get3A_727] {strides = array<i32>} : memref<64x16xf32, #tpu.memory_space<vmem>>, vector<16xf32>,
          tpu.vector_store_idx %arg8[%add3A_476, %broadcast_in_dim3A_724], %get3A_728 masked %eq3A_470 {add = true} : memref<256x128xf32, #tpu.memory_space<vmem>>[vector<16xi32>, vector<16xi32>], vector<16xf32>, vector<16xi1>
          %broadcast_in_dim3A_729 = arith.constant 42 : i32
          %broadcast_in_dim3A_730 = vector.broadcast %broadcast_in_dim3A_729 : i32 to vector<16xi32>
          %get3A_731 = arith.constant 42 : i32
          %get3A_732 = arith.index_cast %get3A_731 : i32 to index
          %get3A_733 = arith.constant 0 : index
          %get3A_734 = tpu.vector_load %arg9[%get3A_732, %get3A_733] {strides = array<i32>} : memref<64x16xf32, #tpu.memory_space<vmem>>, vector<16xf32>,
          tpu.vector_store_idx %arg8[%add3A_476, %broadcast_in_dim3A_730], %get3A_734 masked %eq3A_470 {add = true} : memref<256x128xf32, #tpu.memory_space<vmem>>[vector<16xi32>, vector<16xi32>], vector<16xf32>, vector<16xi1>
          %broadcast_in_dim3A_735 = arith.constant 43 : i32
          %broadcast_in_dim3A_736 = vector.broadcast %broadcast_in_dim3A_735 : i32 to vector<16xi32>
          %get3A_737 = arith.constant 43 : i32
          %get3A_738 = arith.index_cast %get3A_737 : i32 to index
          %get3A_739 = arith.constant 0 : index
          %get3A_740 = tpu.vector_load %arg9[%get3A_738, %get3A_739] {strides = array<i32>} : memref<64x16xf32, #tpu.memory_space<vmem>>, vector<16xf32>,
          tpu.vector_store_idx %arg8[%add3A_476, %broadcast_in_dim3A_736], %get3A_740 masked %eq3A_470 {add = true} : memref<256x128xf32, #tpu.memory_space<vmem>>[vector<16xi32>, vector<16xi32>], vector<16xf32>, vector<16xi1>
          %broadcast_in_dim3A_741 = arith.constant 44 : i32
          %broadcast_in_dim3A_742 = vector.broadcast %broadcast_in_dim3A_741 : i32 to vector<16xi32>
          %get3A_743 = arith.constant 44 : i32
          %get3A_744 = arith.index_cast %get3A_743 : i32 to index
          %get3A_745 = arith.constant 0 : index
          %get3A_746 = tpu.vector_load %arg9[%get3A_744, %get3A_745] {strides = array<i32>} : memref<64x16xf32, #tpu.memory_space<vmem>>, vector<16xf32>,
          tpu.vector_store_idx %arg8[%add3A_476, %broadcast_in_dim3A_742], %get3A_746 masked %eq3A_470 {add = true} : memref<256x128xf32, #tpu.memory_space<vmem>>[vector<16xi32>, vector<16xi32>], vector<16xf32>, vector<16xi1>
          %broadcast_in_dim3A_747 = arith.constant 45 : i32
          %broadcast_in_dim3A_748 = vector.broadcast %broadcast_in_dim3A_747 : i32 to vector<16xi32>
          %get3A_749 = arith.constant 45 : i32
          %get3A_750 = arith.index_cast %get3A_749 : i32 to index
          %get3A_751 = arith.constant 0 : index
          %get3A_752 = tpu.vector_load %arg9[%get3A_750, %get3A_751] {strides = array<i32>} : memref<64x16xf32, #tpu.memory_space<vmem>>, vector<16xf32>,
          tpu.vector_store_idx %arg8[%add3A_476, %broadcast_in_dim3A_748], %get3A_752 masked %eq3A_470 {add = true} : memref<256x128xf32, #tpu.memory_space<vmem>>[vector<16xi32>, vector<16xi32>], vector<16xf32>, vector<16xi1>
          %broadcast_in_dim3A_753 = arith.constant 46 : i32
          %broadcast_in_dim3A_754 = vector.broadcast %broadcast_in_dim3A_753 : i32 to vector<16xi32>
          %get3A_755 = arith.constant 46 : i32
          %get3A_756 = arith.index_cast %get3A_755 : i32 to index
          %get3A_757 = arith.constant 0 : index
          %get3A_758 = tpu.vector_load %arg9[%get3A_756, %get3A_757] {strides = array<i32>} : memref<64x16xf32, #tpu.memory_space<vmem>>, vector<16xf32>,
          tpu.vector_store_idx %arg8[%add3A_476, %broadcast_in_dim3A_754], %get3A_758 masked %eq3A_470 {add = true} : memref<256x128xf32, #tpu.memory_space<vmem>>[vector<16xi32>, vector<16xi32>], vector<16xf32>, vector<16xi1>
          %broadcast_in_dim3A_759 = arith.constant 47 : i32
          %broadcast_in_dim3A_760 = vector.broadcast %broadcast_in_dim3A_759 : i32 to vector<16xi32>
          %get3A_761 = arith.constant 47 : i32
          %get3A_762 = arith.index_cast %get3A_761 : i32 to index
          %get3A_763 = arith.constant 0 : index
          %get3A_764 = tpu.vector_load %arg9[%get3A_762, %get3A_763] {strides = array<i32>} : memref<64x16xf32, #tpu.memory_space<vmem>>, vector<16xf32>,
          tpu.vector_store_idx %arg8[%add3A_476, %broadcast_in_dim3A_760], %get3A_764 masked %eq3A_470 {add = true} : memref<256x128xf32, #tpu.memory_space<vmem>>[vector<16xi32>, vector<16xi32>], vector<16xf32>, vector<16xi1>
          %broadcast_in_dim3A_765 = arith.constant 48 : i32
          %broadcast_in_dim3A_766 = vector.broadcast %broadcast_in_dim3A_765 : i32 to vector<16xi32>
          %get3A_767 = arith.constant 48 : i32
          %get3A_768 = arith.index_cast %get3A_767 : i32 to index
          %get3A_769 = arith.constant 0 : index
          %get3A_770 = tpu.vector_load %arg9[%get3A_768, %get3A_769] {strides = array<i32>} : memref<64x16xf32, #tpu.memory_space<vmem>>, vector<16xf32>,
          tpu.vector_store_idx %arg8[%add3A_476, %broadcast_in_dim3A_766], %get3A_770 masked %eq3A_470 {add = true} : memref<256x128xf32, #tpu.memory_space<vmem>>[vector<16xi32>, vector<16xi32>], vector<16xf32>, vector<16xi1>
          %broadcast_in_dim3A_771 = arith.constant 49 : i32
          %broadcast_in_dim3A_772 = vector.broadcast %broadcast_in_dim3A_771 : i32 to vector<16xi32>
          %get3A_773 = arith.constant 49 : i32
          %get3A_774 = arith.index_cast %get3A_773 : i32 to index
          %get3A_775 = arith.constant 0 : index
          %get3A_776 = tpu.vector_load %arg9[%get3A_774, %get3A_775] {strides = array<i32>} : memref<64x16xf32, #tpu.memory_space<vmem>>, vector<16xf32>,
          tpu.vector_store_idx %arg8[%add3A_476, %broadcast_in_dim3A_772], %get3A_776 masked %eq3A_470 {add = true} : memref<256x128xf32, #tpu.memory_space<vmem>>[vector<16xi32>, vector<16xi32>], vector<16xf32>, vector<16xi1>
          %broadcast_in_dim3A_777 = arith.constant 50 : i32
          %broadcast_in_dim3A_778 = vector.broadcast %broadcast_in_dim3A_777 : i32 to vector<16xi32>
          %get3A_779 = arith.constant 50 : i32
          %get3A_780 = arith.index_cast %get3A_779 : i32 to index
          %get3A_781 = arith.constant 0 : index
          %get3A_782 = tpu.vector_load %arg9[%get3A_780, %get3A_781] {strides = array<i32>} : memref<64x16xf32, #tpu.memory_space<vmem>>, vector<16xf32>,
          tpu.vector_store_idx %arg8[%add3A_476, %broadcast_in_dim3A_778], %get3A_782 masked %eq3A_470 {add = true} : memref<256x128xf32, #tpu.memory_space<vmem>>[vector<16xi32>, vector<16xi32>], vector<16xf32>, vector<16xi1>
          %broadcast_in_dim3A_783 = arith.constant 51 : i32
          %broadcast_in_dim3A_784 = vector.broadcast %broadcast_in_dim3A_783 : i32 to vector<16xi32>
          %get3A_785 = arith.constant 51 : i32
          %get3A_786 = arith.index_cast %get3A_785 : i32 to index
          %get3A_787 = arith.constant 0 : index
          %get3A_788 = tpu.vector_load %arg9[%get3A_786, %get3A_787] {strides = array<i32>} : memref<64x16xf32, #tpu.memory_space<vmem>>, vector<16xf32>,
          tpu.vector_store_idx %arg8[%add3A_476, %broadcast_in_dim3A_784], %get3A_788 masked %eq3A_470 {add = true} : memref<256x128xf32, #tpu.memory_space<vmem>>[vector<16xi32>, vector<16xi32>], vector<16xf32>, vector<16xi1>
          %broadcast_in_dim3A_789 = arith.constant 52 : i32
          %broadcast_in_dim3A_790 = vector.broadcast %broadcast_in_dim3A_789 : i32 to vector<16xi32>
          %get3A_791 = arith.constant 52 : i32
          %get3A_792 = arith.index_cast %get3A_791 : i32 to index
          %get3A_793 = arith.constant 0 : index
          %get3A_794 = tpu.vector_load %arg9[%get3A_792, %get3A_793] {strides = array<i32>} : memref<64x16xf32, #tpu.memory_space<vmem>>, vector<16xf32>,
          tpu.vector_store_idx %arg8[%add3A_476, %broadcast_in_dim3A_790], %get3A_794 masked %eq3A_470 {add = true} : memref<256x128xf32, #tpu.memory_space<vmem>>[vector<16xi32>, vector<16xi32>], vector<16xf32>, vector<16xi1>
          %broadcast_in_dim3A_795 = arith.constant 53 : i32
          %broadcast_in_dim3A_796 = vector.broadcast %broadcast_in_dim3A_795 : i32 to vector<16xi32>
          %get3A_797 = arith.constant 53 : i32
          %get3A_798 = arith.index_cast %get3A_797 : i32 to index
          %get3A_799 = arith.constant 0 : index
          %get3A_800 = tpu.vector_load %arg9[%get3A_798, %get3A_799] {strides = array<i32>} : memref<64x16xf32, #tpu.memory_space<vmem>>, vector<16xf32>,
          tpu.vector_store_idx %arg8[%add3A_476, %broadcast_in_dim3A_796], %get3A_800 masked %eq3A_470 {add = true} : memref<256x128xf32, #tpu.memory_space<vmem>>[vector<16xi32>, vector<16xi32>], vector<16xf32>, vector<16xi1>
          %broadcast_in_dim3A_801 = arith.constant 54 : i32
          %broadcast_in_dim3A_802 = vector.broadcast %broadcast_in_dim3A_801 : i32 to vector<16xi32>
          %get3A_803 = arith.constant 54 : i32
          %get3A_804 = arith.index_cast %get3A_803 : i32 to index
          %get3A_805 = arith.constant 0 : index
          %get3A_806 = tpu.vector_load %arg9[%get3A_804, %get3A_805] {strides = array<i32>} : memref<64x16xf32, #tpu.memory_space<vmem>>, vector<16xf32>,
          tpu.vector_store_idx %arg8[%add3A_476, %broadcast_in_dim3A_802], %get3A_806 masked %eq3A_470 {add = true} : memref<256x128xf32, #tpu.memory_space<vmem>>[vector<16xi32>, vector<16xi32>], vector<16xf32>, vector<16xi1>
          %broadcast_in_dim3A_807 = arith.constant 55 : i32
          %broadcast_in_dim3A_808 = vector.broadcast %broadcast_in_dim3A_807 : i32 to vector<16xi32>
          %get3A_809 = arith.constant 55 : i32
          %get3A_810 = arith.index_cast %get3A_809 : i32 to index
          %get3A_811 = arith.constant 0 : index
          %get3A_812 = tpu.vector_load %arg9[%get3A_810, %get3A_811] {strides = array<i32>} : memref<64x16xf32, #tpu.memory_space<vmem>>, vector<16xf32>,
          tpu.vector_store_idx %arg8[%add3A_476, %broadcast_in_dim3A_808], %get3A_812 masked %eq3A_470 {add = true} : memref<256x128xf32, #tpu.memory_space<vmem>>[vector<16xi32>, vector<16xi32>], vector<16xf32>, vector<16xi1>
          %broadcast_in_dim3A_813 = arith.constant 56 : i32
          %broadcast_in_dim3A_814 = vector.broadcast %broadcast_in_dim3A_813 : i32 to vector<16xi32>
          %get3A_815 = arith.constant 56 : i32
          %get3A_816 = arith.index_cast %get3A_815 : i32 to index
          %get3A_817 = arith.constant 0 : index
          %get3A_818 = tpu.vector_load %arg9[%get3A_816, %get3A_817] {strides = array<i32>} : memref<64x16xf32, #tpu.memory_space<vmem>>, vector<16xf32>,
          tpu.vector_store_idx %arg8[%add3A_476, %broadcast_in_dim3A_814], %get3A_818 masked %eq3A_470 {add = true} : memref<256x128xf32, #tpu.memory_space<vmem>>[vector<16xi32>, vector<16xi32>], vector<16xf32>, vector<16xi1>
          %broadcast_in_dim3A_819 = arith.constant 57 : i32
          %broadcast_in_dim3A_820 = vector.broadcast %broadcast_in_dim3A_819 : i32 to vector<16xi32>
          %get3A_821 = arith.constant 57 : i32
          %get3A_822 = arith.index_cast %get3A_821 : i32 to index
          %get3A_823 = arith.constant 0 : index
          %get3A_824 = tpu.vector_load %arg9[%get3A_822, %get3A_823] {strides = array<i32>} : memref<64x16xf32, #tpu.memory_space<vmem>>, vector<16xf32>,
          tpu.vector_store_idx %arg8[%add3A_476, %broadcast_in_dim3A_820], %get3A_824 masked %eq3A_470 {add = true} : memref<256x128xf32, #tpu.memory_space<vmem>>[vector<16xi32>, vector<16xi32>], vector<16xf32>, vector<16xi1>
          %broadcast_in_dim3A_825 = arith.constant 58 : i32
          %broadcast_in_dim3A_826 = vector.broadcast %broadcast_in_dim3A_825 : i32 to vector<16xi32>
          %get3A_827 = arith.constant 58 : i32
          %get3A_828 = arith.index_cast %get3A_827 : i32 to index
          %get3A_829 = arith.constant 0 : index
          %get3A_830 = tpu.vector_load %arg9[%get3A_828, %get3A_829] {strides = array<i32>} : memref<64x16xf32, #tpu.memory_space<vmem>>, vector<16xf32>,
          tpu.vector_store_idx %arg8[%add3A_476, %broadcast_in_dim3A_826], %get3A_830 masked %eq3A_470 {add = true} : memref<256x128xf32, #tpu.memory_space<vmem>>[vector<16xi32>, vector<16xi32>], vector<16xf32>, vector<16xi1>
          %broadcast_in_dim3A_831 = arith.constant 59 : i32
          %broadcast_in_dim3A_832 = vector.broadcast %broadcast_in_dim3A_831 : i32 to vector<16xi32>
          %get3A_833 = arith.constant 59 : i32
          %get3A_834 = arith.index_cast %get3A_833 : i32 to index
          %get3A_835 = arith.constant 0 : index
          %get3A_836 = tpu.vector_load %arg9[%get3A_834, %get3A_835] {strides = array<i32>} : memref<64x16xf32, #tpu.memory_space<vmem>>, vector<16xf32>,
          tpu.vector_store_idx %arg8[%add3A_476, %broadcast_in_dim3A_832], %get3A_836 masked %eq3A_470 {add = true} : memref<256x128xf32, #tpu.memory_space<vmem>>[vector<16xi32>, vector<16xi32>], vector<16xf32>, vector<16xi1>
          %broadcast_in_dim3A_837 = arith.constant 60 : i32
          %broadcast_in_dim3A_838 = vector.broadcast %broadcast_in_dim3A_837 : i32 to vector<16xi32>
          %get3A_839 = arith.constant 60 : i32
          %get3A_840 = arith.index_cast %get3A_839 : i32 to index
          %get3A_841 = arith.constant 0 : index
          %get3A_842 = tpu.vector_load %arg9[%get3A_840, %get3A_841] {strides = array<i32>} : memref<64x16xf32, #tpu.memory_space<vmem>>, vector<16xf32>,
          tpu.vector_store_idx %arg8[%add3A_476, %broadcast_in_dim3A_838], %get3A_842 masked %eq3A_470 {add = true} : memref<256x128xf32, #tpu.memory_space<vmem>>[vector<16xi32>, vector<16xi32>], vector<16xf32>, vector<16xi1>
          %broadcast_in_dim3A_843 = arith.constant 61 : i32
          %broadcast_in_dim3A_844 = vector.broadcast %broadcast_in_dim3A_843 : i32 to vector<16xi32>
          %get3A_845 = arith.constant 61 : i32
          %get3A_846 = arith.index_cast %get3A_845 : i32 to index
          %get3A_847 = arith.constant 0 : index
          %get3A_848 = tpu.vector_load %arg9[%get3A_846, %get3A_847] {strides = array<i32>} : memref<64x16xf32, #tpu.memory_space<vmem>>, vector<16xf32>,
          tpu.vector_store_idx %arg8[%add3A_476, %broadcast_in_dim3A_844], %get3A_848 masked %eq3A_470 {add = true} : memref<256x128xf32, #tpu.memory_space<vmem>>[vector<16xi32>, vector<16xi32>], vector<16xf32>, vector<16xi1>
          %broadcast_in_dim3A_849 = arith.constant 62 : i32
          %broadcast_in_dim3A_850 = vector.broadcast %broadcast_in_dim3A_849 : i32 to vector<16xi32>
          %get3A_851 = arith.constant 62 : i32
          %get3A_852 = arith.index_cast %get3A_851 : i32 to index
          %get3A_853 = arith.constant 0 : index
          %get3A_854 = tpu.vector_load %arg9[%get3A_852, %get3A_853] {strides = array<i32>} : memref<64x16xf32, #tpu.memory_space<vmem>>, vector<16xf32>,
          tpu.vector_store_idx %arg8[%add3A_476, %broadcast_in_dim3A_850], %get3A_854 masked %eq3A_470 {add = true} : memref<256x128xf32, #tpu.memory_space<vmem>>[vector<16xi32>, vector<16xi32>], vector<16xf32>, vector<16xi1>
          %broadcast_in_dim3A_855 = arith.constant 63 : i32
          %broadcast_in_dim3A_856 = vector.broadcast %broadcast_in_dim3A_855 : i32 to vector<16xi32>
          %get3A_857 = arith.constant 63 : i32
          %get3A_858 = arith.index_cast %get3A_857 : i32 to index
          %get3A_859 = arith.constant 0 : index
          %get3A_860 = tpu.vector_load %arg9[%get3A_858, %get3A_859] {strides = array<i32>} : memref<64x16xf32, #tpu.memory_space<vmem>>, vector<16xf32>,
          tpu.vector_store_idx %arg8[%add3A_476, %broadcast_in_dim3A_856], %get3A_860 masked %eq3A_470 {add = true} : memref<256x128xf32, #tpu.memory_space<vmem>>[vector<16xi32>, vector<16xi32>], vector<16xf32>, vector<16xi1>
          %scan3A_861 = arith.constant 0 : i32
          scf.yield %scan3A_861 : i32
        }
        %scan3A_449 = arith.constant 8 : i32
        %scan3A_450 = arith.constant 0 : i32
        %scan3A_451 = arith.constant 0 : i32
        %scan3A_452 = arith.constant 8 : i32
        %scan3A_453 = arith.addi %scan3A_451, %scan3A_452 : i32
        %scan3A_454 = arith.constant 1 : i32
        %scan3A_455 = scf.for %scan3A_457 = %scan3A_451 to %scan3A_453 step %scan3A_454 iter_args(%scan3A_458 = %scan3A_450) -> (i32)  : i32 {
          %mul3A_459 = arith.constant 2 : i32
          %mul3A_460 = arith.muli %add3A_44, %mul3A_459 : i32
          %add3A_461 = arith.constant 1 : i32
          %add3A_462 = arith.addi %mul3A_460, %add3A_461 : i32
          %mul3A_463 = arith.constant 16 : i32
          %mul3A_464 = arith.muli %scan3A_457, %mul3A_463 : i32
          %get3A_465 = arith.index_cast %add3A_462 : i32 to index
          %get3A_466 = arith.index_cast %mul3A_464 : i32 to index
          %get3A_467 = tpu.vector_load %arg6[%get3A_465, %get3A_466] {strides = array<i32>} : memref<200x128xi32, #tpu.memory_space<vmem>>, vector<16xi32>,
          %eq3A_468 = arith.constant 999999 : i32
          %eq3A_469 = vector.broadcast %eq3A_468 : i32 to vector<16xi32>
          %eq3A_470 = arith.cmpi eq, %get3A_467, %eq3A_469 : vector<16xi32>
          %mul3A_471 = arith.constant 16 : i32
          %mul3A_472 = arith.muli %scan3A_457, %mul3A_471 : i32
          %add3A_473 = arith.constant 128 : i32
          %add3A_474 = arith.addi %add3A_473, %mul3A_472 : i32
          %add3A_475 = vector.broadcast %add3A_474 : i32 to vector<16xi32>
          %add3A_476 = arith.addi %add3A_475, %iota3A : vector<16xi32>
          %broadcast_in_dim3A_477 = arith.constant 0 : i32
          %broadcast_in_dim3A_478 = vector.broadcast %broadcast_in_dim3A_477 : i32 to vector<16xi32>
          %get3A_479 = arith.constant 0 : i32
          %get3A_480 = arith.index_cast %get3A_479 : i32 to index
          %get3A_481 = arith.constant 0 : index
          %get3A_482 = tpu.vector_load %arg9[%get3A_480, %get3A_481] {strides = array<i32>} : memref<64x16xf32, #tpu.memory_space<vmem>>, vector<16xf32>,
          tpu.vector_store_idx %arg8[%add3A_476, %broadcast_in_dim3A_478], %get3A_482 masked %eq3A_470 {add = true} : memref<256x128xf32, #tpu.memory_space<vmem>>[vector<16xi32>, vector<16xi32>], vector<16xf32>, vector<16xi1>
          %broadcast_in_dim3A_483 = arith.constant 1 : i32
          %broadcast_in_dim3A_484 = vector.broadcast %broadcast_in_dim3A_483 : i32 to vector<16xi32>
          %get3A_485 = arith.constant 1 : i32
          %get3A_486 = arith.index_cast %get3A_485 : i32 to index
          %get3A_487 = arith.constant 0 : index
          %get3A_488 = tpu.vector_load %arg9[%get3A_486, %get3A_487] {strides = array<i32>} : memref<64x16xf32, #tpu.memory_space<vmem>>, vector<16xf32>,
          tpu.vector_store_idx %arg8[%add3A_476, %broadcast_in_dim3A_484], %get3A_488 masked %eq3A_470 {add = true} : memref<256x128xf32, #tpu.memory_space<vmem>>[vector<16xi32>, vector<16xi32>], vector<16xf32>, vector<16xi1>
          %broadcast_in_dim3A_489 = arith.constant 2 : i32
          %broadcast_in_dim3A_490 = vector.broadcast %broadcast_in_dim3A_489 : i32 to vector<16xi32>
          %get3A_491 = arith.constant 2 : i32
          %get3A_492 = arith.index_cast %get3A_491 : i32 to index
          %get3A_493 = arith.constant 0 : index
          %get3A_494 = tpu.vector_load %arg9[%get3A_492, %get3A_493] {strides = array<i32>} : memref<64x16xf32, #tpu.memory_space<vmem>>, vector<16xf32>,
          tpu.vector_store_idx %arg8[%add3A_476, %broadcast_in_dim3A_490], %get3A_494 masked %eq3A_470 {add = true} : memref<256x128xf32, #tpu.memory_space<vmem>>[vector<16xi32>, vector<16xi32>], vector<16xf32>, vector<16xi1>
          %broadcast_in_dim3A_495 = arith.constant 3 : i32
          %broadcast_in_dim3A_496 = vector.broadcast %broadcast_in_dim3A_495 : i32 to vector<16xi32>
          %get3A_497 = arith.constant 3 : i32
          %get3A_498 = arith.index_cast %get3A_497 : i32 to index
          %get3A_499 = arith.constant 0 : index
          %get3A_500 = tpu.vector_load %arg9[%get3A_498, %get3A_499] {strides = array<i32>} : memref<64x16xf32, #tpu.memory_space<vmem>>, vector<16xf32>,
          tpu.vector_store_idx %arg8[%add3A_476, %broadcast_in_dim3A_496], %get3A_500 masked %eq3A_470 {add = true} : memref<256x128xf32, #tpu.memory_space<vmem>>[vector<16xi32>, vector<16xi32>], vector<16xf32>, vector<16xi1>
          %broadcast_in_dim3A_501 = arith.constant 4 : i32
          %broadcast_in_dim3A_502 = vector.broadcast %broadcast_in_dim3A_501 : i32 to vector<16xi32>
          %get3A_503 = arith.constant 4 : i32
          %get3A_504 = arith.index_cast %get3A_503 : i32 to index
          %get3A_505 = arith.constant 0 : index
          %get3A_506 = tpu.vector_load %arg9[%get3A_504, %get3A_505] {strides = array<i32>} : memref<64x16xf32, #tpu.memory_space<vmem>>, vector<16xf32>,
          tpu.vector_store_idx %arg8[%add3A_476, %broadcast_in_dim3A_502], %get3A_506 masked %eq3A_470 {add = true} : memref<256x128xf32, #tpu.memory_space<vmem>>[vector<16xi32>, vector<16xi32>], vector<16xf32>, vector<16xi1>
          %broadcast_in_dim3A_507 = arith.constant 5 : i32
          %broadcast_in_dim3A_508 = vector.broadcast %broadcast_in_dim3A_507 : i32 to vector<16xi32>
          %get3A_509 = arith.constant 5 : i32
          %get3A_510 = arith.index_cast %get3A_509 : i32 to index
          %get3A_511 = arith.constant 0 : index
          %get3A_512 = tpu.vector_load %arg9[%get3A_510, %get3A_511] {strides = array<i32>} : memref<64x16xf32, #tpu.memory_space<vmem>>, vector<16xf32>,
          tpu.vector_store_idx %arg8[%add3A_476, %broadcast_in_dim3A_508], %get3A_512 masked %eq3A_470 {add = true} : memref<256x128xf32, #tpu.memory_space<vmem>>[vector<16xi32>, vector<16xi32>], vector<16xf32>, vector<16xi1>
          %broadcast_in_dim3A_513 = arith.constant 6 : i32
          %broadcast_in_dim3A_514 = vector.broadcast %broadcast_in_dim3A_513 : i32 to vector<16xi32>
          %get3A_515 = arith.constant 6 : i32
          %get3A_516 = arith.index_cast %get3A_515 : i32 to index
          %get3A_517 = arith.constant 0 : index
          %get3A_518 = tpu.vector_load %arg9[%get3A_516, %get3A_517] {strides = array<i32>} : memref<64x16xf32, #tpu.memory_space<vmem>>, vector<16xf32>,
          tpu.vector_store_idx %arg8[%add3A_476, %broadcast_in_dim3A_514], %get3A_518 masked %eq3A_470 {add = true} : memref<256x128xf32, #tpu.memory_space<vmem>>[vector<16xi32>, vector<16xi32>], vector<16xf32>, vector<16xi1>
          %broadcast_in_dim3A_519 = arith.constant 7 : i32
          %broadcast_in_dim3A_520 = vector.broadcast %broadcast_in_dim3A_519 : i32 to vector<16xi32>
          %get3A_521 = arith.constant 7 : i32
          %get3A_522 = arith.index_cast %get3A_521 : i32 to index
          %get3A_523 = arith.constant 0 : index
          %get3A_524 = tpu.vector_load %arg9[%get3A_522, %get3A_523] {strides = array<i32>} : memref<64x16xf32, #tpu.memory_space<vmem>>, vector<16xf32>,
          tpu.vector_store_idx %arg8[%add3A_476, %broadcast_in_dim3A_520], %get3A_524 masked %eq3A_470 {add = true} : memref<256x128xf32, #tpu.memory_space<vmem>>[vector<16xi32>, vector<16xi32>], vector<16xf32>, vector<16xi1>
          %broadcast_in_dim3A_525 = arith.constant 8 : i32
          %broadcast_in_dim3A_526 = vector.broadcast %broadcast_in_dim3A_525 : i32 to vector<16xi32>
          %get3A_527 = arith.constant 8 : i32
          %get3A_528 = arith.index_cast %get3A_527 : i32 to index
          %get3A_529 = arith.constant 0 : index
          %get3A_530 = tpu.vector_load %arg9[%get3A_528, %get3A_529] {strides = array<i32>} : memref<64x16xf32, #tpu.memory_space<vmem>>, vector<16xf32>,
          tpu.vector_store_idx %arg8[%add3A_476, %broadcast_in_dim3A_526], %get3A_530 masked %eq3A_470 {add = true} : memref<256x128xf32, #tpu.memory_space<vmem>>[vector<16xi32>, vector<16xi32>], vector<16xf32>, vector<16xi1>
          %broadcast_in_dim3A_531 = arith.constant 9 : i32
          %broadcast_in_dim3A_532 = vector.broadcast %broadcast_in_dim3A_531 : i32 to vector<16xi32>
          %get3A_533 = arith.constant 9 : i32
          %get3A_534 = arith.index_cast %get3A_533 : i32 to index
          %get3A_535 = arith.constant 0 : index
          %get3A_536 = tpu.vector_load %arg9[%get3A_534, %get3A_535] {strides = array<i32>} : memref<64x16xf32, #tpu.memory_space<vmem>>, vector<16xf32>,
          tpu.vector_store_idx %arg8[%add3A_476, %broadcast_in_dim3A_532], %get3A_536 masked %eq3A_470 {add = true} : memref<256x128xf32, #tpu.memory_space<vmem>>[vector<16xi32>, vector<16xi32>], vector<16xf32>, vector<16xi1>
          %broadcast_in_dim3A_537 = arith.constant 10 : i32
          %broadcast_in_dim3A_538 = vector.broadcast %broadcast_in_dim3A_537 : i32 to vector<16xi32>
          %get3A_539 = arith.constant 10 : i32
          %get3A_540 = arith.index_cast %get3A_539 : i32 to index
          %get3A_541 = arith.constant 0 : index
          %get3A_542 = tpu.vector_load %arg9[%get3A_540, %get3A_541] {strides = array<i32>} : memref<64x16xf32, #tpu.memory_space<vmem>>, vector<16xf32>,
          tpu.vector_store_idx %arg8[%add3A_476, %broadcast_in_dim3A_538], %get3A_542 masked %eq3A_470 {add = true} : memref<256x128xf32, #tpu.memory_space<vmem>>[vector<16xi32>, vector<16xi32>], vector<16xf32>, vector<16xi1>
          %broadcast_in_dim3A_543 = arith.constant 11 : i32
          %broadcast_in_dim3A_544 = vector.broadcast %broadcast_in_dim3A_543 : i32 to vector<16xi32>
          %get3A_545 = arith.constant 11 : i32
          %get3A_546 = arith.index_cast %get3A_545 : i32 to index
          %get3A_547 = arith.constant 0 : index
          %get3A_548 = tpu.vector_load %arg9[%get3A_546, %get3A_547] {strides = array<i32>} : memref<64x16xf32, #tpu.memory_space<vmem>>, vector<16xf32>,
          tpu.vector_store_idx %arg8[%add3A_476, %broadcast_in_dim3A_544], %get3A_548 masked %eq3A_470 {add = true} : memref<256x128xf32, #tpu.memory_space<vmem>>[vector<16xi32>, vector<16xi32>], vector<16xf32>, vector<16xi1>
          %broadcast_in_dim3A_549 = arith.constant 12 : i32
          %broadcast_in_dim3A_550 = vector.broadcast %broadcast_in_dim3A_549 : i32 to vector<16xi32>
          %get3A_551 = arith.constant 12 : i32
          %get3A_552 = arith.index_cast %get3A_551 : i32 to index
          %get3A_553 = arith.constant 0 : index
          %get3A_554 = tpu.vector_load %arg9[%get3A_552, %get3A_553] {strides = array<i32>} : memref<64x16xf32, #tpu.memory_space<vmem>>, vector<16xf32>,
          tpu.vector_store_idx %arg8[%add3A_476, %broadcast_in_dim3A_550], %get3A_554 masked %eq3A_470 {add = true} : memref<256x128xf32, #tpu.memory_space<vmem>>[vector<16xi32>, vector<16xi32>], vector<16xf32>, vector<16xi1>
          %broadcast_in_dim3A_555 = arith.constant 13 : i32
          %broadcast_in_dim3A_556 = vector.broadcast %broadcast_in_dim3A_555 : i32 to vector<16xi32>
          %get3A_557 = arith.constant 13 : i32
          %get3A_558 = arith.index_cast %get3A_557 : i32 to index
          %get3A_559 = arith.constant 0 : index
          %get3A_560 = tpu.vector_load %arg9[%get3A_558, %get3A_559] {strides = array<i32>} : memref<64x16xf32, #tpu.memory_space<vmem>>, vector<16xf32>,
          tpu.vector_store_idx %arg8[%add3A_476, %broadcast_in_dim3A_556], %get3A_560 masked %eq3A_470 {add = true} : memref<256x128xf32, #tpu.memory_space<vmem>>[vector<16xi32>, vector<16xi32>], vector<16xf32>, vector<16xi1>
          %broadcast_in_dim3A_561 = arith.constant 14 : i32
          %broadcast_in_dim3A_562 = vector.broadcast %broadcast_in_dim3A_561 : i32 to vector<16xi32>
          %get3A_563 = arith.constant 14 : i32
          %get3A_564 = arith.index_cast %get3A_563 : i32 to index
          %get3A_565 = arith.constant 0 : index
          %get3A_566 = tpu.vector_load %arg9[%get3A_564, %get3A_565] {strides = array<i32>} : memref<64x16xf32, #tpu.memory_space<vmem>>, vector<16xf32>,
          tpu.vector_store_idx %arg8[%add3A_476, %broadcast_in_dim3A_562], %get3A_566 masked %eq3A_470 {add = true} : memref<256x128xf32, #tpu.memory_space<vmem>>[vector<16xi32>, vector<16xi32>], vector<16xf32>, vector<16xi1>
          %broadcast_in_dim3A_567 = arith.constant 15 : i32
          %broadcast_in_dim3A_568 = vector.broadcast %broadcast_in_dim3A_567 : i32 to vector<16xi32>
          %get3A_569 = arith.constant 15 : i32
          %get3A_570 = arith.index_cast %get3A_569 : i32 to index
          %get3A_571 = arith.constant 0 : index
          %get3A_572 = tpu.vector_load %arg9[%get3A_570, %get3A_571] {strides = array<i32>} : memref<64x16xf32, #tpu.memory_space<vmem>>, vector<16xf32>,
          tpu.vector_store_idx %arg8[%add3A_476, %broadcast_in_dim3A_568], %get3A_572 masked %eq3A_470 {add = true} : memref<256x128xf32, #tpu.memory_space<vmem>>[vector<16xi32>, vector<16xi32>], vector<16xf32>, vector<16xi1>
          %broadcast_in_dim3A_573 = arith.constant 16 : i32
          %broadcast_in_dim3A_574 = vector.broadcast %broadcast_in_dim3A_573 : i32 to vector<16xi32>
          %get3A_575 = arith.constant 16 : i32
          %get3A_576 = arith.index_cast %get3A_575 : i32 to index
          %get3A_577 = arith.constant 0 : index
          %get3A_578 = tpu.vector_load %arg9[%get3A_576, %get3A_577] {strides = array<i32>} : memref<64x16xf32, #tpu.memory_space<vmem>>, vector<16xf32>,
          tpu.vector_store_idx %arg8[%add3A_476, %broadcast_in_dim3A_574], %get3A_578 masked %eq3A_470 {add = true} : memref<256x128xf32, #tpu.memory_space<vmem>>[vector<16xi32>, vector<16xi32>], vector<16xf32>, vector<16xi1>
          %broadcast_in_dim3A_579 = arith.constant 17 : i32
          %broadcast_in_dim3A_580 = vector.broadcast %broadcast_in_dim3A_579 : i32 to vector<16xi32>
          %get3A_581 = arith.constant 17 : i32
          %get3A_582 = arith.index_cast %get3A_581 : i32 to index
          %get3A_583 = arith.constant 0 : index
          %get3A_584 = tpu.vector_load %arg9[%get3A_582, %get3A_583] {strides = array<i32>} : memref<64x16xf32, #tpu.memory_space<vmem>>, vector<16xf32>,
          tpu.vector_store_idx %arg8[%add3A_476, %broadcast_in_dim3A_580], %get3A_584 masked %eq3A_470 {add = true} : memref<256x128xf32, #tpu.memory_space<vmem>>[vector<16xi32>, vector<16xi32>], vector<16xf32>, vector<16xi1>
          %broadcast_in_dim3A_585 = arith.constant 18 : i32
          %broadcast_in_dim3A_586 = vector.broadcast %broadcast_in_dim3A_585 : i32 to vector<16xi32>
          %get3A_587 = arith.constant 18 : i32
          %get3A_588 = arith.index_cast %get3A_587 : i32 to index
          %get3A_589 = arith.constant 0 : index
          %get3A_590 = tpu.vector_load %arg9[%get3A_588, %get3A_589] {strides = array<i32>} : memref<64x16xf32, #tpu.memory_space<vmem>>, vector<16xf32>,
          tpu.vector_store_idx %arg8[%add3A_476, %broadcast_in_dim3A_586], %get3A_590 masked %eq3A_470 {add = true} : memref<256x128xf32, #tpu.memory_space<vmem>>[vector<16xi32>, vector<16xi32>], vector<16xf32>, vector<16xi1>
          %broadcast_in_dim3A_591 = arith.constant 19 : i32
          %broadcast_in_dim3A_592 = vector.broadcast %broadcast_in_dim3A_591 : i32 to vector<16xi32>
          %get3A_593 = arith.constant 19 : i32
          %get3A_594 = arith.index_cast %get3A_593 : i32 to index
          %get3A_595 = arith.constant 0 : index
          %get3A_596 = tpu.vector_load %arg9[%get3A_594, %get3A_595] {strides = array<i32>} : memref<64x16xf32, #tpu.memory_space<vmem>>, vector<16xf32>,
          tpu.vector_store_idx %arg8[%add3A_476, %broadcast_in_dim3A_592], %get3A_596 masked %eq3A_470 {add = true} : memref<256x128xf32, #tpu.memory_space<vmem>>[vector<16xi32>, vector<16xi32>], vector<16xf32>, vector<16xi1>
          %broadcast_in_dim3A_597 = arith.constant 20 : i32
          %broadcast_in_dim3A_598 = vector.broadcast %broadcast_in_dim3A_597 : i32 to vector<16xi32>
          %get3A_599 = arith.constant 20 : i32
          %get3A_600 = arith.index_cast %get3A_599 : i32 to index
          %get3A_601 = arith.constant 0 : index
          %get3A_602 = tpu.vector_load %arg9[%get3A_600, %get3A_601] {strides = array<i32>} : memref<64x16xf32, #tpu.memory_space<vmem>>, vector<16xf32>,
          tpu.vector_store_idx %arg8[%add3A_476, %broadcast_in_dim3A_598], %get3A_602 masked %eq3A_470 {add = true} : memref<256x128xf32, #tpu.memory_space<vmem>>[vector<16xi32>, vector<16xi32>], vector<16xf32>, vector<16xi1>
          %broadcast_in_dim3A_603 = arith.constant 21 : i32
          %broadcast_in_dim3A_604 = vector.broadcast %broadcast_in_dim3A_603 : i32 to vector<16xi32>
          %get3A_605 = arith.constant 21 : i32
          %get3A_606 = arith.index_cast %get3A_605 : i32 to index
          %get3A_607 = arith.constant 0 : index
          %get3A_608 = tpu.vector_load %arg9[%get3A_606, %get3A_607] {strides = array<i32>} : memref<64x16xf32, #tpu.memory_space<vmem>>, vector<16xf32>,
          tpu.vector_store_idx %arg8[%add3A_476, %broadcast_in_dim3A_604], %get3A_608 masked %eq3A_470 {add = true} : memref<256x128xf32, #tpu.memory_space<vmem>>[vector<16xi32>, vector<16xi32>], vector<16xf32>, vector<16xi1>
          %broadcast_in_dim3A_609 = arith.constant 22 : i32
          %broadcast_in_dim3A_610 = vector.broadcast %broadcast_in_dim3A_609 : i32 to vector<16xi32>
          %get3A_611 = arith.constant 22 : i32
          %get3A_612 = arith.index_cast %get3A_611 : i32 to index
          %get3A_613 = arith.constant 0 : index
          %get3A_614 = tpu.vector_load %arg9[%get3A_612, %get3A_613] {strides = array<i32>} : memref<64x16xf32, #tpu.memory_space<vmem>>, vector<16xf32>,
          tpu.vector_store_idx %arg8[%add3A_476, %broadcast_in_dim3A_610], %get3A_614 masked %eq3A_470 {add = true} : memref<256x128xf32, #tpu.memory_space<vmem>>[vector<16xi32>, vector<16xi32>], vector<16xf32>, vector<16xi1>
          %broadcast_in_dim3A_615 = arith.constant 23 : i32
          %broadcast_in_dim3A_616 = vector.broadcast %broadcast_in_dim3A_615 : i32 to vector<16xi32>
          %get3A_617 = arith.constant 23 : i32
          %get3A_618 = arith.index_cast %get3A_617 : i32 to index
          %get3A_619 = arith.constant 0 : index
          %get3A_620 = tpu.vector_load %arg9[%get3A_618, %get3A_619] {strides = array<i32>} : memref<64x16xf32, #tpu.memory_space<vmem>>, vector<16xf32>,
          tpu.vector_store_idx %arg8[%add3A_476, %broadcast_in_dim3A_616], %get3A_620 masked %eq3A_470 {add = true} : memref<256x128xf32, #tpu.memory_space<vmem>>[vector<16xi32>, vector<16xi32>], vector<16xf32>, vector<16xi1>
          %broadcast_in_dim3A_621 = arith.constant 24 : i32
          %broadcast_in_dim3A_622 = vector.broadcast %broadcast_in_dim3A_621 : i32 to vector<16xi32>
          %get3A_623 = arith.constant 24 : i32
          %get3A_624 = arith.index_cast %get3A_623 : i32 to index
          %get3A_625 = arith.constant 0 : index
          %get3A_626 = tpu.vector_load %arg9[%get3A_624, %get3A_625] {strides = array<i32>} : memref<64x16xf32, #tpu.memory_space<vmem>>, vector<16xf32>,
          tpu.vector_store_idx %arg8[%add3A_476, %broadcast_in_dim3A_622], %get3A_626 masked %eq3A_470 {add = true} : memref<256x128xf32, #tpu.memory_space<vmem>>[vector<16xi32>, vector<16xi32>], vector<16xf32>, vector<16xi1>
          %broadcast_in_dim3A_627 = arith.constant 25 : i32
          %broadcast_in_dim3A_628 = vector.broadcast %broadcast_in_dim3A_627 : i32 to vector<16xi32>
          %get3A_629 = arith.constant 25 : i32
          %get3A_630 = arith.index_cast %get3A_629 : i32 to index
          %get3A_631 = arith.constant 0 : index
          %get3A_632 = tpu.vector_load %arg9[%get3A_630, %get3A_631] {strides = array<i32>} : memref<64x16xf32, #tpu.memory_space<vmem>>, vector<16xf32>,
          tpu.vector_store_idx %arg8[%add3A_476, %broadcast_in_dim3A_628], %get3A_632 masked %eq3A_470 {add = true} : memref<256x128xf32, #tpu.memory_space<vmem>>[vector<16xi32>, vector<16xi32>], vector<16xf32>, vector<16xi1>
          %broadcast_in_dim3A_633 = arith.constant 26 : i32
          %broadcast_in_dim3A_634 = vector.broadcast %broadcast_in_dim3A_633 : i32 to vector<16xi32>
          %get3A_635 = arith.constant 26 : i32
          %get3A_636 = arith.index_cast %get3A_635 : i32 to index
          %get3A_637 = arith.constant 0 : index
          %get3A_638 = tpu.vector_load %arg9[%get3A_636, %get3A_637] {strides = array<i32>} : memref<64x16xf32, #tpu.memory_space<vmem>>, vector<16xf32>,
          tpu.vector_store_idx %arg8[%add3A_476, %broadcast_in_dim3A_634], %get3A_638 masked %eq3A_470 {add = true} : memref<256x128xf32, #tpu.memory_space<vmem>>[vector<16xi32>, vector<16xi32>], vector<16xf32>, vector<16xi1>
          %broadcast_in_dim3A_639 = arith.constant 27 : i32
          %broadcast_in_dim3A_640 = vector.broadcast %broadcast_in_dim3A_639 : i32 to vector<16xi32>
          %get3A_641 = arith.constant 27 : i32
          %get3A_642 = arith.index_cast %get3A_641 : i32 to index
          %get3A_643 = arith.constant 0 : index
          %get3A_644 = tpu.vector_load %arg9[%get3A_642, %get3A_643] {strides = array<i32>} : memref<64x16xf32, #tpu.memory_space<vmem>>, vector<16xf32>,
          tpu.vector_store_idx %arg8[%add3A_476, %broadcast_in_dim3A_640], %get3A_644 masked %eq3A_470 {add = true} : memref<256x128xf32, #tpu.memory_space<vmem>>[vector<16xi32>, vector<16xi32>], vector<16xf32>, vector<16xi1>
          %broadcast_in_dim3A_645 = arith.constant 28 : i32
          %broadcast_in_dim3A_646 = vector.broadcast %broadcast_in_dim3A_645 : i32 to vector<16xi32>
          %get3A_647 = arith.constant 28 : i32
          %get3A_648 = arith.index_cast %get3A_647 : i32 to index
          %get3A_649 = arith.constant 0 : index
          %get3A_650 = tpu.vector_load %arg9[%get3A_648, %get3A_649] {strides = array<i32>} : memref<64x16xf32, #tpu.memory_space<vmem>>, vector<16xf32>,
          tpu.vector_store_idx %arg8[%add3A_476, %broadcast_in_dim3A_646], %get3A_650 masked %eq3A_470 {add = true} : memref<256x128xf32, #tpu.memory_space<vmem>>[vector<16xi32>, vector<16xi32>], vector<16xf32>, vector<16xi1>
          %broadcast_in_dim3A_651 = arith.constant 29 : i32
          %broadcast_in_dim3A_652 = vector.broadcast %broadcast_in_dim3A_651 : i32 to vector<16xi32>
          %get3A_653 = arith.constant 29 : i32
          %get3A_654 = arith.index_cast %get3A_653 : i32 to index
          %get3A_655 = arith.constant 0 : index
          %get3A_656 = tpu.vector_load %arg9[%get3A_654, %get3A_655] {strides = array<i32>} : memref<64x16xf32, #tpu.memory_space<vmem>>, vector<16xf32>,
          tpu.vector_store_idx %arg8[%add3A_476, %broadcast_in_dim3A_652], %get3A_656 masked %eq3A_470 {add = true} : memref<256x128xf32, #tpu.memory_space<vmem>>[vector<16xi32>, vector<16xi32>], vector<16xf32>, vector<16xi1>
          %broadcast_in_dim3A_657 = arith.constant 30 : i32
          %broadcast_in_dim3A_658 = vector.broadcast %broadcast_in_dim3A_657 : i32 to vector<16xi32>
          %get3A_659 = arith.constant 30 : i32
          %get3A_660 = arith.index_cast %get3A_659 : i32 to index
          %get3A_661 = arith.constant 0 : index
          %get3A_662 = tpu.vector_load %arg9[%get3A_660, %get3A_661] {strides = array<i32>} : memref<64x16xf32, #tpu.memory_space<vmem>>, vector<16xf32>,
          tpu.vector_store_idx %arg8[%add3A_476, %broadcast_in_dim3A_658], %get3A_662 masked %eq3A_470 {add = true} : memref<256x128xf32, #tpu.memory_space<vmem>>[vector<16xi32>, vector<16xi32>], vector<16xf32>, vector<16xi1>
          %broadcast_in_dim3A_663 = arith.constant 31 : i32
          %broadcast_in_dim3A_664 = vector.broadcast %broadcast_in_dim3A_663 : i32 to vector<16xi32>
          %get3A_665 = arith.constant 31 : i32
          %get3A_666 = arith.index_cast %get3A_665 : i32 to index
          %get3A_667 = arith.constant 0 : index
          %get3A_668 = tpu.vector_load %arg9[%get3A_666, %get3A_667] {strides = array<i32>} : memref<64x16xf32, #tpu.memory_space<vmem>>, vector<16xf32>,
          tpu.vector_store_idx %arg8[%add3A_476, %broadcast_in_dim3A_664], %get3A_668 masked %eq3A_470 {add = true} : memref<256x128xf32, #tpu.memory_space<vmem>>[vector<16xi32>, vector<16xi32>], vector<16xf32>, vector<16xi1>
          %broadcast_in_dim3A_669 = arith.constant 32 : i32
          %broadcast_in_dim3A_670 = vector.broadcast %broadcast_in_dim3A_669 : i32 to vector<16xi32>
          %get3A_671 = arith.constant 32 : i32
          %get3A_672 = arith.index_cast %get3A_671 : i32 to index
          %get3A_673 = arith.constant 0 : index
          %get3A_674 = tpu.vector_load %arg9[%get3A_672, %get3A_673] {strides = array<i32>} : memref<64x16xf32, #tpu.memory_space<vmem>>, vector<16xf32>,
          tpu.vector_store_idx %arg8[%add3A_476, %broadcast_in_dim3A_670], %get3A_674 masked %eq3A_470 {add = true} : memref<256x128xf32, #tpu.memory_space<vmem>>[vector<16xi32>, vector<16xi32>], vector<16xf32>, vector<16xi1>
          %broadcast_in_dim3A_675 = arith.constant 33 : i32
          %broadcast_in_dim3A_676 = vector.broadcast %broadcast_in_dim3A_675 : i32 to vector<16xi32>
          %get3A_677 = arith.constant 33 : i32
          %get3A_678 = arith.index_cast %get3A_677 : i32 to index
          %get3A_679 = arith.constant 0 : index
          %get3A_680 = tpu.vector_load %arg9[%get3A_678, %get3A_679] {strides = array<i32>} : memref<64x16xf32, #tpu.memory_space<vmem>>, vector<16xf32>,
          tpu.vector_store_idx %arg8[%add3A_476, %broadcast_in_dim3A_676], %get3A_680 masked %eq3A_470 {add = true} : memref<256x128xf32, #tpu.memory_space<vmem>>[vector<16xi32>, vector<16xi32>], vector<16xf32>, vector<16xi1>
          %broadcast_in_dim3A_681 = arith.constant 34 : i32
          %broadcast_in_dim3A_682 = vector.broadcast %broadcast_in_dim3A_681 : i32 to vector<16xi32>
          %get3A_683 = arith.constant 34 : i32
          %get3A_684 = arith.index_cast %get3A_683 : i32 to index
          %get3A_685 = arith.constant 0 : index
          %get3A_686 = tpu.vector_load %arg9[%get3A_684, %get3A_685] {strides = array<i32>} : memref<64x16xf32, #tpu.memory_space<vmem>>, vector<16xf32>,
          tpu.vector_store_idx %arg8[%add3A_476, %broadcast_in_dim3A_682], %get3A_686 masked %eq3A_470 {add = true} : memref<256x128xf32, #tpu.memory_space<vmem>>[vector<16xi32>, vector<16xi32>], vector<16xf32>, vector<16xi1>
          %broadcast_in_dim3A_687 = arith.constant 35 : i32
          %broadcast_in_dim3A_688 = vector.broadcast %broadcast_in_dim3A_687 : i32 to vector<16xi32>
          %get3A_689 = arith.constant 35 : i32
          %get3A_690 = arith.index_cast %get3A_689 : i32 to index
          %get3A_691 = arith.constant 0 : index
          %get3A_692 = tpu.vector_load %arg9[%get3A_690, %get3A_691] {strides = array<i32>} : memref<64x16xf32, #tpu.memory_space<vmem>>, vector<16xf32>,
          tpu.vector_store_idx %arg8[%add3A_476, %broadcast_in_dim3A_688], %get3A_692 masked %eq3A_470 {add = true} : memref<256x128xf32, #tpu.memory_space<vmem>>[vector<16xi32>, vector<16xi32>], vector<16xf32>, vector<16xi1>
          %broadcast_in_dim3A_693 = arith.constant 36 : i32
          %broadcast_in_dim3A_694 = vector.broadcast %broadcast_in_dim3A_693 : i32 to vector<16xi32>
          %get3A_695 = arith.constant 36 : i32
          %get3A_696 = arith.index_cast %get3A_695 : i32 to index
          %get3A_697 = arith.constant 0 : index
          %get3A_698 = tpu.vector_load %arg9[%get3A_696, %get3A_697] {strides = array<i32>} : memref<64x16xf32, #tpu.memory_space<vmem>>, vector<16xf32>,
          tpu.vector_store_idx %arg8[%add3A_476, %broadcast_in_dim3A_694], %get3A_698 masked %eq3A_470 {add = true} : memref<256x128xf32, #tpu.memory_space<vmem>>[vector<16xi32>, vector<16xi32>], vector<16xf32>, vector<16xi1>
          %broadcast_in_dim3A_699 = arith.constant 37 : i32
          %broadcast_in_dim3A_700 = vector.broadcast %broadcast_in_dim3A_699 : i32 to vector<16xi32>
          %get3A_701 = arith.constant 37 : i32
          %get3A_702 = arith.index_cast %get3A_701 : i32 to index
          %get3A_703 = arith.constant 0 : index
          %get3A_704 = tpu.vector_load %arg9[%get3A_702, %get3A_703] {strides = array<i32>} : memref<64x16xf32, #tpu.memory_space<vmem>>, vector<16xf32>,
          tpu.vector_store_idx %arg8[%add3A_476, %broadcast_in_dim3A_700], %get3A_704 masked %eq3A_470 {add = true} : memref<256x128xf32, #tpu.memory_space<vmem>>[vector<16xi32>, vector<16xi32>], vector<16xf32>, vector<16xi1>
          %broadcast_in_dim3A_705 = arith.constant 38 : i32
          %broadcast_in_dim3A_706 = vector.broadcast %broadcast_in_dim3A_705 : i32 to vector<16xi32>
          %get3A_707 = arith.constant 38 : i32
          %get3A_708 = arith.index_cast %get3A_707 : i32 to index
          %get3A_709 = arith.constant 0 : index
          %get3A_710 = tpu.vector_load %arg9[%get3A_708, %get3A_709] {strides = array<i32>} : memref<64x16xf32, #tpu.memory_space<vmem>>, vector<16xf32>,
          tpu.vector_store_idx %arg8[%add3A_476, %broadcast_in_dim3A_706], %get3A_710 masked %eq3A_470 {add = true} : memref<256x128xf32, #tpu.memory_space<vmem>>[vector<16xi32>, vector<16xi32>], vector<16xf32>, vector<16xi1>
          %broadcast_in_dim3A_711 = arith.constant 39 : i32
          %broadcast_in_dim3A_712 = vector.broadcast %broadcast_in_dim3A_711 : i32 to vector<16xi32>
          %get3A_713 = arith.constant 39 : i32
          %get3A_714 = arith.index_cast %get3A_713 : i32 to index
          %get3A_715 = arith.constant 0 : index
          %get3A_716 = tpu.vector_load %arg9[%get3A_714, %get3A_715] {strides = array<i32>} : memref<64x16xf32, #tpu.memory_space<vmem>>, vector<16xf32>,
          tpu.vector_store_idx %arg8[%add3A_476, %broadcast_in_dim3A_712], %get3A_716 masked %eq3A_470 {add = true} : memref<256x128xf32, #tpu.memory_space<vmem>>[vector<16xi32>, vector<16xi32>], vector<16xf32>, vector<16xi1>
          %broadcast_in_dim3A_717 = arith.constant 40 : i32
          %broadcast_in_dim3A_718 = vector.broadcast %broadcast_in_dim3A_717 : i32 to vector<16xi32>
          %get3A_719 = arith.constant 40 : i32
          %get3A_720 = arith.index_cast %get3A_719 : i32 to index
          %get3A_721 = arith.constant 0 : index
          %get3A_722 = tpu.vector_load %arg9[%get3A_720, %get3A_721] {strides = array<i32>} : memref<64x16xf32, #tpu.memory_space<vmem>>, vector<16xf32>,
          tpu.vector_store_idx %arg8[%add3A_476, %broadcast_in_dim3A_718], %get3A_722 masked %eq3A_470 {add = true} : memref<256x128xf32, #tpu.memory_space<vmem>>[vector<16xi32>, vector<16xi32>], vector<16xf32>, vector<16xi1>
          %broadcast_in_dim3A_723 = arith.constant 41 : i32
          %broadcast_in_dim3A_724 = vector.broadcast %broadcast_in_dim3A_723 : i32 to vector<16xi32>
          %get3A_725 = arith.constant 41 : i32
          %get3A_726 = arith.index_cast %get3A_725 : i32 to index
          %get3A_727 = arith.constant 0 : index
          %get3A_728 = tpu.vector_load %arg9[%get3A_726, %get3A_727] {strides = array<i32>} : memref<64x16xf32, #tpu.memory_space<vmem>>, vector<16xf32>,
          tpu.vector_store_idx %arg8[%add3A_476, %broadcast_in_dim3A_724], %get3A_728 masked %eq3A_470 {add = true} : memref<256x128xf32, #tpu.memory_space<vmem>>[vector<16xi32>, vector<16xi32>], vector<16xf32>, vector<16xi1>
          %broadcast_in_dim3A_729 = arith.constant 42 : i32
          %broadcast_in_dim3A_730 = vector.broadcast %broadcast_in_dim3A_729 : i32 to vector<16xi32>
          %get3A_731 = arith.constant 42 : i32
          %get3A_732 = arith.index_cast %get3A_731 : i32 to index
          %get3A_733 = arith.constant 0 : index
          %get3A_734 = tpu.vector_load %arg9[%get3A_732, %get3A_733] {strides = array<i32>} : memref<64x16xf32, #tpu.memory_space<vmem>>, vector<16xf32>,
          tpu.vector_store_idx %arg8[%add3A_476, %broadcast_in_dim3A_730], %get3A_734 masked %eq3A_470 {add = true} : memref<256x128xf32, #tpu.memory_space<vmem>>[vector<16xi32>, vector<16xi32>], vector<16xf32>, vector<16xi1>
          %broadcast_in_dim3A_735 = arith.constant 43 : i32
          %broadcast_in_dim3A_736 = vector.broadcast %broadcast_in_dim3A_735 : i32 to vector<16xi32>
          %get3A_737 = arith.constant 43 : i32
          %get3A_738 = arith.index_cast %get3A_737 : i32 to index
          %get3A_739 = arith.constant 0 : index
          %get3A_740 = tpu.vector_load %arg9[%get3A_738, %get3A_739] {strides = array<i32>} : memref<64x16xf32, #tpu.memory_space<vmem>>, vector<16xf32>,
          tpu.vector_store_idx %arg8[%add3A_476, %broadcast_in_dim3A_736], %get3A_740 masked %eq3A_470 {add = true} : memref<256x128xf32, #tpu.memory_space<vmem>>[vector<16xi32>, vector<16xi32>], vector<16xf32>, vector<16xi1>
          %broadcast_in_dim3A_741 = arith.constant 44 : i32
          %broadcast_in_dim3A_742 = vector.broadcast %broadcast_in_dim3A_741 : i32 to vector<16xi32>
          %get3A_743 = arith.constant 44 : i32
          %get3A_744 = arith.index_cast %get3A_743 : i32 to index
          %get3A_745 = arith.constant 0 : index
          %get3A_746 = tpu.vector_load %arg9[%get3A_744, %get3A_745] {strides = array<i32>} : memref<64x16xf32, #tpu.memory_space<vmem>>, vector<16xf32>,
          tpu.vector_store_idx %arg8[%add3A_476, %broadcast_in_dim3A_742], %get3A_746 masked %eq3A_470 {add = true} : memref<256x128xf32, #tpu.memory_space<vmem>>[vector<16xi32>, vector<16xi32>], vector<16xf32>, vector<16xi1>
          %broadcast_in_dim3A_747 = arith.constant 45 : i32
          %broadcast_in_dim3A_748 = vector.broadcast %broadcast_in_dim3A_747 : i32 to vector<16xi32>
          %get3A_749 = arith.constant 45 : i32
          %get3A_750 = arith.index_cast %get3A_749 : i32 to index
          %get3A_751 = arith.constant 0 : index
          %get3A_752 = tpu.vector_load %arg9[%get3A_750, %get3A_751] {strides = array<i32>} : memref<64x16xf32, #tpu.memory_space<vmem>>, vector<16xf32>,
          tpu.vector_store_idx %arg8[%add3A_476, %broadcast_in_dim3A_748], %get3A_752 masked %eq3A_470 {add = true} : memref<256x128xf32, #tpu.memory_space<vmem>>[vector<16xi32>, vector<16xi32>], vector<16xf32>, vector<16xi1>
          %broadcast_in_dim3A_753 = arith.constant 46 : i32
          %broadcast_in_dim3A_754 = vector.broadcast %broadcast_in_dim3A_753 : i32 to vector<16xi32>
          %get3A_755 = arith.constant 46 : i32
          %get3A_756 = arith.index_cast %get3A_755 : i32 to index
          %get3A_757 = arith.constant 0 : index
          %get3A_758 = tpu.vector_load %arg9[%get3A_756, %get3A_757] {strides = array<i32>} : memref<64x16xf32, #tpu.memory_space<vmem>>, vector<16xf32>,
          tpu.vector_store_idx %arg8[%add3A_476, %broadcast_in_dim3A_754], %get3A_758 masked %eq3A_470 {add = true} : memref<256x128xf32, #tpu.memory_space<vmem>>[vector<16xi32>, vector<16xi32>], vector<16xf32>, vector<16xi1>
          %broadcast_in_dim3A_759 = arith.constant 47 : i32
          %broadcast_in_dim3A_760 = vector.broadcast %broadcast_in_dim3A_759 : i32 to vector<16xi32>
          %get3A_761 = arith.constant 47 : i32
          %get3A_762 = arith.index_cast %get3A_761 : i32 to index
          %get3A_763 = arith.constant 0 : index
          %get3A_764 = tpu.vector_load %arg9[%get3A_762, %get3A_763] {strides = array<i32>} : memref<64x16xf32, #tpu.memory_space<vmem>>, vector<16xf32>,
          tpu.vector_store_idx %arg8[%add3A_476, %broadcast_in_dim3A_760], %get3A_764 masked %eq3A_470 {add = true} : memref<256x128xf32, #tpu.memory_space<vmem>>[vector<16xi32>, vector<16xi32>], vector<16xf32>, vector<16xi1>
          %broadcast_in_dim3A_765 = arith.constant 48 : i32
          %broadcast_in_dim3A_766 = vector.broadcast %broadcast_in_dim3A_765 : i32 to vector<16xi32>
          %get3A_767 = arith.constant 48 : i32
          %get3A_768 = arith.index_cast %get3A_767 : i32 to index
          %get3A_769 = arith.constant 0 : index
          %get3A_770 = tpu.vector_load %arg9[%get3A_768, %get3A_769] {strides = array<i32>} : memref<64x16xf32, #tpu.memory_space<vmem>>, vector<16xf32>,
          tpu.vector_store_idx %arg8[%add3A_476, %broadcast_in_dim3A_766], %get3A_770 masked %eq3A_470 {add = true} : memref<256x128xf32, #tpu.memory_space<vmem>>[vector<16xi32>, vector<16xi32>], vector<16xf32>, vector<16xi1>
          %broadcast_in_dim3A_771 = arith.constant 49 : i32
          %broadcast_in_dim3A_772 = vector.broadcast %broadcast_in_dim3A_771 : i32 to vector<16xi32>
          %get3A_773 = arith.constant 49 : i32
          %get3A_774 = arith.index_cast %get3A_773 : i32 to index
          %get3A_775 = arith.constant 0 : index
          %get3A_776 = tpu.vector_load %arg9[%get3A_774, %get3A_775] {strides = array<i32>} : memref<64x16xf32, #tpu.memory_space<vmem>>, vector<16xf32>,
          tpu.vector_store_idx %arg8[%add3A_476, %broadcast_in_dim3A_772], %get3A_776 masked %eq3A_470 {add = true} : memref<256x128xf32, #tpu.memory_space<vmem>>[vector<16xi32>, vector<16xi32>], vector<16xf32>, vector<16xi1>
          %broadcast_in_dim3A_777 = arith.constant 50 : i32
          %broadcast_in_dim3A_778 = vector.broadcast %broadcast_in_dim3A_777 : i32 to vector<16xi32>
          %get3A_779 = arith.constant 50 : i32
          %get3A_780 = arith.index_cast %get3A_779 : i32 to index
          %get3A_781 = arith.constant 0 : index
          %get3A_782 = tpu.vector_load %arg9[%get3A_780, %get3A_781] {strides = array<i32>} : memref<64x16xf32, #tpu.memory_space<vmem>>, vector<16xf32>,
          tpu.vector_store_idx %arg8[%add3A_476, %broadcast_in_dim3A_778], %get3A_782 masked %eq3A_470 {add = true} : memref<256x128xf32, #tpu.memory_space<vmem>>[vector<16xi32>, vector<16xi32>], vector<16xf32>, vector<16xi1>
          %broadcast_in_dim3A_783 = arith.constant 51 : i32
          %broadcast_in_dim3A_784 = vector.broadcast %broadcast_in_dim3A_783 : i32 to vector<16xi32>
          %get3A_785 = arith.constant 51 : i32
          %get3A_786 = arith.index_cast %get3A_785 : i32 to index
          %get3A_787 = arith.constant 0 : index
          %get3A_788 = tpu.vector_load %arg9[%get3A_786, %get3A_787] {strides = array<i32>} : memref<64x16xf32, #tpu.memory_space<vmem>>, vector<16xf32>,
          tpu.vector_store_idx %arg8[%add3A_476, %broadcast_in_dim3A_784], %get3A_788 masked %eq3A_470 {add = true} : memref<256x128xf32, #tpu.memory_space<vmem>>[vector<16xi32>, vector<16xi32>], vector<16xf32>, vector<16xi1>
          %broadcast_in_dim3A_789 = arith.constant 52 : i32
          %broadcast_in_dim3A_790 = vector.broadcast %broadcast_in_dim3A_789 : i32 to vector<16xi32>
          %get3A_791 = arith.constant 52 : i32
          %get3A_792 = arith.index_cast %get3A_791 : i32 to index
          %get3A_793 = arith.constant 0 : index
          %get3A_794 = tpu.vector_load %arg9[%get3A_792, %get3A_793] {strides = array<i32>} : memref<64x16xf32, #tpu.memory_space<vmem>>, vector<16xf32>,
          tpu.vector_store_idx %arg8[%add3A_476, %broadcast_in_dim3A_790], %get3A_794 masked %eq3A_470 {add = true} : memref<256x128xf32, #tpu.memory_space<vmem>>[vector<16xi32>, vector<16xi32>], vector<16xf32>, vector<16xi1>
          %broadcast_in_dim3A_795 = arith.constant 53 : i32
          %broadcast_in_dim3A_796 = vector.broadcast %broadcast_in_dim3A_795 : i32 to vector<16xi32>
          %get3A_797 = arith.constant 53 : i32
          %get3A_798 = arith.index_cast %get3A_797 : i32 to index
          %get3A_799 = arith.constant 0 : index
          %get3A_800 = tpu.vector_load %arg9[%get3A_798, %get3A_799] {strides = array<i32>} : memref<64x16xf32, #tpu.memory_space<vmem>>, vector<16xf32>,
          tpu.vector_store_idx %arg8[%add3A_476, %broadcast_in_dim3A_796], %get3A_800 masked %eq3A_470 {add = true} : memref<256x128xf32, #tpu.memory_space<vmem>>[vector<16xi32>, vector<16xi32>], vector<16xf32>, vector<16xi1>
          %broadcast_in_dim3A_801 = arith.constant 54 : i32
          %broadcast_in_dim3A_802 = vector.broadcast %broadcast_in_dim3A_801 : i32 to vector<16xi32>
          %get3A_803 = arith.constant 54 : i32
          %get3A_804 = arith.index_cast %get3A_803 : i32 to index
          %get3A_805 = arith.constant 0 : index
          %get3A_806 = tpu.vector_load %arg9[%get3A_804, %get3A_805] {strides = array<i32>} : memref<64x16xf32, #tpu.memory_space<vmem>>, vector<16xf32>,
          tpu.vector_store_idx %arg8[%add3A_476, %broadcast_in_dim3A_802], %get3A_806 masked %eq3A_470 {add = true} : memref<256x128xf32, #tpu.memory_space<vmem>>[vector<16xi32>, vector<16xi32>], vector<16xf32>, vector<16xi1>
          %broadcast_in_dim3A_807 = arith.constant 55 : i32
          %broadcast_in_dim3A_808 = vector.broadcast %broadcast_in_dim3A_807 : i32 to vector<16xi32>
          %get3A_809 = arith.constant 55 : i32
          %get3A_810 = arith.index_cast %get3A_809 : i32 to index
          %get3A_811 = arith.constant 0 : index
          %get3A_812 = tpu.vector_load %arg9[%get3A_810, %get3A_811] {strides = array<i32>} : memref<64x16xf32, #tpu.memory_space<vmem>>, vector<16xf32>,
          tpu.vector_store_idx %arg8[%add3A_476, %broadcast_in_dim3A_808], %get3A_812 masked %eq3A_470 {add = true} : memref<256x128xf32, #tpu.memory_space<vmem>>[vector<16xi32>, vector<16xi32>], vector<16xf32>, vector<16xi1>
          %broadcast_in_dim3A_813 = arith.constant 56 : i32
          %broadcast_in_dim3A_814 = vector.broadcast %broadcast_in_dim3A_813 : i32 to vector<16xi32>
          %get3A_815 = arith.constant 56 : i32
          %get3A_816 = arith.index_cast %get3A_815 : i32 to index
          %get3A_817 = arith.constant 0 : index
          %get3A_818 = tpu.vector_load %arg9[%get3A_816, %get3A_817] {strides = array<i32>} : memref<64x16xf32, #tpu.memory_space<vmem>>, vector<16xf32>,
          tpu.vector_store_idx %arg8[%add3A_476, %broadcast_in_dim3A_814], %get3A_818 masked %eq3A_470 {add = true} : memref<256x128xf32, #tpu.memory_space<vmem>>[vector<16xi32>, vector<16xi32>], vector<16xf32>, vector<16xi1>
          %broadcast_in_dim3A_819 = arith.constant 57 : i32
          %broadcast_in_dim3A_820 = vector.broadcast %broadcast_in_dim3A_819 : i32 to vector<16xi32>
          %get3A_821 = arith.constant 57 : i32
          %get3A_822 = arith.index_cast %get3A_821 : i32 to index
          %get3A_823 = arith.constant 0 : index
          %get3A_824 = tpu.vector_load %arg9[%get3A_822, %get3A_823] {strides = array<i32>} : memref<64x16xf32, #tpu.memory_space<vmem>>, vector<16xf32>,
          tpu.vector_store_idx %arg8[%add3A_476, %broadcast_in_dim3A_820], %get3A_824 masked %eq3A_470 {add = true} : memref<256x128xf32, #tpu.memory_space<vmem>>[vector<16xi32>, vector<16xi32>], vector<16xf32>, vector<16xi1>
          %broadcast_in_dim3A_825 = arith.constant 58 : i32
          %broadcast_in_dim3A_826 = vector.broadcast %broadcast_in_dim3A_825 : i32 to vector<16xi32>
          %get3A_827 = arith.constant 58 : i32
          %get3A_828 = arith.index_cast %get3A_827 : i32 to index
          %get3A_829 = arith.constant 0 : index
          %get3A_830 = tpu.vector_load %arg9[%get3A_828, %get3A_829] {strides = array<i32>} : memref<64x16xf32, #tpu.memory_space<vmem>>, vector<16xf32>,
          tpu.vector_store_idx %arg8[%add3A_476, %broadcast_in_dim3A_826], %get3A_830 masked %eq3A_470 {add = true} : memref<256x128xf32, #tpu.memory_space<vmem>>[vector<16xi32>, vector<16xi32>], vector<16xf32>, vector<16xi1>
          %broadcast_in_dim3A_831 = arith.constant 59 : i32
          %broadcast_in_dim3A_832 = vector.broadcast %broadcast_in_dim3A_831 : i32 to vector<16xi32>
          %get3A_833 = arith.constant 59 : i32
          %get3A_834 = arith.index_cast %get3A_833 : i32 to index
          %get3A_835 = arith.constant 0 : index
          %get3A_836 = tpu.vector_load %arg9[%get3A_834, %get3A_835] {strides = array<i32>} : memref<64x16xf32, #tpu.memory_space<vmem>>, vector<16xf32>,
          tpu.vector_store_idx %arg8[%add3A_476, %broadcast_in_dim3A_832], %get3A_836 masked %eq3A_470 {add = true} : memref<256x128xf32, #tpu.memory_space<vmem>>[vector<16xi32>, vector<16xi32>], vector<16xf32>, vector<16xi1>
          %broadcast_in_dim3A_837 = arith.constant 60 : i32
          %broadcast_in_dim3A_838 = vector.broadcast %broadcast_in_dim3A_837 : i32 to vector<16xi32>
          %get3A_839 = arith.constant 60 : i32
          %get3A_840 = arith.index_cast %get3A_839 : i32 to index
          %get3A_841 = arith.constant 0 : index
          %get3A_842 = tpu.vector_load %arg9[%get3A_840, %get3A_841] {strides = array<i32>} : memref<64x16xf32, #tpu.memory_space<vmem>>, vector<16xf32>,
          tpu.vector_store_idx %arg8[%add3A_476, %broadcast_in_dim3A_838], %get3A_842 masked %eq3A_470 {add = true} : memref<256x128xf32, #tpu.memory_space<vmem>>[vector<16xi32>, vector<16xi32>], vector<16xf32>, vector<16xi1>
          %broadcast_in_dim3A_843 = arith.constant 61 : i32
          %broadcast_in_dim3A_844 = vector.broadcast %broadcast_in_dim3A_843 : i32 to vector<16xi32>
          %get3A_845 = arith.constant 61 : i32
          %get3A_846 = arith.index_cast %get3A_845 : i32 to index
          %get3A_847 = arith.constant 0 : index
          %get3A_848 = tpu.vector_load %arg9[%get3A_846, %get3A_847] {strides = array<i32>} : memref<64x16xf32, #tpu.memory_space<vmem>>, vector<16xf32>,
          tpu.vector_store_idx %arg8[%add3A_476, %broadcast_in_dim3A_844], %get3A_848 masked %eq3A_470 {add = true} : memref<256x128xf32, #tpu.memory_space<vmem>>[vector<16xi32>, vector<16xi32>], vector<16xf32>, vector<16xi1>
          %broadcast_in_dim3A_849 = arith.constant 62 : i32
          %broadcast_in_dim3A_850 = vector.broadcast %broadcast_in_dim3A_849 : i32 to vector<16xi32>
          %get3A_851 = arith.constant 62 : i32
          %get3A_852 = arith.index_cast %get3A_851 : i32 to index
          %get3A_853 = arith.constant 0 : index
          %get3A_854 = tpu.vector_load %arg9[%get3A_852, %get3A_853] {strides = array<i32>} : memref<64x16xf32, #tpu.memory_space<vmem>>, vector<16xf32>,
          tpu.vector_store_idx %arg8[%add3A_476, %broadcast_in_dim3A_850], %get3A_854 masked %eq3A_470 {add = true} : memref<256x128xf32, #tpu.memory_space<vmem>>[vector<16xi32>, vector<16xi32>], vector<16xf32>, vector<16xi1>
          %broadcast_in_dim3A_855 = arith.constant 63 : i32
          %broadcast_in_dim3A_856 = vector.broadcast %broadcast_in_dim3A_855 : i32 to vector<16xi32>
          %get3A_857 = arith.constant 63 : i32
          %get3A_858 = arith.index_cast %get3A_857 : i32 to index
          %get3A_859 = arith.constant 0 : index
          %get3A_860 = tpu.vector_load %arg9[%get3A_858, %get3A_859] {strides = array<i32>} : memref<64x16xf32, #tpu.memory_space<vmem>>, vector<16xf32>,
          tpu.vector_store_idx %arg8[%add3A_476, %broadcast_in_dim3A_856], %get3A_860 masked %eq3A_470 {add = true} : memref<256x128xf32, #tpu.memory_space<vmem>>[vector<16xi32>, vector<16xi32>], vector<16xf32>, vector<16xi1>
          %scan3A_861 = arith.constant 0 : i32
          scf.yield %scan3A_861 : i32
        }
        %scan3A_456 = arith.constant 8 : i32
      } else {
      }
      %mul3A_427 = arith.constant 25600 : i32
      %mul3A_428 = arith.muli %add3A, %mul3A_427 : i32
      %mul3A_429 = arith.constant 256 : i32
      %mul3A_430 = arith.muli %add3A_44, %mul3A_429 : i32
      %add3A_431 = arith.addi %mul3A_428, %mul3A_430 : i32
      %dma_start3A_432 = arith.constant 0 : i32
      %dma_start3A_433 = arith.constant 0 : i32
      %dma_start3A_434 = tpu.memref_slice %arg8[%dma_start3A_432, %dma_start3A_433] : memref<256x128xf32, #tpu.memory_space<vmem>> -> memref<256x64xf32, #tpu.memory_space<vmem>>
      %dma_start3A_435 = arith.constant 0 : i32
      %dma_start3A_436 = tpu.memref_slice %arg5[%add3A_431, %dma_start3A_435] : memref<819200x128xf32, #tpu.memory_space<hbm>> -> memref<256x64xf32, #tpu.memory_space<hbm>>
      %dma_start3A_437 = arith.constant 0 : i32
      %dma_start3A_438 = tpu.memref_slice %arg5[%add3A_431, %dma_start3A_437] : memref<819200x128xf32, #tpu.memory_space<hbm>> -> memref<256x64xf32, #tpu.memory_space<hbm>>
      %dma_start3A_439 = arith.constant 0 : i32
      %dma_start3A_440 = arith.constant 0 : i32
      %dma_start3A_441 = tpu.memref_slice %arg8[%dma_start3A_439, %dma_start3A_440] : memref<256x128xf32, #tpu.memory_space<vmem>> -> memref<256x64xf32, #tpu.memory_space<vmem>>
      tpu.enqueue_dma source(%dma_start3A_441 : memref<256x64xf32, #tpu.memory_space<vmem>>) target(%dma_start3A_438 : memref<256x64xf32, #tpu.memory_space<hbm>>) target_semaphore(%arg13 : memref<!tpu.dma_semaphore, #tpu.memory_space<semaphore_mem>>)
      %scan3A_442 = arith.constant 0 : i32
      scf.yield %scan3A_442 : i32
    }
    %scan3A_27 = arith.constant 50 : i32
    %dma_wait3A = arith.constant 0 : i32
    %dma_wait3A_28 = arith.constant 0 : i32
    %dma_wait3A_29 = tpu.memref_slice %arg8[%dma_wait3A, %dma_wait3A_28] : memref<256x128xf32, #tpu.memory_space<vmem>> -> memref<256x64xf32, #tpu.memory_space<vmem>>
    %dma_wait3A_30 = arith.constant 0 : i32
    %dma_wait3A_31 = arith.constant 0 : i32
    %dma_wait3A_32 = tpu.memref_slice %arg5[%dma_wait3A_30, %dma_wait3A_31] : memref<819200x128xf32, #tpu.memory_space<hbm>> -> memref<256x64xf32, #tpu.memory_space<hbm>>
    %dma_wait3A_33 = arith.constant 0 : i32
    %dma_wait3A_34 = arith.constant 0 : i32
    %dma_wait3A_35 = tpu.memref_slice %arg5[%dma_wait3A_33, %dma_wait3A_34] : memref<819200x128xf32, #tpu.memory_space<hbm>> -> memref<256x64xf32, #tpu.memory_space<hbm>>
    %dma_wait3A_36 = arith.constant 0 : i32
    %dma_wait3A_37 = arith.constant 0 : i32
    %dma_wait3A_38 = tpu.memref_slice %arg8[%dma_wait3A_36, %dma_wait3A_37] : memref<256x128xf32, #tpu.memory_space<vmem>> -> memref<256x64xf32, #tpu.memory_space<vmem>>
    tpu.wait_dma2 semaphore(%arg13 : memref<!tpu.dma_semaphore, #tpu.memory_space<semaphore_mem>>) src(%dma_wait3A_38 : memref<256x64xf32, #tpu.memory_space<vmem>>) dst(%dma_wait3A_35 : memref<256x64xf32, #tpu.memory_space<hbm>>)
    return
  }
}

</mosaic_0001>

<sc_bundles>
// kernel: _run.3.cloned.1.call-start
scs
__scs_entry_jumppad:
0x0: {  	(pc) =	sbr.rel $0x88, $3  }
0x1: {  	(tag) =	ssettag $0x0;
	lr =	simm.s32 $0x1  }
0x2: {  	[smem:$0x3F9E] =	sst lr;
	_ =	strace $0xD0000000  }
0x3: {  	_ = 	snop  }
0x4: {  	_ = 	snop  }
0x5: {  	_ = 	snop  }
0x6: {  	_ = 	snop  }
0x7: {  	_ = 	snop  }
__scs_overlays_trampoline_lowered:
0x8: {  	[smem:$0x3FAD] =	sst s0  }
0x9: {  	[smem:$0x3FAE] =	sst s1  }
0xa: {  	[smem:$0x3FAF] =	sst s2  }
0xb: {  	[smem:$0x3FB0] =	sst s3  }
0xc: {  	[smem:$0x3FB1] =	sst s4  }
0xd: {  	[smem:$0x3FB2] =	sst s5  }
0xe: {  	[smem:$0x3FB3] =	sst s6  }
0xf: {  	[smem:$0x3FB4] =	sst s7  }
0x10: {  	[smem:$0x3FB5] =	sst s8  }
0x11: {  	[smem:$0x3FB6] =	sst s9;
	s0 =	simm.s32 @!p0 $0x0  }
0x12: {  	s1 =	sld [smem:$0x3F9C];
	s0 =	simm.s32 @p0 $0x1  }
0x13: {  	[smem:$0x3FB7] =	sst s0;
	s0 =	simm.s32 @!p1 $0x0  }
0x14: {  	s2 =	sld [smem:$0x3F9B];
	s0 =	simm.s32 @p1 $0x1  }
0x15: {  	[smem:$0x3FB8] =	sst s0;
	s0 =	simm.s32 @!p2 $0x0  }
0x16: {  	s3 =	sld [smem:$0x3FDB];
	s0 =	simm.s32 @p2 $0x1  }
0x17: {  	s4 =	simm.s32 $0x1BF5;
	[smem:$0x3FBA] =	sst s0  }
0x18: {  	s0 =	sld [smem:$0x3F9D];
	_ =	swait.ge [sflag:s4], $0x0  }
0x19: {  	s7 =	sld [smem:$0x3F9E]  }
0x1a: {  	s8 =	sadd.s32 $0xFFFFE003, lr  }
0x1b: {  	s9 =	sadd.s32 $0xFFFFFEF7, lr;
	s5 =	simm.s32 $0xFFFFFFFF;
	p2 =	slt.u32 s8, $0xFFFFF086  }
0x1c: {  	p1 =	slt.u32 s9, $0xF7A;
	s5 =	simm.s32 @!p2 $0x0  }
0x1d: {  	s5 =	simm.s32 @p1 $0x1;
	p0 =	seq.s32 s7, s2  }
0x1e: {  	s7 =	smul.u32 @!p0 $0xF7A, s2;
	p2 =	seq.s32 @!p0 s5, $0x0  }
0x1f: {  	s9 =	smul.u32 $0xF7A, s1;
	s8 =	simm.s32 @!p0 $0x1BF5;
	p2 =	por !p2, p0  }
0x20: {  	[sflag:s8] =	ssyncset.s32 @!p0 $0xFFFFF086;
	s6 =	sadd.s32 @!p0 s3, s7;
	s7 =	simm.s32 @!p0 $0x108  }
0x21: {  	s3 =	sadd.s32 s3, s9;
	s6 =	sadd.s32 @!p0 $0x88, s6;
	s7 =	simm.s32 @p2 $0x1082  }
0x22: {  	[simem:s7], [sflag:s8] =	dma.local @!p0 [hbm:s6], $0xF7A  }
0x23: {  	s9 =	sor.u32 $0xD0000000, s2;
	s6 =	simm.s32 $0x108;
	_ =	swait.ge @!p0 [sflag:s8], $0x0  }
0x24: {  	s3 =	sadd.s32 $0x88, s3;
	s6 =	simm.s32 @!p1 $0x1082;
	[sflag:s4] =	ssyncset.s32 $0xFFFFF086  }
0x25: {  	[simem:s6], [sflag:s4] =	dma.local [hbm:s3], $0xF7A  }
0x26: {  	[smem:$0x3F9E] =	sst s1;
	(tag) =	ssettag s2;
	_ =	strace s9  }
0x27: {  	s1 =	sld [smem:$0x3FAE]  }
0x28: {  	s2 =	sld [smem:$0x3FAF]  }
0x29: {  	s4 =	sld [smem:$0x3FB1]  }
0x2a: {  	p0 =	seq.s32 s5, $0x0;
	s5 =	sld [smem:$0x3FB2]  }
0x2b: {  	s6 =	sld [smem:$0x3FB3]  }
0x2c: {  	s7 =	sld [smem:$0x3FB4]  }
0x2d: {  	s3 =	simm.s32 $0x108;
	s8 =	sld [smem:$0x3FB5]  }
0x2e: {  	s3 =	simm.s32 @!p0 $0x1082;
	s9 =	sld [smem:$0x3FB6]  }
0x2f: {  	lr =	sadd.s32 s0, s3;
	s0 =	sld [smem:$0x3FAD]  }
0x30: {  	s3 =	sld [smem:$0x3FB0]  }
0x31: {  	[smem:$0x3FB9] =	sst s10  }
0x32: {  	s10 =	sld [smem:$0x3FB7];
	_ =	sdelay $0x3  }
0x33: {  	p0 =	seq.s32 s10, $0x1;
	s10 =	sld [smem:$0x3FB9];
	_ =	sdelay $0x3  }
0x34: {  	[smem:$0x3FB9] =	sst s10  }
0x35: {  	s10 =	sld [smem:$0x3FB8];
	_ =	sdelay $0x3  }
0x36: {  	p1 =	seq.s32 s10, $0x1;
	s10 =	sld [smem:$0x3FB9];
	_ =	sdelay $0x3  }
0x37: {  	[smem:$0x3FB9] =	sst s10  }
0x38: {  	s10 =	sld [smem:$0x3FBA]  }
0x39: {  	_ = 	snop;
	(pc) =	sbr.ind lr, $3  }
0x3a: {  	_ = 	snop  }
0x3b: {  	_ = 	snop  }
0x3c: {  	p2 =	seq.s32 s10, $0x1;
	s10 =	sld [smem:$0x3FB9]  }
0x3d: {  	_ =	shalt  }
0x3e: {  	_ =	shalt  }
0x3f: {  	_ =	shalt  }
0x40: {  	_ =	shalt  }
0x41: {  	_ =	shalt  }
0x42: {  	_ =	shalt  }
0x43: {  	_ =	shalt  }
0x44: {  	_ =	shalt  }
0x45: {  	_ =	shalt  }
0x46: {  	_ =	shalt  }
0x47: {  	_ =	shalt  }
0x48: {  	_ =	shalt  }
0x49: {  	_ =	shalt  }
0x4a: {  	_ =	shalt  }
0x4b: {  	_ =	shalt  }
0x4c: {  	_ =	shalt  }
0x4d: {  	_ =	shalt  }
0x4e: {  	_ =	shalt  }
0x4f: {  	_ =	shalt  }
0x50: {  	_ =	shalt  }
0x51: {  	_ =	shalt  }
0x52: {  	_ =	shalt  }
0x53: {  	_ =	shalt  }
0x54: {  	_ =	shalt  }
0x55: {  	_ =	shalt  }
0x56: {  	_ =	shalt  }
0x57: {  	_ =	shalt  }
0x58: {  	_ =	shalt  }
0x59: {  	_ =	shalt  }
0x5a: {  	_ =	shalt  }
0x5b: {  	_ =	shalt  }
0x5c: {  	_ =	shalt  }
0x5d: {  	_ =	shalt  }
0x5e: {  	_ =	shalt  }
0x5f: {  	_ =	shalt  }
0x60: {  	_ =	shalt  }
0x61: {  	_ =	shalt  }
0x62: {  	_ =	shalt  }
0x63: {  	_ =	shalt  }
0x64: {  	_ =	shalt  }
0x65: {  	_ =	shalt  }
0x66: {  	_ =	shalt  }
0x67: {  	_ =	shalt  }
0x68: {  	_ =	shalt  }
0x69: {  	_ =	shalt  }
0x6a: {  	_ =	shalt  }
0x6b: {  	_ =	shalt  }
0x6c: {  	_ =	shalt  }
0x6d: {  	_ =	shalt  }
0x6e: {  	_ =	shalt  }
0x6f: {  	_ =	shalt  }
0x70: {  	_ =	shalt  }
0x71: {  	_ =	shalt  }
0x72: {  	_ =	shalt  }
0x73: {  	_ =	shalt  }
0x74: {  	_ =	shalt  }
0x75: {  	_ =	shalt  }
0x76: {  	_ =	shalt  }
0x77: {  	_ =	shalt  }
0x78: {  	_ =	shalt  }
0x79: {  	_ =	shalt  }
0x7a: {  	_ =	shalt  }
0x7b: {  	_ =	shalt  }
0x7c: {  	_ =	shalt  }
0x7d: {  	_ =	shalt  }
0x7e: {  	_ =	shalt  }
0x7f: {  	_ =	shalt  }
0x80: {  	_ =	shalt  }
0x81: {  	_ =	shalt  }
0x82: {  	_ =	shalt  }
0x83: {  	_ =	shalt  }
0x84: {  	_ =	shalt  }
0x85: {  	_ =	shalt  }
0x86: {  	_ =	shalt  }
0x87: {  	_ =	shalt  }
.Lfunc_end0:
.L_simem_size_0:
called_computation_lowered:
.L_overlay_start_0:
0x88: {  	s2 =	sld [smem:$0x3FD9]  }
0x89: {  	s3 =	sld [smem:$0x3FFE];
	_ =	sdelay $0x1  }
0x8a: {  	s1 =	srdreg.scid  }
0x8b: {  	s0 =	sand.u32 $0x1, s1  }
0x8c: {  	s17 =	sshll.u32 s0, $0xA;
	s2 =	sadd.s32 s3, s2  }
0x8d: {  	s2 =	sadd.s32 s2, s17  }
0x8e: {  	[smem:$0x3FC5] =	sst s2  }
0x8f: {  	_ = 	snop  }
0x90: {  	s2 =	sld [smem:$0x3FC9]  }
0x91: {  	s18 =	sld [smem:$0x3FC8]  }
0x92: {  	s4 =	sld [smem:$0x3FD0];
	(tm) =	ssettm $0x1  }
0x93: {  	s5 =	sld [smem:$0x3FFB];
	_ =	sdelay $0x3  }
0x94: {  	_ =	strace s5  }
0x95: {  	s5 =	sld [smem:$0x3FFC];
	_ =	sdelay $0x3  }
0x96: {  	_ =	strace s5  }
0x97: {  	s5 =	sld [smem:$0x3FFD];
	_ =	sdelay $0x3  }
0x98: {  	_ =	strace s5  }
0x99: {  	_ =	strace $0x8FFFFFFF  }
0x9a: {  	s19 =	sld [smem:$0x3FDB];
	_ =	sdelay $0x1  }
0x9b: {  	s6 =	simm.s32 $_scs_section_size  }
0x9c: {  	s7 =	simm.s32 $_size__tile_overlayer_lowered;
	s8 =	simm.s32 $_tile_overlayer_lowered  }
0x9d: {  	s22 =	simm.s32 $0x1BFF;
	s21 =	sshll.u32 s8, $0x1;
	s5 =	sadd.s32 s6, s19  }
0x9e: {  	s9 =	simm.s32 $0x0;
	s20 =	sshll.u32 s7, $0x1;
	s7 =	sadd.s32 s21, s5  }
0x9f: {  	[timem:s9], [sflag:s22] =	dma.local [hbm:s7], s20  }
0xa0: {  	_ =	swait.ge [sflag:s22], s20  }
0xa1: {  	s6 =	ssub.s32 $0x0, s20;
	[sflag:s22] =	ssyncset.done $0x0  }
0xa2: {  	[sflag:s22] =	ssyncadd.s32 s6;
	_ =	sdelay $0x1  }
0xa3: {  	s23 =	simm.s32 $0x1B8B  }
0xa4: {  	_ =	swait.ge [sflag:s23], $0x1  }
0xa5: {  	[sflag:s23] =	ssyncset.done $0x0  }
0xa6: {  	s25 =	simm.s32 $0x1B8E;
	s24 =	sld [smem:$0x3FFE];
	[sflag:s23] =	ssyncadd.s32 $0xFFFFFFFF  }
0xa7: {  	s26 =	simm.s32 $execute0_lowered;
	[smem:$0x3FD2] =	sst s25  }
0xa8: {  	s7 =	sshll.u32 s26, $0x1;
	_ =	strace $0x80000046;
	[dreg:$0x1] =	wrdreg $0xFFFFFFFF  }
0xa9: {  	s28 =	simm.s32 $_size_execute0_lowered;
	s5 =	sadd.s32 s5, s7;
	[dreg:$0x0] =	wrdreg $0x0  }
0xaa: {  	s7 =	sshll.u32 s28, $0x1;
	[dreg:$0x2] =	wrdreg s5  }
0xab: {  	[dreg:$0x3] =	wrdreg s7  }
0xac: {  	[dreg:$0x4] =	wrdreg $0xC0  }
0xad: {  	_ =	task [dreg:s9], $0x5FFFF  }
0xae: {  	[dreg:$0x1] =	wrdreg $0xFFFFFFFF  }
0xaf: {  	[dreg:$0x0] =	wrdreg $0x60  }
0xb0: {  	[dreg:$0x2] =	wrdreg s2  }
0xb1: {  	[dreg:$0x3] =	wrdreg s18  }
0xb2: {  	[dreg:$0x4] =	wrdreg s24  }
0xb3: {  	[dreg:$0x5] =	wrdreg s4  }
0xb4: {  	[dreg:$0x6] =	wrdreg $0x9  }
0xb5: {  	_ =	task.clear_ibuf [dreg:s9], $0x7FFFF;
	_ =	strace $0x90000046  }
0xb6: {  	s29 =	simm.s32 $0x9;
	_ =	strace $0x80000048  }
0xb7: {  	_ =	swait.ge [sflag:s29], $0x1  }
0xb8: {  	[sflag:s29] =	ssyncadd.s32 $0xFFFFFFFF  }
0xb9: {  	_ =	strace $0x90000048  }
0xba: {  	_ =	sfence  }
0xbb: {  	s30 =	sld [smem:$0x0];
	_ =	sdelay $0x2  }
0xbc: {  	s31 =	sshll.u32 s1, $0xD;
	s1 =	sshrl.u32 s1, $0x2  }
0xbd: {  	s3 =	sand.u32 $0x4000, s31;
	s1 =	sadd.s32 s1, s30  }
0xbe: {  	s0 =	sor.u32 s3, s0;
	s1 =	sshll.u32 s1, $0x11  }
0xbf: {  	s0 =	sor.u32 s1, s0  }
0xc0: {  	s0 =	sadd.s32 $0x8F2B, s0  }
0xc1: {  	[sflag:s0] =	ssyncadd.remote.s32 $0x1  }
0xc2: {  	_ =	sfence.sel $0xFFFF  }
0xc3: {  	[dreg:$0x0] =	wrdreg $0xFFFFFFFF;
	(pc) =	sbr.abs _section_cstart, $3  }
0xc4: {  	[dreg:$0x1] =	wrdreg $0xFFFFFFFF  }
0xc5: {  	_ =	task.clear_ibuf [dreg:s9], $0x2FFFF;
	_ =	strace $0x9FFFFFFF  }
0xc6: {  	(tm) =	ssettm $0x7FFFFFFF  }
0xc7: {  	_ =	shalt  }
tec
execute0_lowered:
.L_overlay_start_1:
0x0: {  	(tag) =	ssettag $0x1  }
0x1: {  	s0 =	rddreg [dreg:$0x0]  }
0x2: {  	s2 =	rddreg [dreg:$0x1]  }
0x3: {  	s1 =	rddreg [dreg:$0x2]  }
0x4: {  	s3 =	rddreg [dreg:$0x3]  }
0x5: {  	s4 =	srdreg.scid;
	s6 =	stileid.u32;
	s10 =	simm.s32 $0x5  }
0x6: {  	s11 =	simm.s32 $0x6400;
	s12 =	simm.s32 $0xA400;
	s13 =	simm.s32 $0x80  }
0x7: {  	s14 =	simm.s32 $0xE400;
	s15 =	simm.s32 $0x12400;
	s16 =	simm.s32 $0x1  }
0x8: {  	s17 =	simm.s32 $0x3;
	s18 =	simm.s32 $0x2;
	s19 =	simm.s32 $0x4  }
0x9: {  	s20 =	simm.s32 $0x0;
	s5 =	sand.u32 $0x1, s4;
	s6 =	sshll.u32 s6, $0x1  }
0xa: {  	s4 =	simm.s32 $0x0;
	s7 =	ssub.s32 $0x2, s5;
	s8 =	sor.u32 s5, s6  }
0xb: {  	[smem:$0x7FF] =	sst s4;
	s30 =	sshrl.u32 s7, $0x1;
	s9 =	smul.u32 $0xC80, s8  }
0xc: {  	v0 =	vlaneseq.u32;
	s5 =	sadd.s32 $0x400, s1;
	_ =	strace $0x80000047;
	s31 =	ssub.s32 s7, s30  }
0xd: {  	v0 =	vmul.u32 $0x80, v0;
	s7 =	smul.u32 $0x320000, s8;
	s6 =	sadd.s32 s0, s9;
	s8 =	smax.u32 s31, $0x1  }
.LBB2_1:
0xe: {  	s0 =	simm.s32 $0x16400  }
0xf: {  	[tilespmem:s0], [sflag:$0x5] =	stream.linear.gather [hbm4b:s5+s4], $0x400, $0x38;
	[tilespmem:$0x16800] =	vst v63  }
0x10: {  	_ =	swait.ge [sflag:s10], $0x400  }
0x11: {  	[sflag:s10] =	ssyncset.done $0x0  }
0x12: {  	[sflag:s10] =	ssyncadd.s32 $0xFFFFFC00  }
0x13: {  	[tilespmem:s4], [sflag:$0x5] =	stream.linear.gather [hbm4b:s6+s4], $0x6400, $0x38;
	[tilespmem:$0x16800] =	vst v63  }
0x14: {  	_ =	swait.ge [sflag:s10], $0x6400  }
0x15: {  	[sflag:s10] =	ssyncset.done $0x0  }
0x16: {  	s21 =	simm.s32 $0x100;
	s22 =	simm.s32 $0x180;
	[sflag:s10] =	ssyncadd.s32 $0xFFFF9C00  }
0x17: {  	[tilespmem:s11], [sflag:$0x1] =	stream.indirect.gather [hbm4b:s2+s13], $0x80, s4, s13, $0xb8;
	[tilespmem:$0x16800] =	vst v63  }
0x18: {  	s24 =	simm.s32 $0x0;
	s25 =	simm.s32 $0x0;
	s0 =	simm.s32 $0x80  }
0x19: {  	[tilespmem:s12], [sflag:$0x1] =	stream.indirect.gather [hbm4b:s2+s13], $0x80, s13, s13, $0xb8;
	[tilespmem:$0x16800] =	vst v63  }
.LBB2_2:
0x1a: {  	p0 =	seq.s32 s25, $0x0  }
0x1b: {  	s1 =	simm.s32 @!p0 $0x4  }
0x1c: {  	s26 =	sshllo.u32 s25, $0x1;
	_ =	swait.ge @!p0 [sflag:s1], $0x4000  }
0x1d: {  	s9 =	sshll.u32 s26, $0xA;
	[sflag:s1] =	ssyncset.done @!p0 $0x0  }
0x1e: {  	s28 =	sshra.s32 s9, $0x2;
	[sflag:s1] =	ssyncadd.s32 @!p0 $0xFFFFC000  }
0x1f: {  	[tilespmem:s14], [sflag:$0x2] =	stream.indirect.gather [hbm4b:s2+s13], $0x80, s28, s13, $0xb8;
	[tilespmem:$0x16800] =	vst v63  }
0x20: {  	s9 =	sor.u32 $0x80, s28  }
0x21: {  	[tilespmem:s15], [sflag:$0x2] =	stream.indirect.gather [hbm4b:s2+s13], $0x80, s9, s13, $0xb8;
	[tilespmem:$0x16800] =	vst v63  }
0x22: {  	_ =	swait.ge [sflag:s16], $0x4000  }
0x23: {  	[sflag:s16] =	ssyncset.done $0x0  }
0x24: {  	[sflag:s16] =	ssyncadd.s32 $0xFFFFC000  }
0x25: {  	_ =	swait.ge [sflag:s16], $0x4000  }
0x26: {  	s23 =	sshll.u32 s25, $0xB;
	[sflag:s16] =	ssyncset.done $0x0  }
0x27: {  	s29 =	sshra.s32 s23, $0x2;
	[sflag:s16] =	ssyncadd.s32 $0xFFFFC000  }
0x28: {  	v1 =	vld [tilespmem:s29+$0x0]  }
0x29: {  	v2 =	vld [tilespmem:s29+$0x10];
	_ =	sdelay $0x1  }
0x2a: {  	v3 =	vld [tilespmem:s29+$0x20];
	_ =	sdelay $0x1  }
0x2b: {  	v4 =	vld [tilespmem:s29+$0x30]  }
0x2c: {  	vm0 =	vgt.s32 v1, v2  }
0x2d: {  	v1 =	vsel vm0, v1, v2;
	v2 =	vld [tilespmem:s29+$0x40]  }
0x2e: {  	vm0 =	vgt.s32 v1, v3  }
0x2f: {  	v1 =	vsel vm0, v1, v3;
	v3 =	vld [tilespmem:s29+$0x50]  }
0x30: {  	vm0 =	vgt.s32 v1, v4  }
0x31: {  	v60 =	vld [tilespmem:s29+$0x60];
	v1 =	vsel vm0, v1, v4  }
0x32: {  	vm0 =	vgt.s32 v1, v2  }
0x33: {  	v1 =	vsel vm0, v1, v2;
	v2 =	vld [tilespmem:s29+$0x70]  }
0x34: {  	vm0 =	vgt.s32 v1, v3  }
0x35: {  	v1 =	vsel vm0, v1, v3;
	v3 =	vld [tilespmem:s29+$0x80]  }
0x36: {  	vm0 =	vgt.s32 v1, v60  }
0x37: {  	v61 =	vld [tilespmem:s29+$0x90];
	v1 =	vsel vm0, v1, v60  }
0x38: {  	vm0 =	vgt.s32 v1, v2  }
0x39: {  	v1 =	vsel vm0, v1, v2;
	v2 =	vld [tilespmem:s29+$0xA0]  }
0x3a: {  	vm0 =	vgt.s32 v1, v3  }
0x3b: {  	v1 =	vsel vm0, v1, v3;
	v3 =	vld [tilespmem:s29+$0xB0]  }
0x3c: {  	vm0 =	vgt.s32 v1, v61  }
0x3d: {  	v62 =	vld [tilespmem:s29+$0xC0];
	v1 =	vsel vm0, v1, v61  }
0x3e: {  	vm0 =	vgt.s32 v1, v2  }
0x3f: {  	v1 =	vsel vm0, v1, v2;
	v2 =	vld [tilespmem:s29+$0xD0]  }
0x40: {  	vm0 =	vgt.s32 v1, v3  }
0x41: {  	v1 =	vsel vm0, v1, v3;
	v3 =	vld [tilespmem:s29+$0xE0]  }
0x42: {  	vm0 =	vgt.s32 v1, v62  }
0x43: {  	v63 =	vld [tilespmem:s29+$0xF0];
	v1 =	vsel vm0, v1, v62  }
0x44: {  	vm0 =	vgt.s32 v1, v2  }
0x45: {  	v1 =	vsel vm0, v1, v2  }
0x46: {  	vm0 =	vgt.s32 v1, v3  }
0x47: {  	v1 =	vsel vm0, v1, v3  }
0x48: {  	vm0 =	vgt.s32 v1, v63  }
0x49: {  	v1 =	vsel vm0, v1, v63  }
0x4a: {  	vm0 =	veq.s32 v1, $0xF423F  }
0x4b: {  	v1 =	vmpcnt.ones.xlane vm0;
	_ =	sdelay $0x1  }
0x4c: {  	(v2sf) =	vpush v1, $0x0;
	_ =	sdelay $0xe  }
0x4d: {  	s31 =	spop (v2sf)  }
0x4e: {  	p0 =	slt.s32 s31, $0x1  }
.Ltmp0:
0x4f: {  	_ = 	snop;
	(pc) =	sbr.rel @p0 .LBB2_7-.Ltmp0, $2  }
0x50: {  	_ =	sdelay $0x2  }
0x51: {  	s30 =	smov.u32 s24;
	s23 =	simm.s32 $0x0  }
.LBB2_3:
0x52: {  	v1 =	vld [tilespmem:s30+$0x0];
	_ =	sdelay $0x3  }
0x53: {  	v2 =	vmov s23  }
0x54: {  	vm0 =	veq.s32 v1, $0xF423F;
	v1 =	vshll.u32 v2, $0x7  }
0x55: {  	v2 =	vld [tilespmem:$0x16400];
	v1 =	vor.u32 v0, v1;
	_ =	sdelay $0x4  }
0x56: {  	[tilespmem:v1+s11+$0x0] =	vst.idx.add.f32.msk vm0, v2  }
0x57: {  	v3 =	vor.u32 $0x1, v1;
	v2 =	vld [tilespmem:$0x16410];
	_ =	sdelay $0x4  }
0x58: {  	[tilespmem:v3+s11+$0x0] =	vst.idx.add.f32.msk vm0, v2  }
0x59: {  	v3 =	vor.u32 $0x2, v1;
	v2 =	vld [tilespmem:$0x16420];
	_ =	sdelay $0x4  }
0x5a: {  	[tilespmem:v3+s11+$0x0] =	vst.idx.add.f32.msk vm0, v2  }
0x5b: {  	v3 =	vor.u32 $0x3, v1;
	v2 =	vld [tilespmem:$0x16430];
	_ =	sdelay $0x4  }
0x5c: {  	[tilespmem:v3+s11+$0x0] =	vst.idx.add.f32.msk vm0, v2  }
0x5d: {  	v3 =	vor.u32 $0x4, v1;
	v2 =	vld [tilespmem:$0x16440];
	_ =	sdelay $0x4  }
0x5e: {  	[tilespmem:v3+s11+$0x0] =	vst.idx.add.f32.msk vm0, v2  }
0x5f: {  	v3 =	vor.u32 $0x5, v1;
	v2 =	vld [tilespmem:$0x16450];
	_ =	sdelay $0x4  }
0x60: {  	[tilespmem:v3+s11+$0x0] =	vst.idx.add.f32.msk vm0, v2  }
0x61: {  	v3 =	vor.u32 $0x6, v1;
	v2 =	vld [tilespmem:$0x16460];
	_ =	sdelay $0x4  }
0x62: {  	[tilespmem:v3+s11+$0x0] =	vst.idx.add.f32.msk vm0, v2  }
0x63: {  	v3 =	vor.u32 $0x7, v1;
	v2 =	vld [tilespmem:$0x16470];
	_ =	sdelay $0x4  }
0x64: {  	[tilespmem:v3+s11+$0x0] =	vst.idx.add.f32.msk vm0, v2  }
0x65: {  	v3 =	vor.u32 $0x8, v1;
	v2 =	vld [tilespmem:$0x16480];
	_ =	sdelay $0x4  }
0x66: {  	[tilespmem:v3+s11+$0x0] =	vst.idx.add.f32.msk vm0, v2  }
0x67: {  	v3 =	vor.u32 $0x9, v1;
	v2 =	vld [tilespmem:$0x16490];
	_ =	sdelay $0x4  }
0x68: {  	[tilespmem:v3+s11+$0x0] =	vst.idx.add.f32.msk vm0, v2  }
0x69: {  	v3 =	vor.u32 $0xA, v1;
	v2 =	vld [tilespmem:$0x164A0];
	_ =	sdelay $0x4  }
0x6a: {  	[tilespmem:v3+s11+$0x0] =	vst.idx.add.f32.msk vm0, v2  }
0x6b: {  	v3 =	vor.u32 $0xB, v1;
	v2 =	vld [tilespmem:$0x164B0];
	_ =	sdelay $0x4  }
0x6c: {  	[tilespmem:v3+s11+$0x0] =	vst.idx.add.f32.msk vm0, v2  }
0x6d: {  	v3 =	vor.u32 $0xC, v1;
	v2 =	vld [tilespmem:$0x164C0];
	_ =	sdelay $0x4  }
0x6e: {  	[tilespmem:v3+s11+$0x0] =	vst.idx.add.f32.msk vm0, v2  }
0x6f: {  	v3 =	vor.u32 $0xD, v1;
	v2 =	vld [tilespmem:$0x164D0];
	_ =	sdelay $0x4  }
0x70: {  	[tilespmem:v3+s11+$0x0] =	vst.idx.add.f32.msk vm0, v2  }
0x71: {  	v3 =	vor.u32 $0xE, v1;
	v2 =	vld [tilespmem:$0x164E0];
	_ =	sdelay $0x4  }
0x72: {  	[tilespmem:v3+s11+$0x0] =	vst.idx.add.f32.msk vm0, v2  }
0x73: {  	v3 =	vor.u32 $0xF, v1;
	v2 =	vld [tilespmem:$0x164F0];
	_ =	sdelay $0x4  }
0x74: {  	[tilespmem:v3+s11+$0x0] =	vst.idx.add.f32.msk vm0, v2  }
0x75: {  	v3 =	vor.u32 $0x10, v1;
	v2 =	vld [tilespmem:$0x16500];
	_ =	sdelay $0x4  }
0x76: {  	[tilespmem:v3+s11+$0x0] =	vst.idx.add.f32.msk vm0, v2  }
0x77: {  	v3 =	vor.u32 $0x11, v1;
	v2 =	vld [tilespmem:$0x16510];
	_ =	sdelay $0x4  }
0x78: {  	[tilespmem:v3+s11+$0x0] =	vst.idx.add.f32.msk vm0, v2  }
0x79: {  	v3 =	vor.u32 $0x12, v1;
	v2 =	vld [tilespmem:$0x16520];
	_ =	sdelay $0x4  }
0x7a: {  	[tilespmem:v3+s11+$0x0] =	vst.idx.add.f32.msk vm0, v2  }
0x7b: {  	v3 =	vor.u32 $0x13, v1;
	v2 =	vld [tilespmem:$0x16530];
	_ =	sdelay $0x4  }
0x7c: {  	[tilespmem:v3+s11+$0x0] =	vst.idx.add.f32.msk vm0, v2  }
0x7d: {  	v3 =	vor.u32 $0x14, v1;
	v2 =	vld [tilespmem:$0x16540];
	_ =	sdelay $0x4  }
0x7e: {  	[tilespmem:v3+s11+$0x0] =	vst.idx.add.f32.msk vm0, v2  }
0x7f: {  	v3 =	vor.u32 $0x15, v1;
	v2 =	vld [tilespmem:$0x16550];
	_ =	sdelay $0x4  }
0x80: {  	[tilespmem:v3+s11+$0x0] =	vst.idx.add.f32.msk vm0, v2  }
0x81: {  	v3 =	vor.u32 $0x16, v1;
	v2 =	vld [tilespmem:$0x16560];
	_ =	sdelay $0x4  }
0x82: {  	[tilespmem:v3+s11+$0x0] =	vst.idx.add.f32.msk vm0, v2  }
0x83: {  	v3 =	vor.u32 $0x17, v1;
	v2 =	vld [tilespmem:$0x16570];
	_ =	sdelay $0x4  }
0x84: {  	[tilespmem:v3+s11+$0x0] =	vst.idx.add.f32.msk vm0, v2  }
0x85: {  	v3 =	vor.u32 $0x18, v1;
	v2 =	vld [tilespmem:$0x16580];
	_ =	sdelay $0x4  }
0x86: {  	[tilespmem:v3+s11+$0x0] =	vst.idx.add.f32.msk vm0, v2  }
0x87: {  	v3 =	vor.u32 $0x19, v1;
	v2 =	vld [tilespmem:$0x16590];
	_ =	sdelay $0x4  }
0x88: {  	[tilespmem:v3+s11+$0x0] =	vst.idx.add.f32.msk vm0, v2  }
0x89: {  	v3 =	vor.u32 $0x1A, v1;
	v2 =	vld [tilespmem:$0x165A0];
	_ =	sdelay $0x4  }
0x8a: {  	[tilespmem:v3+s11+$0x0] =	vst.idx.add.f32.msk vm0, v2  }
0x8b: {  	v3 =	vor.u32 $0x1B, v1;
	v2 =	vld [tilespmem:$0x165B0];
	_ =	sdelay $0x4  }
0x8c: {  	[tilespmem:v3+s11+$0x0] =	vst.idx.add.f32.msk vm0, v2  }
0x8d: {  	v3 =	vor.u32 $0x1C, v1;
	v2 =	vld [tilespmem:$0x165C0];
	_ =	sdelay $0x4  }
0x8e: {  	[tilespmem:v3+s11+$0x0] =	vst.idx.add.f32.msk vm0, v2  }
0x8f: {  	v3 =	vor.u32 $0x1D, v1;
	v2 =	vld [tilespmem:$0x165D0];
	_ =	sdelay $0x4  }
0x90: {  	[tilespmem:v3+s11+$0x0] =	vst.idx.add.f32.msk vm0, v2  }
0x91: {  	v3 =	vor.u32 $0x1E, v1;
	v2 =	vld [tilespmem:$0x165E0];
	_ =	sdelay $0x4  }
0x92: {  	[tilespmem:v3+s11+$0x0] =	vst.idx.add.f32.msk vm0, v2  }
0x93: {  	v3 =	vor.u32 $0x1F, v1;
	v2 =	vld [tilespmem:$0x165F0];
	_ =	sdelay $0x4  }
0x94: {  	[tilespmem:v3+s11+$0x0] =	vst.idx.add.f32.msk vm0, v2  }
0x95: {  	v3 =	vor.u32 $0x20, v1;
	v2 =	vld [tilespmem:$0x16600];
	_ =	sdelay $0x4  }
0x96: {  	[tilespmem:v3+s11+$0x0] =	vst.idx.add.f32.msk vm0, v2  }
0x97: {  	v3 =	vor.u32 $0x21, v1;
	v2 =	vld [tilespmem:$0x16610];
	_ =	sdelay $0x4  }
0x98: {  	[tilespmem:v3+s11+$0x0] =	vst.idx.add.f32.msk vm0, v2  }
0x99: {  	v3 =	vor.u32 $0x22, v1;
	v2 =	vld [tilespmem:$0x16620];
	_ =	sdelay $0x4  }
0x9a: {  	[tilespmem:v3+s11+$0x0] =	vst.idx.add.f32.msk vm0, v2  }
0x9b: {  	v3 =	vor.u32 $0x23, v1;
	v2 =	vld [tilespmem:$0x16630];
	_ =	sdelay $0x4  }
0x9c: {  	[tilespmem:v3+s11+$0x0] =	vst.idx.add.f32.msk vm0, v2  }
0x9d: {  	v3 =	vor.u32 $0x24, v1;
	v2 =	vld [tilespmem:$0x16640];
	_ =	sdelay $0x4  }
0x9e: {  	[tilespmem:v3+s11+$0x0] =	vst.idx.add.f32.msk vm0, v2  }
0x9f: {  	v3 =	vor.u32 $0x25, v1;
	v2 =	vld [tilespmem:$0x16650];
	_ =	sdelay $0x4  }
0xa0: {  	[tilespmem:v3+s11+$0x0] =	vst.idx.add.f32.msk vm0, v2  }
0xa1: {  	v3 =	vor.u32 $0x26, v1;
	v2 =	vld [tilespmem:$0x16660];
	_ =	sdelay $0x4  }
0xa2: {  	[tilespmem:v3+s11+$0x0] =	vst.idx.add.f32.msk vm0, v2  }
0xa3: {  	v3 =	vor.u32 $0x27, v1;
	v2 =	vld [tilespmem:$0x16670];
	_ =	sdelay $0x4  }
0xa4: {  	[tilespmem:v3+s11+$0x0] =	vst.idx.add.f32.msk vm0, v2  }
0xa5: {  	v3 =	vor.u32 $0x28, v1;
	v2 =	vld [tilespmem:$0x16680];
	_ =	sdelay $0x4  }
0xa6: {  	[tilespmem:v3+s11+$0x0] =	vst.idx.add.f32.msk vm0, v2  }
0xa7: {  	v3 =	vor.u32 $0x29, v1;
	v2 =	vld [tilespmem:$0x16690];
	_ =	sdelay $0x4  }
0xa8: {  	[tilespmem:v3+s11+$0x0] =	vst.idx.add.f32.msk vm0, v2  }
0xa9: {  	v3 =	vor.u32 $0x2A, v1;
	v2 =	vld [tilespmem:$0x166A0];
	_ =	sdelay $0x4  }
0xaa: {  	[tilespmem:v3+s11+$0x0] =	vst.idx.add.f32.msk vm0, v2  }
0xab: {  	v3 =	vor.u32 $0x2B, v1;
	v2 =	vld [tilespmem:$0x166B0];
	_ =	sdelay $0x4  }
0xac: {  	[tilespmem:v3+s11+$0x0] =	vst.idx.add.f32.msk vm0, v2  }
0xad: {  	v3 =	vor.u32 $0x2C, v1;
	v2 =	vld [tilespmem:$0x166C0];
	_ =	sdelay $0x4  }
0xae: {  	[tilespmem:v3+s11+$0x0] =	vst.idx.add.f32.msk vm0, v2  }
0xaf: {  	v3 =	vor.u32 $0x2D, v1;
	v2 =	vld [tilespmem:$0x166D0];
	_ =	sdelay $0x4  }
0xb0: {  	[tilespmem:v3+s11+$0x0] =	vst.idx.add.f32.msk vm0, v2  }
0xb1: {  	v3 =	vor.u32 $0x2E, v1;
	v2 =	vld [tilespmem:$0x166E0];
	_ =	sdelay $0x4  }
0xb2: {  	[tilespmem:v3+s11+$0x0] =	vst.idx.add.f32.msk vm0, v2  }
0xb3: {  	v3 =	vor.u32 $0x2F, v1;
	v2 =	vld [tilespmem:$0x166F0];
	_ =	sdelay $0x4  }
0xb4: {  	[tilespmem:v3+s11+$0x0] =	vst.idx.add.f32.msk vm0, v2  }
0xb5: {  	v3 =	vor.u32 $0x30, v1;
	v2 =	vld [tilespmem:$0x16700];
	_ =	sdelay $0x4  }
0xb6: {  	[tilespmem:v3+s11+$0x0] =	vst.idx.add.f32.msk vm0, v2  }
0xb7: {  	v3 =	vor.u32 $0x31, v1;
	v2 =	vld [tilespmem:$0x16710];
	_ =	sdelay $0x4  }
0xb8: {  	[tilespmem:v3+s11+$0x0] =	vst.idx.add.f32.msk vm0, v2  }
0xb9: {  	v3 =	vor.u32 $0x32, v1;
	v2 =	vld [tilespmem:$0x16720];
	_ =	sdelay $0x4  }
0xba: {  	[tilespmem:v3+s11+$0x0] =	vst.idx.add.f32.msk vm0, v2  }
0xbb: {  	v3 =	vor.u32 $0x33, v1;
	v2 =	vld [tilespmem:$0x16730];
	_ =	sdelay $0x4  }
0xbc: {  	[tilespmem:v3+s11+$0x0] =	vst.idx.add.f32.msk vm0, v2  }
0xbd: {  	v3 =	vor.u32 $0x34, v1;
	v2 =	vld [tilespmem:$0x16740];
	_ =	sdelay $0x4  }
0xbe: {  	[tilespmem:v3+s11+$0x0] =	vst.idx.add.f32.msk vm0, v2  }
0xbf: {  	v3 =	vor.u32 $0x35, v1;
	v2 =	vld [tilespmem:$0x16750];
	_ =	sdelay $0x4  }
0xc0: {  	[tilespmem:v3+s11+$0x0] =	vst.idx.add.f32.msk vm0, v2  }
0xc1: {  	v3 =	vor.u32 $0x36, v1;
	v2 =	vld [tilespmem:$0x16760];
	_ =	sdelay $0x4  }
0xc2: {  	[tilespmem:v3+s11+$0x0] =	vst.idx.add.f32.msk vm0, v2  }
0xc3: {  	v3 =	vor.u32 $0x37, v1;
	v2 =	vld [tilespmem:$0x16770];
	_ =	sdelay $0x4  }
0xc4: {  	[tilespmem:v3+s11+$0x0] =	vst.idx.add.f32.msk vm0, v2  }
0xc5: {  	v3 =	vor.u32 $0x38, v1;
	v2 =	vld [tilespmem:$0x16780];
	_ =	sdelay $0x4  }
0xc6: {  	[tilespmem:v3+s11+$0x0] =	vst.idx.add.f32.msk vm0, v2  }
0xc7: {  	v3 =	vor.u32 $0x39, v1;
	v2 =	vld [tilespmem:$0x16790];
	_ =	sdelay $0x4  }
0xc8: {  	[tilespmem:v3+s11+$0x0] =	vst.idx.add.f32.msk vm0, v2  }
0xc9: {  	v3 =	vor.u32 $0x3A, v1;
	v2 =	vld [tilespmem:$0x167A0];
	_ =	sdelay $0x4  }
0xca: {  	[tilespmem:v3+s11+$0x0] =	vst.idx.add.f32.msk vm0, v2  }
0xcb: {  	v3 =	vor.u32 $0x3B, v1;
	v2 =	vld [tilespmem:$0x167B0];
	_ =	sdelay $0x4  }
0xcc: {  	[tilespmem:v3+s11+$0x0] =	vst.idx.add.f32.msk vm0, v2  }
0xcd: {  	v3 =	vor.u32 $0x3C, v1;
	v2 =	vld [tilespmem:$0x167C0];
	_ =	sdelay $0x4  }
0xce: {  	[tilespmem:v3+s11+$0x0] =	vst.idx.add.f32.msk vm0, v2  }
0xcf: {  	v3 =	vor.u32 $0x3D, v1;
	v2 =	vld [tilespmem:$0x167D0];
	_ =	sdelay $0x4  }
0xd0: {  	[tilespmem:v3+s11+$0x0] =	vst.idx.add.f32.msk vm0, v2  }
0xd1: {  	v3 =	vor.u32 $0x3E, v1;
	v2 =	vld [tilespmem:$0x167E0];
	_ =	sdelay $0x4  }
0xd2: {  	[tilespmem:v3+s11+$0x0] =	vst.idx.add.f32.msk vm0, v2  }
0xd3: {  	p0 =	sne.s32 s23, $0x70;
	v1 =	vor.u32 $0x3F, v1;
	v2 =	vld [tilespmem:$0x167F0]  }
.Ltmp1:
0xd4: {  	_ = 	snop;
	(pc) =	sbr.rel @p0 .LBB2_3-.Ltmp1, $2  }
0xd5: {  	_ =	sdelay $0x2  }
0xd6: {  	s30 =	sadd.s32 $0x10, s30;
	s23 =	sadd.s32 $0x10, s23;
	[tilespmem:v1+s11+$0x0] =	vst.idx.add.f32.msk vm0, v2  }
0xd7: {  	s30 =	simm.s32 $0x80;
	v1 =	vld [tilespmem:s0+$0x0];
	s31 =	simm.s32 $0x90;
	s23 =	smov.u32 s0  }
.LBB2_5:
0xd8: {  	p0 =	sne.s32 s31, $0xF0;
	v2 =	vld [tilespmem:$0x16400];
	_ =	sdelay $0x2  }
0xd9: {  	v3 =	vmov s30;
	s30 =	smov.u32 s31  }
0xda: {  	vm0 =	veq.s32 v1, $0xF423F;
	v1 =	vshll.u32 v3, $0x7  }
0xdb: {  	v1 =	vor.u32 v0, v1;
	_ =	sdelay $0x4  }
0xdc: {  	[tilespmem:v1+s11+$0x0] =	vst.idx.add.f32.msk vm0, v2  }
0xdd: {  	v3 =	vor.u32 $0x1, v1;
	v2 =	vld [tilespmem:$0x16410];
	_ =	sdelay $0x4  }
0xde: {  	[tilespmem:v3+s11+$0x0] =	vst.idx.add.f32.msk vm0, v2  }
0xdf: {  	v3 =	vor.u32 $0x2, v1;
	v2 =	vld [tilespmem:$0x16420];
	_ =	sdelay $0x4  }
0xe0: {  	[tilespmem:v3+s11+$0x0] =	vst.idx.add.f32.msk vm0, v2  }
0xe1: {  	v3 =	vor.u32 $0x3, v1;
	v2 =	vld [tilespmem:$0x16430];
	_ =	sdelay $0x4  }
0xe2: {  	[tilespmem:v3+s11+$0x0] =	vst.idx.add.f32.msk vm0, v2  }
0xe3: {  	v3 =	vor.u32 $0x4, v1;
	v2 =	vld [tilespmem:$0x16440];
	_ =	sdelay $0x4  }
0xe4: {  	[tilespmem:v3+s11+$0x0] =	vst.idx.add.f32.msk vm0, v2  }
0xe5: {  	v3 =	vor.u32 $0x5, v1;
	v2 =	vld [tilespmem:$0x16450];
	_ =	sdelay $0x4  }
0xe6: {  	[tilespmem:v3+s11+$0x0] =	vst.idx.add.f32.msk vm0, v2  }
0xe7: {  	v3 =	vor.u32 $0x6, v1;
	v2 =	vld [tilespmem:$0x16460];
	_ =	sdelay $0x4  }
0xe8: {  	[tilespmem:v3+s11+$0x0] =	vst.idx.add.f32.msk vm0, v2  }
0xe9: {  	v3 =	vor.u32 $0x7, v1;
	v2 =	vld [tilespmem:$0x16470];
	_ =	sdelay $0x4  }
0xea: {  	[tilespmem:v3+s11+$0x0] =	vst.idx.add.f32.msk vm0, v2  }
0xeb: {  	v3 =	vor.u32 $0x8, v1;
	v2 =	vld [tilespmem:$0x16480];
	_ =	sdelay $0x4  }
0xec: {  	[tilespmem:v3+s11+$0x0] =	vst.idx.add.f32.msk vm0, v2  }
0xed: {  	v3 =	vor.u32 $0x9, v1;
	v2 =	vld [tilespmem:$0x16490];
	_ =	sdelay $0x4  }
0xee: {  	[tilespmem:v3+s11+$0x0] =	vst.idx.add.f32.msk vm0, v2  }
0xef: {  	v3 =	vor.u32 $0xA, v1;
	v2 =	vld [tilespmem:$0x164A0];
	_ =	sdelay $0x4  }
0xf0: {  	[tilespmem:v3+s11+$0x0] =	vst.idx.add.f32.msk vm0, v2  }
0xf1: {  	v3 =	vor.u32 $0xB, v1;
	v2 =	vld [tilespmem:$0x164B0];
	_ =	sdelay $0x4  }
0xf2: {  	[tilespmem:v3+s11+$0x0] =	vst.idx.add.f32.msk vm0, v2  }
0xf3: {  	v3 =	vor.u32 $0xC, v1;
	v2 =	vld [tilespmem:$0x164C0];
	_ =	sdelay $0x4  }
0xf4: {  	[tilespmem:v3+s11+$0x0] =	vst.idx.add.f32.msk vm0, v2  }
0xf5: {  	v3 =	vor.u32 $0xD, v1;
	v2 =	vld [tilespmem:$0x164D0];
	_ =	sdelay $0x4  }
0xf6: {  	[tilespmem:v3+s11+$0x0] =	vst.idx.add.f32.msk vm0, v2  }
0xf7: {  	v3 =	vor.u32 $0xE, v1;
	v2 =	vld [tilespmem:$0x164E0];
	_ =	sdelay $0x4  }
0xf8: {  	[tilespmem:v3+s11+$0x0] =	vst.idx.add.f32.msk vm0, v2  }
0xf9: {  	v3 =	vor.u32 $0xF, v1;
	v2 =	vld [tilespmem:$0x164F0];
	_ =	sdelay $0x4  }
0xfa: {  	[tilespmem:v3+s11+$0x0] =	vst.idx.add.f32.msk vm0, v2  }
0xfb: {  	v3 =	vor.u32 $0x10, v1;
	v2 =	vld [tilespmem:$0x16500];
	_ =	sdelay $0x4  }
0xfc: {  	[tilespmem:v3+s11+$0x0] =	vst.idx.add.f32.msk vm0, v2  }
0xfd: {  	v3 =	vor.u32 $0x11, v1;
	v2 =	vld [tilespmem:$0x16510];
	_ =	sdelay $0x4  }
0xfe: {  	[tilespmem:v3+s11+$0x0] =	vst.idx.add.f32.msk vm0, v2  }
0xff: {  	v3 =	vor.u32 $0x12, v1;
	v2 =	vld [tilespmem:$0x16520];
	_ =	sdelay $0x4  }
0x100: {  	[tilespmem:v3+s11+$0x0] =	vst.idx.add.f32.msk vm0, v2  }
0x101: {  	v3 =	vor.u32 $0x13, v1;
	v2 =	vld [tilespmem:$0x16530];
	_ =	sdelay $0x4  }
0x102: {  	[tilespmem:v3+s11+$0x0] =	vst.idx.add.f32.msk vm0, v2  }
0x103: {  	v3 =	vor.u32 $0x14, v1;
	v2 =	vld [tilespmem:$0x16540];
	_ =	sdelay $0x4  }
0x104: {  	[tilespmem:v3+s11+$0x0] =	vst.idx.add.f32.msk vm0, v2  }
0x105: {  	v3 =	vor.u32 $0x15, v1;
	v2 =	vld [tilespmem:$0x16550];
	_ =	sdelay $0x4  }
0x106: {  	[tilespmem:v3+s11+$0x0] =	vst.idx.add.f32.msk vm0, v2  }
0x107: {  	v3 =	vor.u32 $0x16, v1;
	v2 =	vld [tilespmem:$0x16560];
	_ =	sdelay $0x4  }
0x108: {  	[tilespmem:v3+s11+$0x0] =	vst.idx.add.f32.msk vm0, v2  }
0x109: {  	v3 =	vor.u32 $0x17, v1;
	v2 =	vld [tilespmem:$0x16570];
	_ =	sdelay $0x4  }
0x10a: {  	[tilespmem:v3+s11+$0x0] =	vst.idx.add.f32.msk vm0, v2  }
0x10b: {  	v3 =	vor.u32 $0x18, v1;
	v2 =	vld [tilespmem:$0x16580];
	_ =	sdelay $0x4  }
0x10c: {  	[tilespmem:v3+s11+$0x0] =	vst.idx.add.f32.msk vm0, v2  }
0x10d: {  	v3 =	vor.u32 $0x19, v1;
	v2 =	vld [tilespmem:$0x16590];
	_ =	sdelay $0x4  }
0x10e: {  	[tilespmem:v3+s11+$0x0] =	vst.idx.add.f32.msk vm0, v2  }
0x10f: {  	v3 =	vor.u32 $0x1A, v1;
	v2 =	vld [tilespmem:$0x165A0];
	_ =	sdelay $0x4  }
0x110: {  	[tilespmem:v3+s11+$0x0] =	vst.idx.add.f32.msk vm0, v2  }
0x111: {  	v3 =	vor.u32 $0x1B, v1;
	v2 =	vld [tilespmem:$0x165B0];
	_ =	sdelay $0x4  }
0x112: {  	[tilespmem:v3+s11+$0x0] =	vst.idx.add.f32.msk vm0, v2  }
0x113: {  	v3 =	vor.u32 $0x1C, v1;
	v2 =	vld [tilespmem:$0x165C0];
	_ =	sdelay $0x4  }
0x114: {  	[tilespmem:v3+s11+$0x0] =	vst.idx.add.f32.msk vm0, v2  }
0x115: {  	v3 =	vor.u32 $0x1D, v1;
	v2 =	vld [tilespmem:$0x165D0];
	_ =	sdelay $0x4  }
0x116: {  	[tilespmem:v3+s11+$0x0] =	vst.idx.add.f32.msk vm0, v2  }
0x117: {  	v3 =	vor.u32 $0x1E, v1;
	v2 =	vld [tilespmem:$0x165E0];
	_ =	sdelay $0x4  }
0x118: {  	[tilespmem:v3+s11+$0x0] =	vst.idx.add.f32.msk vm0, v2  }
0x119: {  	v3 =	vor.u32 $0x1F, v1;
	v2 =	vld [tilespmem:$0x165F0];
	_ =	sdelay $0x4  }
0x11a: {  	[tilespmem:v3+s11+$0x0] =	vst.idx.add.f32.msk vm0, v2  }
0x11b: {  	v3 =	vor.u32 $0x20, v1;
	v2 =	vld [tilespmem:$0x16600];
	_ =	sdelay $0x4  }
0x11c: {  	[tilespmem:v3+s11+$0x0] =	vst.idx.add.f32.msk vm0, v2  }
0x11d: {  	v3 =	vor.u32 $0x21, v1;
	v2 =	vld [tilespmem:$0x16610];
	_ =	sdelay $0x4  }
0x11e: {  	[tilespmem:v3+s11+$0x0] =	vst.idx.add.f32.msk vm0, v2  }
0x11f: {  	v3 =	vor.u32 $0x22, v1;
	v2 =	vld [tilespmem:$0x16620];
	_ =	sdelay $0x4  }
0x120: {  	[tilespmem:v3+s11+$0x0] =	vst.idx.add.f32.msk vm0, v2  }
0x121: {  	v3 =	vor.u32 $0x23, v1;
	v2 =	vld [tilespmem:$0x16630];
	_ =	sdelay $0x4  }
0x122: {  	[tilespmem:v3+s11+$0x0] =	vst.idx.add.f32.msk vm0, v2  }
0x123: {  	v3 =	vor.u32 $0x24, v1;
	v2 =	vld [tilespmem:$0x16640];
	_ =	sdelay $0x4  }
0x124: {  	[tilespmem:v3+s11+$0x0] =	vst.idx.add.f32.msk vm0, v2  }
0x125: {  	v3 =	vor.u32 $0x25, v1;
	v2 =	vld [tilespmem:$0x16650];
	_ =	sdelay $0x4  }
0x126: {  	[tilespmem:v3+s11+$0x0] =	vst.idx.add.f32.msk vm0, v2  }
0x127: {  	v3 =	vor.u32 $0x26, v1;
	v2 =	vld [tilespmem:$0x16660];
	_ =	sdelay $0x4  }
0x128: {  	[tilespmem:v3+s11+$0x0] =	vst.idx.add.f32.msk vm0, v2  }
0x129: {  	v3 =	vor.u32 $0x27, v1;
	v2 =	vld [tilespmem:$0x16670];
	_ =	sdelay $0x4  }
0x12a: {  	[tilespmem:v3+s11+$0x0] =	vst.idx.add.f32.msk vm0, v2  }
0x12b: {  	v3 =	vor.u32 $0x28, v1;
	v2 =	vld [tilespmem:$0x16680];
	_ =	sdelay $0x4  }
0x12c: {  	[tilespmem:v3+s11+$0x0] =	vst.idx.add.f32.msk vm0, v2  }
0x12d: {  	v3 =	vor.u32 $0x29, v1;
	v2 =	vld [tilespmem:$0x16690];
	_ =	sdelay $0x4  }
0x12e: {  	[tilespmem:v3+s11+$0x0] =	vst.idx.add.f32.msk vm0, v2  }
0x12f: {  	v3 =	vor.u32 $0x2A, v1;
	v2 =	vld [tilespmem:$0x166A0];
	_ =	sdelay $0x4  }
0x130: {  	[tilespmem:v3+s11+$0x0] =	vst.idx.add.f32.msk vm0, v2  }
0x131: {  	v3 =	vor.u32 $0x2B, v1;
	v2 =	vld [tilespmem:$0x166B0];
	_ =	sdelay $0x4  }
0x132: {  	[tilespmem:v3+s11+$0x0] =	vst.idx.add.f32.msk vm0, v2  }
0x133: {  	v3 =	vor.u32 $0x2C, v1;
	v2 =	vld [tilespmem:$0x166C0];
	_ =	sdelay $0x4  }
0x134: {  	[tilespmem:v3+s11+$0x0] =	vst.idx.add.f32.msk vm0, v2  }
0x135: {  	v3 =	vor.u32 $0x2D, v1;
	v2 =	vld [tilespmem:$0x166D0];
	_ =	sdelay $0x4  }
0x136: {  	[tilespmem:v3+s11+$0x0] =	vst.idx.add.f32.msk vm0, v2  }
0x137: {  	v3 =	vor.u32 $0x2E, v1;
	v2 =	vld [tilespmem:$0x166E0];
	_ =	sdelay $0x4  }
0x138: {  	[tilespmem:v3+s11+$0x0] =	vst.idx.add.f32.msk vm0, v2  }
0x139: {  	v3 =	vor.u32 $0x2F, v1;
	v2 =	vld [tilespmem:$0x166F0];
	_ =	sdelay $0x4  }
0x13a: {  	[tilespmem:v3+s11+$0x0] =	vst.idx.add.f32.msk vm0, v2  }
0x13b: {  	v3 =	vor.u32 $0x30, v1;
	v2 =	vld [tilespmem:$0x16700];
	_ =	sdelay $0x4  }
0x13c: {  	[tilespmem:v3+s11+$0x0] =	vst.idx.add.f32.msk vm0, v2  }
0x13d: {  	v3 =	vor.u32 $0x31, v1;
	v2 =	vld [tilespmem:$0x16710];
	_ =	sdelay $0x4  }
0x13e: {  	[tilespmem:v3+s11+$0x0] =	vst.idx.add.f32.msk vm0, v2  }
0x13f: {  	v3 =	vor.u32 $0x32, v1;
	v2 =	vld [tilespmem:$0x16720];
	_ =	sdelay $0x4  }
0x140: {  	[tilespmem:v3+s11+$0x0] =	vst.idx.add.f32.msk vm0, v2  }
0x141: {  	v3 =	vor.u32 $0x33, v1;
	v2 =	vld [tilespmem:$0x16730];
	_ =	sdelay $0x4  }
0x142: {  	[tilespmem:v3+s11+$0x0] =	vst.idx.add.f32.msk vm0, v2  }
0x143: {  	v3 =	vor.u32 $0x34, v1;
	v2 =	vld [tilespmem:$0x16740];
	_ =	sdelay $0x4  }
0x144: {  	[tilespmem:v3+s11+$0x0] =	vst.idx.add.f32.msk vm0, v2  }
0x145: {  	v3 =	vor.u32 $0x35, v1;
	v2 =	vld [tilespmem:$0x16750];
	_ =	sdelay $0x4  }
0x146: {  	[tilespmem:v3+s11+$0x0] =	vst.idx.add.f32.msk vm0, v2  }
0x147: {  	v3 =	vor.u32 $0x36, v1;
	v2 =	vld [tilespmem:$0x16760];
	_ =	sdelay $0x4  }
0x148: {  	[tilespmem:v3+s11+$0x0] =	vst.idx.add.f32.msk vm0, v2  }
0x149: {  	v3 =	vor.u32 $0x37, v1;
	v2 =	vld [tilespmem:$0x16770];
	_ =	sdelay $0x4  }
0x14a: {  	[tilespmem:v3+s11+$0x0] =	vst.idx.add.f32.msk vm0, v2  }
0x14b: {  	v3 =	vor.u32 $0x38, v1;
	v2 =	vld [tilespmem:$0x16780];
	_ =	sdelay $0x4  }
0x14c: {  	[tilespmem:v3+s11+$0x0] =	vst.idx.add.f32.msk vm0, v2  }
0x14d: {  	v3 =	vor.u32 $0x39, v1;
	v2 =	vld [tilespmem:$0x16790];
	_ =	sdelay $0x4  }
0x14e: {  	[tilespmem:v3+s11+$0x0] =	vst.idx.add.f32.msk vm0, v2  }
0x14f: {  	v3 =	vor.u32 $0x3A, v1;
	v2 =	vld [tilespmem:$0x167A0];
	_ =	sdelay $0x4  }
0x150: {  	[tilespmem:v3+s11+$0x0] =	vst.idx.add.f32.msk vm0, v2  }
0x151: {  	v3 =	vor.u32 $0x3B, v1;
	v2 =	vld [tilespmem:$0x167B0];
	_ =	sdelay $0x4  }
0x152: {  	[tilespmem:v3+s11+$0x0] =	vst.idx.add.f32.msk vm0, v2  }
0x153: {  	v3 =	vor.u32 $0x3C, v1;
	v2 =	vld [tilespmem:$0x167C0];
	_ =	sdelay $0x4  }
0x154: {  	[tilespmem:v3+s11+$0x0] =	vst.idx.add.f32.msk vm0, v2  }
0x155: {  	v3 =	vor.u32 $0x3D, v1;
	v2 =	vld [tilespmem:$0x167D0];
	_ =	sdelay $0x4  }
0x156: {  	[tilespmem:v3+s11+$0x0] =	vst.idx.add.f32.msk vm0, v2  }
0x157: {  	v3 =	vor.u32 $0x3E, v1;
	v2 =	vld [tilespmem:$0x167E0];
	_ =	sdelay $0x4  }
0x158: {  	[tilespmem:v3+s11+$0x0] =	vst.idx.add.f32.msk vm0, v2  }
0x159: {  	v1 =	vor.u32 $0x3F, v1;
	v2 =	vld [tilespmem:$0x167F0];
	_ =	sdelay $0x1  }
.Ltmp2:
0x15a: {  	(pc) =	sbr.rel @p0 .LBB2_5-.Ltmp2, $3  }
0x15b: {  	_ =	sdelay $0x1  }
0x15c: {  	s23 =	sadd.s32 $0x10, s23;
	[tilespmem:v1+s11+$0x0] =	vst.idx.add.f32.msk vm0, v2  }
0x15d: {  	s31 =	sadd.s32 $0x10, s31;
	v1 =	vld [tilespmem:s23+$0x0]  }
0x15e: {  	_ =	sdelay $0x2  }
0x15f: {  	v2 =	vmov s30  }
0x160: {  	vm0 =	veq.s32 v1, $0xF423F;
	v1 =	vshll.u32 v2, $0x7  }
0x161: {  	v2 =	vld [tilespmem:$0x16400];
	v1 =	vor.u32 v0, v1;
	_ =	sdelay $0x4  }
0x162: {  	[tilespmem:v1+s11+$0x0] =	vst.idx.add.f32.msk vm0, v2  }
0x163: {  	v3 =	vor.u32 $0x1, v1;
	v2 =	vld [tilespmem:$0x16410];
	_ =	sdelay $0x4  }
0x164: {  	[tilespmem:v3+s11+$0x0] =	vst.idx.add.f32.msk vm0, v2  }
0x165: {  	v3 =	vor.u32 $0x2, v1;
	v2 =	vld [tilespmem:$0x16420];
	_ =	sdelay $0x4  }
0x166: {  	[tilespmem:v3+s11+$0x0] =	vst.idx.add.f32.msk vm0, v2  }
0x167: {  	v3 =	vor.u32 $0x3, v1;
	v2 =	vld [tilespmem:$0x16430];
	_ =	sdelay $0x4  }
0x168: {  	[tilespmem:v3+s11+$0x0] =	vst.idx.add.f32.msk vm0, v2  }
0x169: {  	v3 =	vor.u32 $0x4, v1;
	v2 =	vld [tilespmem:$0x16440];
	_ =	sdelay $0x4  }
0x16a: {  	[tilespmem:v3+s11+$0x0] =	vst.idx.add.f32.msk vm0, v2  }
0x16b: {  	v3 =	vor.u32 $0x5, v1;
	v2 =	vld [tilespmem:$0x16450];
	_ =	sdelay $0x4  }
0x16c: {  	[tilespmem:v3+s11+$0x0] =	vst.idx.add.f32.msk vm0, v2  }
0x16d: {  	v3 =	vor.u32 $0x6, v1;
	v2 =	vld [tilespmem:$0x16460];
	_ =	sdelay $0x4  }
0x16e: {  	[tilespmem:v3+s11+$0x0] =	vst.idx.add.f32.msk vm0, v2  }
0x16f: {  	v3 =	vor.u32 $0x7, v1;
	v2 =	vld [tilespmem:$0x16470];
	_ =	sdelay $0x4  }
0x170: {  	[tilespmem:v3+s11+$0x0] =	vst.idx.add.f32.msk vm0, v2  }
0x171: {  	v3 =	vor.u32 $0x8, v1;
	v2 =	vld [tilespmem:$0x16480];
	_ =	sdelay $0x4  }
0x172: {  	[tilespmem:v3+s11+$0x0] =	vst.idx.add.f32.msk vm0, v2  }
0x173: {  	v3 =	vor.u32 $0x9, v1;
	v2 =	vld [tilespmem:$0x16490];
	_ =	sdelay $0x4  }
0x174: {  	[tilespmem:v3+s11+$0x0] =	vst.idx.add.f32.msk vm0, v2  }
0x175: {  	v3 =	vor.u32 $0xA, v1;
	v2 =	vld [tilespmem:$0x164A0];
	_ =	sdelay $0x4  }
0x176: {  	[tilespmem:v3+s11+$0x0] =	vst.idx.add.f32.msk vm0, v2  }
0x177: {  	v3 =	vor.u32 $0xB, v1;
	v2 =	vld [tilespmem:$0x164B0];
	_ =	sdelay $0x4  }
0x178: {  	[tilespmem:v3+s11+$0x0] =	vst.idx.add.f32.msk vm0, v2  }
0x179: {  	v3 =	vor.u32 $0xC, v1;
	v2 =	vld [tilespmem:$0x164C0];
	_ =	sdelay $0x4  }
0x17a: {  	[tilespmem:v3+s11+$0x0] =	vst.idx.add.f32.msk vm0, v2  }
0x17b: {  	v3 =	vor.u32 $0xD, v1;
	v2 =	vld [tilespmem:$0x164D0];
	_ =	sdelay $0x4  }
0x17c: {  	[tilespmem:v3+s11+$0x0] =	vst.idx.add.f32.msk vm0, v2  }
0x17d: {  	v3 =	vor.u32 $0xE, v1;
	v2 =	vld [tilespmem:$0x164E0];
	_ =	sdelay $0x4  }
0x17e: {  	[tilespmem:v3+s11+$0x0] =	vst.idx.add.f32.msk vm0, v2  }
0x17f: {  	v3 =	vor.u32 $0xF, v1;
	v2 =	vld [tilespmem:$0x164F0];
	_ =	sdelay $0x4  }
0x180: {  	[tilespmem:v3+s11+$0x0] =	vst.idx.add.f32.msk vm0, v2  }
0x181: {  	v3 =	vor.u32 $0x10, v1;
	v2 =	vld [tilespmem:$0x16500];
	_ =	sdelay $0x4  }
0x182: {  	[tilespmem:v3+s11+$0x0] =	vst.idx.add.f32.msk vm0, v2  }
0x183: {  	v3 =	vor.u32 $0x11, v1;
	v2 =	vld [tilespmem:$0x16510];
	_ =	sdelay $0x4  }
0x184: {  	[tilespmem:v3+s11+$0x0] =	vst.idx.add.f32.msk vm0, v2  }
0x185: {  	v3 =	vor.u32 $0x12, v1;
	v2 =	vld [tilespmem:$0x16520];
	_ =	sdelay $0x4  }
0x186: {  	[tilespmem:v3+s11+$0x0] =	vst.idx.add.f32.msk vm0, v2  }
0x187: {  	v3 =	vor.u32 $0x13, v1;
	v2 =	vld [tilespmem:$0x16530];
	_ =	sdelay $0x4  }
0x188: {  	[tilespmem:v3+s11+$0x0] =	vst.idx.add.f32.msk vm0, v2  }
0x189: {  	v3 =	vor.u32 $0x14, v1;
	v2 =	vld [tilespmem:$0x16540];
	_ =	sdelay $0x4  }
0x18a: {  	[tilespmem:v3+s11+$0x0] =	vst.idx.add.f32.msk vm0, v2  }
0x18b: {  	v3 =	vor.u32 $0x15, v1;
	v2 =	vld [tilespmem:$0x16550];
	_ =	sdelay $0x4  }
0x18c: {  	[tilespmem:v3+s11+$0x0] =	vst.idx.add.f32.msk vm0, v2  }
0x18d: {  	v3 =	vor.u32 $0x16, v1;
	v2 =	vld [tilespmem:$0x16560];
	_ =	sdelay $0x4  }
0x18e: {  	[tilespmem:v3+s11+$0x0] =	vst.idx.add.f32.msk vm0, v2  }
0x18f: {  	v3 =	vor.u32 $0x17, v1;
	v2 =	vld [tilespmem:$0x16570];
	_ =	sdelay $0x4  }
0x190: {  	[tilespmem:v3+s11+$0x0] =	vst.idx.add.f32.msk vm0, v2  }
0x191: {  	v3 =	vor.u32 $0x18, v1;
	v2 =	vld [tilespmem:$0x16580];
	_ =	sdelay $0x4  }
0x192: {  	[tilespmem:v3+s11+$0x0] =	vst.idx.add.f32.msk vm0, v2  }
0x193: {  	v3 =	vor.u32 $0x19, v1;
	v2 =	vld [tilespmem:$0x16590];
	_ =	sdelay $0x4  }
0x194: {  	[tilespmem:v3+s11+$0x0] =	vst.idx.add.f32.msk vm0, v2  }
0x195: {  	v3 =	vor.u32 $0x1A, v1;
	v2 =	vld [tilespmem:$0x165A0];
	_ =	sdelay $0x4  }
0x196: {  	[tilespmem:v3+s11+$0x0] =	vst.idx.add.f32.msk vm0, v2  }
0x197: {  	v3 =	vor.u32 $0x1B, v1;
	v2 =	vld [tilespmem:$0x165B0];
	_ =	sdelay $0x4  }
0x198: {  	[tilespmem:v3+s11+$0x0] =	vst.idx.add.f32.msk vm0, v2  }
0x199: {  	v3 =	vor.u32 $0x1C, v1;
	v2 =	vld [tilespmem:$0x165C0];
	_ =	sdelay $0x4  }
0x19a: {  	[tilespmem:v3+s11+$0x0] =	vst.idx.add.f32.msk vm0, v2  }
0x19b: {  	v3 =	vor.u32 $0x1D, v1;
	v2 =	vld [tilespmem:$0x165D0];
	_ =	sdelay $0x4  }
0x19c: {  	[tilespmem:v3+s11+$0x0] =	vst.idx.add.f32.msk vm0, v2  }
0x19d: {  	v3 =	vor.u32 $0x1E, v1;
	v2 =	vld [tilespmem:$0x165E0];
	_ =	sdelay $0x4  }
0x19e: {  	[tilespmem:v3+s11+$0x0] =	vst.idx.add.f32.msk vm0, v2  }
0x19f: {  	v3 =	vor.u32 $0x1F, v1;
	v2 =	vld [tilespmem:$0x165F0];
	_ =	sdelay $0x4  }
0x1a0: {  	[tilespmem:v3+s11+$0x0] =	vst.idx.add.f32.msk vm0, v2  }
0x1a1: {  	v3 =	vor.u32 $0x20, v1;
	v2 =	vld [tilespmem:$0x16600];
	_ =	sdelay $0x4  }
0x1a2: {  	[tilespmem:v3+s11+$0x0] =	vst.idx.add.f32.msk vm0, v2  }
0x1a3: {  	v3 =	vor.u32 $0x21, v1;
	v2 =	vld [tilespmem:$0x16610];
	_ =	sdelay $0x4  }
0x1a4: {  	[tilespmem:v3+s11+$0x0] =	vst.idx.add.f32.msk vm0, v2  }
0x1a5: {  	v3 =	vor.u32 $0x22, v1;
	v2 =	vld [tilespmem:$0x16620];
	_ =	sdelay $0x4  }
0x1a6: {  	[tilespmem:v3+s11+$0x0] =	vst.idx.add.f32.msk vm0, v2  }
0x1a7: {  	v3 =	vor.u32 $0x23, v1;
	v2 =	vld [tilespmem:$0x16630];
	_ =	sdelay $0x4  }
0x1a8: {  	[tilespmem:v3+s11+$0x0] =	vst.idx.add.f32.msk vm0, v2  }
0x1a9: {  	v3 =	vor.u32 $0x24, v1;
	v2 =	vld [tilespmem:$0x16640];
	_ =	sdelay $0x4  }
0x1aa: {  	[tilespmem:v3+s11+$0x0] =	vst.idx.add.f32.msk vm0, v2  }
0x1ab: {  	v3 =	vor.u32 $0x25, v1;
	v2 =	vld [tilespmem:$0x16650];
	_ =	sdelay $0x4  }
0x1ac: {  	[tilespmem:v3+s11+$0x0] =	vst.idx.add.f32.msk vm0, v2  }
0x1ad: {  	v3 =	vor.u32 $0x26, v1;
	v2 =	vld [tilespmem:$0x16660];
	_ =	sdelay $0x4  }
0x1ae: {  	[tilespmem:v3+s11+$0x0] =	vst.idx.add.f32.msk vm0, v2  }
0x1af: {  	v3 =	vor.u32 $0x27, v1;
	v2 =	vld [tilespmem:$0x16670];
	_ =	sdelay $0x4  }
0x1b0: {  	[tilespmem:v3+s11+$0x0] =	vst.idx.add.f32.msk vm0, v2  }
0x1b1: {  	v3 =	vor.u32 $0x28, v1;
	v2 =	vld [tilespmem:$0x16680];
	_ =	sdelay $0x4  }
0x1b2: {  	[tilespmem:v3+s11+$0x0] =	vst.idx.add.f32.msk vm0, v2  }
0x1b3: {  	v3 =	vor.u32 $0x29, v1;
	v2 =	vld [tilespmem:$0x16690];
	_ =	sdelay $0x4  }
0x1b4: {  	[tilespmem:v3+s11+$0x0] =	vst.idx.add.f32.msk vm0, v2  }
0x1b5: {  	v3 =	vor.u32 $0x2A, v1;
	v2 =	vld [tilespmem:$0x166A0];
	_ =	sdelay $0x4  }
0x1b6: {  	[tilespmem:v3+s11+$0x0] =	vst.idx.add.f32.msk vm0, v2  }
0x1b7: {  	v3 =	vor.u32 $0x2B, v1;
	v2 =	vld [tilespmem:$0x166B0];
	_ =	sdelay $0x4  }
0x1b8: {  	[tilespmem:v3+s11+$0x0] =	vst.idx.add.f32.msk vm0, v2  }
0x1b9: {  	v3 =	vor.u32 $0x2C, v1;
	v2 =	vld [tilespmem:$0x166C0];
	_ =	sdelay $0x4  }
0x1ba: {  	[tilespmem:v3+s11+$0x0] =	vst.idx.add.f32.msk vm0, v2  }
0x1bb: {  	v3 =	vor.u32 $0x2D, v1;
	v2 =	vld [tilespmem:$0x166D0];
	_ =	sdelay $0x4  }
0x1bc: {  	[tilespmem:v3+s11+$0x0] =	vst.idx.add.f32.msk vm0, v2  }
0x1bd: {  	v3 =	vor.u32 $0x2E, v1;
	v2 =	vld [tilespmem:$0x166E0];
	_ =	sdelay $0x4  }
0x1be: {  	[tilespmem:v3+s11+$0x0] =	vst.idx.add.f32.msk vm0, v2  }
0x1bf: {  	v3 =	vor.u32 $0x2F, v1;
	v2 =	vld [tilespmem:$0x166F0];
	_ =	sdelay $0x4  }
0x1c0: {  	[tilespmem:v3+s11+$0x0] =	vst.idx.add.f32.msk vm0, v2  }
0x1c1: {  	v3 =	vor.u32 $0x30, v1;
	v2 =	vld [tilespmem:$0x16700];
	_ =	sdelay $0x4  }
0x1c2: {  	[tilespmem:v3+s11+$0x0] =	vst.idx.add.f32.msk vm0, v2  }
0x1c3: {  	v3 =	vor.u32 $0x31, v1;
	v2 =	vld [tilespmem:$0x16710];
	_ =	sdelay $0x4  }
0x1c4: {  	[tilespmem:v3+s11+$0x0] =	vst.idx.add.f32.msk vm0, v2  }
0x1c5: {  	v3 =	vor.u32 $0x32, v1;
	v2 =	vld [tilespmem:$0x16720];
	_ =	sdelay $0x4  }
0x1c6: {  	[tilespmem:v3+s11+$0x0] =	vst.idx.add.f32.msk vm0, v2  }
0x1c7: {  	v3 =	vor.u32 $0x33, v1;
	v2 =	vld [tilespmem:$0x16730];
	_ =	sdelay $0x4  }
0x1c8: {  	[tilespmem:v3+s11+$0x0] =	vst.idx.add.f32.msk vm0, v2  }
0x1c9: {  	v3 =	vor.u32 $0x34, v1;
	v2 =	vld [tilespmem:$0x16740];
	_ =	sdelay $0x4  }
0x1ca: {  	[tilespmem:v3+s11+$0x0] =	vst.idx.add.f32.msk vm0, v2  }
0x1cb: {  	v3 =	vor.u32 $0x35, v1;
	v2 =	vld [tilespmem:$0x16750];
	_ =	sdelay $0x4  }
0x1cc: {  	[tilespmem:v3+s11+$0x0] =	vst.idx.add.f32.msk vm0, v2  }
0x1cd: {  	v3 =	vor.u32 $0x36, v1;
	v2 =	vld [tilespmem:$0x16760];
	_ =	sdelay $0x4  }
0x1ce: {  	[tilespmem:v3+s11+$0x0] =	vst.idx.add.f32.msk vm0, v2  }
0x1cf: {  	v3 =	vor.u32 $0x37, v1;
	v2 =	vld [tilespmem:$0x16770];
	_ =	sdelay $0x4  }
0x1d0: {  	[tilespmem:v3+s11+$0x0] =	vst.idx.add.f32.msk vm0, v2  }
0x1d1: {  	v3 =	vor.u32 $0x38, v1;
	v2 =	vld [tilespmem:$0x16780];
	_ =	sdelay $0x4  }
0x1d2: {  	[tilespmem:v3+s11+$0x0] =	vst.idx.add.f32.msk vm0, v2  }
0x1d3: {  	v3 =	vor.u32 $0x39, v1;
	v2 =	vld [tilespmem:$0x16790];
	_ =	sdelay $0x4  }
0x1d4: {  	[tilespmem:v3+s11+$0x0] =	vst.idx.add.f32.msk vm0, v2  }
0x1d5: {  	v3 =	vor.u32 $0x3A, v1;
	v2 =	vld [tilespmem:$0x167A0];
	_ =	sdelay $0x4  }
0x1d6: {  	[tilespmem:v3+s11+$0x0] =	vst.idx.add.f32.msk vm0, v2  }
0x1d7: {  	v3 =	vor.u32 $0x3B, v1;
	v2 =	vld [tilespmem:$0x167B0];
	_ =	sdelay $0x4  }
0x1d8: {  	[tilespmem:v3+s11+$0x0] =	vst.idx.add.f32.msk vm0, v2  }
0x1d9: {  	v3 =	vor.u32 $0x3C, v1;
	v2 =	vld [tilespmem:$0x167C0];
	_ =	sdelay $0x4  }
0x1da: {  	[tilespmem:v3+s11+$0x0] =	vst.idx.add.f32.msk vm0, v2  }
0x1db: {  	v3 =	vor.u32 $0x3D, v1;
	v2 =	vld [tilespmem:$0x167D0];
	_ =	sdelay $0x4  }
0x1dc: {  	[tilespmem:v3+s11+$0x0] =	vst.idx.add.f32.msk vm0, v2  }
0x1dd: {  	v3 =	vor.u32 $0x3E, v1;
	v2 =	vld [tilespmem:$0x167E0];
	_ =	sdelay $0x4  }
0x1de: {  	[tilespmem:v3+s11+$0x0] =	vst.idx.add.f32.msk vm0, v2  }
0x1df: {  	v1 =	vor.u32 $0x3F, v1;
	v2 =	vld [tilespmem:$0x167F0];
	_ =	sdelay $0x4  }
0x1e0: {  	[tilespmem:v1+s11+$0x0] =	vst.idx.add.f32.msk vm0, v2  }
.LBB2_7:
0x1e1: {  	s1 =	sshll.u32 s25, $0x10  }
0x1e2: {  	s1 =	sadd.s32 s7, s1  }
0x1e3: {  	s1 =	sshrl.u32 s1, $0x3  }
0x1e4: {  	s30 =	simm.s32 $0x6400;
	s23 =	sadd.s32 s3, s1  }
0x1e5: {  	s31 =	simm.s32 $0x10;
	s1 =	simm.s32 $0x6480;
	s9 =	sadd.s32 $0x0, s23  }
.LBB2_8:
0x1e6: {  	[hbm4b:s9+s4] =	stream.linear.scatter [tilespmem:s30], [sflag:$0x3], $0x40, $0x38;
	[tilespmem:$0x16800] =	vst v63  }
0x1e7: {  	s9 =	smov.u32 s31;
	s30 =	smov.u32 s1;
	p0 =	sne.s32 s31, $0xFF0  }
.Ltmp3:
0x1e8: {  	s31 =	sadd.s32 $0x10, s31;
	(pc) =	sbr.rel @p0 .LBB2_8-.Ltmp3, $2  }
0x1e9: {  	_ =	sdelay $0x2  }
0x1ea: {  	s1 =	sadd.s32 $0x80, s1;
	s9 =	sadd.s32 s9, s23  }
0x1eb: {  	[hbm4b:s9+s4] =	stream.linear.scatter [tilespmem:s30], [sflag:$0x3], $0x40, $0x38;
	[tilespmem:$0x16800] =	vst v63  }
0x1ec: {  	p0 =	seq.s32 s25, $0x31;
	_ =	swait.ge [sflag:s17], $0x4000  }
0x1ed: {  	s1 =	sadd.s32 @!p0 $0x200, s29;
	[sflag:s17] =	ssyncset.done $0x0  }
0x1ee: {  	s9 =	simm.s32 @!p0 $0x80;
	s23 =	simm.s32 @!p0 $0x6400;
	[sflag:s17] =	ssyncadd.s32 $0xFFFFC000  }
0x1ef: {  	[tilespmem:s23], [sflag:$0x1] =	stream.indirect.gather @!p0 [hbm4b:s2+s9], $0x80, s1, s9, $0xb8;
	[tilespmem:$0x16800] =	vst v63  }
0x1f0: {  	s1 =	sadd.s32 @!p0 $0x280, s29;
	s23 =	simm.s32 @!p0 $0xA400  }
0x1f1: {  	[tilespmem:s23], [sflag:$0x1] =	stream.indirect.gather @!p0 [hbm4b:s2+s9], $0x80, s1, s9, $0xb8;
	[tilespmem:$0x16800] =	vst v63  }
0x1f2: {  	_ =	swait.ge [sflag:s18], $0x4000  }
0x1f3: {  	[sflag:s18] =	ssyncset.done $0x0  }
0x1f4: {  	[sflag:s18] =	ssyncadd.s32 $0xFFFFC000  }
0x1f5: {  	_ =	swait.ge [sflag:s18], $0x4000  }
0x1f6: {  	[sflag:s18] =	ssyncset.done $0x0  }
0x1f7: {  	[sflag:s18] =	ssyncadd.s32 $0xFFFFC000  }
0x1f8: {  	v1 =	vld [tilespmem:s28+$0x0]  }
0x1f9: {  	v2 =	vld [tilespmem:s28+$0x10];
	_ =	sdelay $0x1  }
0x1fa: {  	v3 =	vld [tilespmem:s28+$0x20];
	_ =	sdelay $0x1  }
0x1fb: {  	v4 =	vld [tilespmem:s28+$0x30]  }
0x1fc: {  	vm0 =	vgt.s32 v1, v2  }
0x1fd: {  	v1 =	vsel vm0, v1, v2;
	v2 =	vld [tilespmem:s28+$0x40]  }
0x1fe: {  	vm0 =	vgt.s32 v1, v3  }
0x1ff: {  	v1 =	vsel vm0, v1, v3;
	v3 =	vld [tilespmem:s28+$0x50]  }
0x200: {  	vm0 =	vgt.s32 v1, v4  }
0x201: {  	v60 =	vld [tilespmem:s28+$0x60];
	v1 =	vsel vm0, v1, v4  }
0x202: {  	vm0 =	vgt.s32 v1, v2  }
0x203: {  	v1 =	vsel vm0, v1, v2;
	v2 =	vld [tilespmem:s28+$0x70]  }
0x204: {  	vm0 =	vgt.s32 v1, v3  }
0x205: {  	v1 =	vsel vm0, v1, v3;
	v3 =	vld [tilespmem:s28+$0x80]  }
0x206: {  	vm0 =	vgt.s32 v1, v60  }
0x207: {  	v61 =	vld [tilespmem:s28+$0x90];
	v1 =	vsel vm0, v1, v60  }
0x208: {  	vm0 =	vgt.s32 v1, v2  }
0x209: {  	v1 =	vsel vm0, v1, v2;
	v2 =	vld [tilespmem:s28+$0xA0]  }
0x20a: {  	vm0 =	vgt.s32 v1, v3  }
0x20b: {  	v1 =	vsel vm0, v1, v3;
	v3 =	vld [tilespmem:s28+$0xB0]  }
0x20c: {  	vm0 =	vgt.s32 v1, v61  }
0x20d: {  	v62 =	vld [tilespmem:s28+$0xC0];
	v1 =	vsel vm0, v1, v61  }
0x20e: {  	vm0 =	vgt.s32 v1, v2  }
0x20f: {  	v1 =	vsel vm0, v1, v2;
	v2 =	vld [tilespmem:s28+$0xD0]  }
0x210: {  	vm0 =	vgt.s32 v1, v3  }
0x211: {  	v1 =	vsel vm0, v1, v3;
	v3 =	vld [tilespmem:s28+$0xE0]  }
0x212: {  	vm0 =	vgt.s32 v1, v62  }
0x213: {  	v63 =	vld [tilespmem:s28+$0xF0];
	v1 =	vsel vm0, v1, v62  }
0x214: {  	vm0 =	vgt.s32 v1, v2  }
0x215: {  	v1 =	vsel vm0, v1, v2  }
0x216: {  	vm0 =	vgt.s32 v1, v3  }
0x217: {  	v1 =	vsel vm0, v1, v3  }
0x218: {  	vm0 =	vgt.s32 v1, v63  }
0x219: {  	v1 =	vsel vm0, v1, v63  }
0x21a: {  	vm0 =	veq.s32 v1, $0xF423F  }
0x21b: {  	v1 =	vmpcnt.ones.xlane vm0;
	_ =	sdelay $0x1  }
0x21c: {  	(v2sf) =	vpush v1, $0x0;
	_ =	sdelay $0xe  }
0x21d: {  	s31 =	spop (v2sf)  }
0x21e: {  	p0 =	slt.s32 s31, $0x1  }
.Ltmp4:
0x21f: {  	_ = 	snop;
	(pc) =	sbr.rel @p0 .LBB2_14-.Ltmp4, $2  }
0x220: {  	_ =	sdelay $0x2  }
0x221: {  	s23 =	simm.s32 $0x0;
	s28 =	smov.u32 s21  }
.LBB2_10:
0x222: {  	v1 =	vld [tilespmem:s28+$0x0];
	_ =	sdelay $0x3  }
0x223: {  	v2 =	vmov s23  }
0x224: {  	vm0 =	veq.s32 v1, $0xF423F;
	v1 =	vshll.u32 v2, $0x7  }
0x225: {  	v2 =	vld [tilespmem:$0x16400];
	v1 =	vor.u32 v0, v1;
	_ =	sdelay $0x4  }
0x226: {  	[tilespmem:v1+s14+$0x0] =	vst.idx.add.f32.msk vm0, v2  }
0x227: {  	v3 =	vor.u32 $0x1, v1;
	v2 =	vld [tilespmem:$0x16410];
	_ =	sdelay $0x4  }
0x228: {  	[tilespmem:v3+s14+$0x0] =	vst.idx.add.f32.msk vm0, v2  }
0x229: {  	v3 =	vor.u32 $0x2, v1;
	v2 =	vld [tilespmem:$0x16420];
	_ =	sdelay $0x4  }
0x22a: {  	[tilespmem:v3+s14+$0x0] =	vst.idx.add.f32.msk vm0, v2  }
0x22b: {  	v3 =	vor.u32 $0x3, v1;
	v2 =	vld [tilespmem:$0x16430];
	_ =	sdelay $0x4  }
0x22c: {  	[tilespmem:v3+s14+$0x0] =	vst.idx.add.f32.msk vm0, v2  }
0x22d: {  	v3 =	vor.u32 $0x4, v1;
	v2 =	vld [tilespmem:$0x16440];
	_ =	sdelay $0x4  }
0x22e: {  	[tilespmem:v3+s14+$0x0] =	vst.idx.add.f32.msk vm0, v2  }
0x22f: {  	v3 =	vor.u32 $0x5, v1;
	v2 =	vld [tilespmem:$0x16450];
	_ =	sdelay $0x4  }
0x230: {  	[tilespmem:v3+s14+$0x0] =	vst.idx.add.f32.msk vm0, v2  }
0x231: {  	v3 =	vor.u32 $0x6, v1;
	v2 =	vld [tilespmem:$0x16460];
	_ =	sdelay $0x4  }
0x232: {  	[tilespmem:v3+s14+$0x0] =	vst.idx.add.f32.msk vm0, v2  }
0x233: {  	v3 =	vor.u32 $0x7, v1;
	v2 =	vld [tilespmem:$0x16470];
	_ =	sdelay $0x4  }
0x234: {  	[tilespmem:v3+s14+$0x0] =	vst.idx.add.f32.msk vm0, v2  }
0x235: {  	v3 =	vor.u32 $0x8, v1;
	v2 =	vld [tilespmem:$0x16480];
	_ =	sdelay $0x4  }
0x236: {  	[tilespmem:v3+s14+$0x0] =	vst.idx.add.f32.msk vm0, v2  }
0x237: {  	v3 =	vor.u32 $0x9, v1;
	v2 =	vld [tilespmem:$0x16490];
	_ =	sdelay $0x4  }
0x238: {  	[tilespmem:v3+s14+$0x0] =	vst.idx.add.f32.msk vm0, v2  }
0x239: {  	v3 =	vor.u32 $0xA, v1;
	v2 =	vld [tilespmem:$0x164A0];
	_ =	sdelay $0x4  }
0x23a: {  	[tilespmem:v3+s14+$0x0] =	vst.idx.add.f32.msk vm0, v2  }
0x23b: {  	v3 =	vor.u32 $0xB, v1;
	v2 =	vld [tilespmem:$0x164B0];
	_ =	sdelay $0x4  }
0x23c: {  	[tilespmem:v3+s14+$0x0] =	vst.idx.add.f32.msk vm0, v2  }
0x23d: {  	v3 =	vor.u32 $0xC, v1;
	v2 =	vld [tilespmem:$0x164C0];
	_ =	sdelay $0x4  }
0x23e: {  	[tilespmem:v3+s14+$0x0] =	vst.idx.add.f32.msk vm0, v2  }
0x23f: {  	v3 =	vor.u32 $0xD, v1;
	v2 =	vld [tilespmem:$0x164D0];
	_ =	sdelay $0x4  }
0x240: {  	[tilespmem:v3+s14+$0x0] =	vst.idx.add.f32.msk vm0, v2  }
0x241: {  	v3 =	vor.u32 $0xE, v1;
	v2 =	vld [tilespmem:$0x164E0];
	_ =	sdelay $0x4  }
0x242: {  	[tilespmem:v3+s14+$0x0] =	vst.idx.add.f32.msk vm0, v2  }
0x243: {  	v3 =	vor.u32 $0xF, v1;
	v2 =	vld [tilespmem:$0x164F0];
	_ =	sdelay $0x4  }
0x244: {  	[tilespmem:v3+s14+$0x0] =	vst.idx.add.f32.msk vm0, v2  }
0x245: {  	v3 =	vor.u32 $0x10, v1;
	v2 =	vld [tilespmem:$0x16500];
	_ =	sdelay $0x4  }
0x246: {  	[tilespmem:v3+s14+$0x0] =	vst.idx.add.f32.msk vm0, v2  }
0x247: {  	v3 =	vor.u32 $0x11, v1;
	v2 =	vld [tilespmem:$0x16510];
	_ =	sdelay $0x4  }
0x248: {  	[tilespmem:v3+s14+$0x0] =	vst.idx.add.f32.msk vm0, v2  }
0x249: {  	v3 =	vor.u32 $0x12, v1;
	v2 =	vld [tilespmem:$0x16520];
	_ =	sdelay $0x4  }
0x24a: {  	[tilespmem:v3+s14+$0x0] =	vst.idx.add.f32.msk vm0, v2  }
0x24b: {  	v3 =	vor.u32 $0x13, v1;
	v2 =	vld [tilespmem:$0x16530];
	_ =	sdelay $0x4  }
0x24c: {  	[tilespmem:v3+s14+$0x0] =	vst.idx.add.f32.msk vm0, v2  }
0x24d: {  	v3 =	vor.u32 $0x14, v1;
	v2 =	vld [tilespmem:$0x16540];
	_ =	sdelay $0x4  }
0x24e: {  	[tilespmem:v3+s14+$0x0] =	vst.idx.add.f32.msk vm0, v2  }
0x24f: {  	v3 =	vor.u32 $0x15, v1;
	v2 =	vld [tilespmem:$0x16550];
	_ =	sdelay $0x4  }
0x250: {  	[tilespmem:v3+s14+$0x0] =	vst.idx.add.f32.msk vm0, v2  }
0x251: {  	v3 =	vor.u32 $0x16, v1;
	v2 =	vld [tilespmem:$0x16560];
	_ =	sdelay $0x4  }
0x252: {  	[tilespmem:v3+s14+$0x0] =	vst.idx.add.f32.msk vm0, v2  }
0x253: {  	v3 =	vor.u32 $0x17, v1;
	v2 =	vld [tilespmem:$0x16570];
	_ =	sdelay $0x4  }
0x254: {  	[tilespmem:v3+s14+$0x0] =	vst.idx.add.f32.msk vm0, v2  }
0x255: {  	v3 =	vor.u32 $0x18, v1;
	v2 =	vld [tilespmem:$0x16580];
	_ =	sdelay $0x4  }
0x256: {  	[tilespmem:v3+s14+$0x0] =	vst.idx.add.f32.msk vm0, v2  }
0x257: {  	v3 =	vor.u32 $0x19, v1;
	v2 =	vld [tilespmem:$0x16590];
	_ =	sdelay $0x4  }
0x258: {  	[tilespmem:v3+s14+$0x0] =	vst.idx.add.f32.msk vm0, v2  }
0x259: {  	v3 =	vor.u32 $0x1A, v1;
	v2 =	vld [tilespmem:$0x165A0];
	_ =	sdelay $0x4  }
0x25a: {  	[tilespmem:v3+s14+$0x0] =	vst.idx.add.f32.msk vm0, v2  }
0x25b: {  	v3 =	vor.u32 $0x1B, v1;
	v2 =	vld [tilespmem:$0x165B0];
	_ =	sdelay $0x4  }
0x25c: {  	[tilespmem:v3+s14+$0x0] =	vst.idx.add.f32.msk vm0, v2  }
0x25d: {  	v3 =	vor.u32 $0x1C, v1;
	v2 =	vld [tilespmem:$0x165C0];
	_ =	sdelay $0x4  }
0x25e: {  	[tilespmem:v3+s14+$0x0] =	vst.idx.add.f32.msk vm0, v2  }
0x25f: {  	v3 =	vor.u32 $0x1D, v1;
	v2 =	vld [tilespmem:$0x165D0];
	_ =	sdelay $0x4  }
0x260: {  	[tilespmem:v3+s14+$0x0] =	vst.idx.add.f32.msk vm0, v2  }
0x261: {  	v3 =	vor.u32 $0x1E, v1;
	v2 =	vld [tilespmem:$0x165E0];
	_ =	sdelay $0x4  }
0x262: {  	[tilespmem:v3+s14+$0x0] =	vst.idx.add.f32.msk vm0, v2  }
0x263: {  	v3 =	vor.u32 $0x1F, v1;
	v2 =	vld [tilespmem:$0x165F0];
	_ =	sdelay $0x4  }
0x264: {  	[tilespmem:v3+s14+$0x0] =	vst.idx.add.f32.msk vm0, v2  }
0x265: {  	v3 =	vor.u32 $0x20, v1;
	v2 =	vld [tilespmem:$0x16600];
	_ =	sdelay $0x4  }
0x266: {  	[tilespmem:v3+s14+$0x0] =	vst.idx.add.f32.msk vm0, v2  }
0x267: {  	v3 =	vor.u32 $0x21, v1;
	v2 =	vld [tilespmem:$0x16610];
	_ =	sdelay $0x4  }
0x268: {  	[tilespmem:v3+s14+$0x0] =	vst.idx.add.f32.msk vm0, v2  }
0x269: {  	v3 =	vor.u32 $0x22, v1;
	v2 =	vld [tilespmem:$0x16620];
	_ =	sdelay $0x4  }
0x26a: {  	[tilespmem:v3+s14+$0x0] =	vst.idx.add.f32.msk vm0, v2  }
0x26b: {  	v3 =	vor.u32 $0x23, v1;
	v2 =	vld [tilespmem:$0x16630];
	_ =	sdelay $0x4  }
0x26c: {  	[tilespmem:v3+s14+$0x0] =	vst.idx.add.f32.msk vm0, v2  }
0x26d: {  	v3 =	vor.u32 $0x24, v1;
	v2 =	vld [tilespmem:$0x16640];
	_ =	sdelay $0x4  }
0x26e: {  	[tilespmem:v3+s14+$0x0] =	vst.idx.add.f32.msk vm0, v2  }
0x26f: {  	v3 =	vor.u32 $0x25, v1;
	v2 =	vld [tilespmem:$0x16650];
	_ =	sdelay $0x4  }
0x270: {  	[tilespmem:v3+s14+$0x0] =	vst.idx.add.f32.msk vm0, v2  }
0x271: {  	v3 =	vor.u32 $0x26, v1;
	v2 =	vld [tilespmem:$0x16660];
	_ =	sdelay $0x4  }
0x272: {  	[tilespmem:v3+s14+$0x0] =	vst.idx.add.f32.msk vm0, v2  }
0x273: {  	v3 =	vor.u32 $0x27, v1;
	v2 =	vld [tilespmem:$0x16670];
	_ =	sdelay $0x4  }
0x274: {  	[tilespmem:v3+s14+$0x0] =	vst.idx.add.f32.msk vm0, v2  }
0x275: {  	v3 =	vor.u32 $0x28, v1;
	v2 =	vld [tilespmem:$0x16680];
	_ =	sdelay $0x4  }
0x276: {  	[tilespmem:v3+s14+$0x0] =	vst.idx.add.f32.msk vm0, v2  }
0x277: {  	v3 =	vor.u32 $0x29, v1;
	v2 =	vld [tilespmem:$0x16690];
	_ =	sdelay $0x4  }
0x278: {  	[tilespmem:v3+s14+$0x0] =	vst.idx.add.f32.msk vm0, v2  }
0x279: {  	v3 =	vor.u32 $0x2A, v1;
	v2 =	vld [tilespmem:$0x166A0];
	_ =	sdelay $0x4  }
0x27a: {  	[tilespmem:v3+s14+$0x0] =	vst.idx.add.f32.msk vm0, v2  }
0x27b: {  	v3 =	vor.u32 $0x2B, v1;
	v2 =	vld [tilespmem:$0x166B0];
	_ =	sdelay $0x4  }
0x27c: {  	[tilespmem:v3+s14+$0x0] =	vst.idx.add.f32.msk vm0, v2  }
0x27d: {  	v3 =	vor.u32 $0x2C, v1;
	v2 =	vld [tilespmem:$0x166C0];
	_ =	sdelay $0x4  }
0x27e: {  	[tilespmem:v3+s14+$0x0] =	vst.idx.add.f32.msk vm0, v2  }
0x27f: {  	v3 =	vor.u32 $0x2D, v1;
	v2 =	vld [tilespmem:$0x166D0];
	_ =	sdelay $0x4  }
0x280: {  	[tilespmem:v3+s14+$0x0] =	vst.idx.add.f32.msk vm0, v2  }
0x281: {  	v3 =	vor.u32 $0x2E, v1;
	v2 =	vld [tilespmem:$0x166E0];
	_ =	sdelay $0x4  }
0x282: {  	[tilespmem:v3+s14+$0x0] =	vst.idx.add.f32.msk vm0, v2  }
0x283: {  	v3 =	vor.u32 $0x2F, v1;
	v2 =	vld [tilespmem:$0x166F0];
	_ =	sdelay $0x4  }
0x284: {  	[tilespmem:v3+s14+$0x0] =	vst.idx.add.f32.msk vm0, v2  }
0x285: {  	v3 =	vor.u32 $0x30, v1;
	v2 =	vld [tilespmem:$0x16700];
	_ =	sdelay $0x4  }
0x286: {  	[tilespmem:v3+s14+$0x0] =	vst.idx.add.f32.msk vm0, v2  }
0x287: {  	v3 =	vor.u32 $0x31, v1;
	v2 =	vld [tilespmem:$0x16710];
	_ =	sdelay $0x4  }
0x288: {  	[tilespmem:v3+s14+$0x0] =	vst.idx.add.f32.msk vm0, v2  }
0x289: {  	v3 =	vor.u32 $0x32, v1;
	v2 =	vld [tilespmem:$0x16720];
	_ =	sdelay $0x4  }
0x28a: {  	[tilespmem:v3+s14+$0x0] =	vst.idx.add.f32.msk vm0, v2  }
0x28b: {  	v3 =	vor.u32 $0x33, v1;
	v2 =	vld [tilespmem:$0x16730];
	_ =	sdelay $0x4  }
0x28c: {  	[tilespmem:v3+s14+$0x0] =	vst.idx.add.f32.msk vm0, v2  }
0x28d: {  	v3 =	vor.u32 $0x34, v1;
	v2 =	vld [tilespmem:$0x16740];
	_ =	sdelay $0x4  }
0x28e: {  	[tilespmem:v3+s14+$0x0] =	vst.idx.add.f32.msk vm0, v2  }
0x28f: {  	v3 =	vor.u32 $0x35, v1;
	v2 =	vld [tilespmem:$0x16750];
	_ =	sdelay $0x4  }
0x290: {  	[tilespmem:v3+s14+$0x0] =	vst.idx.add.f32.msk vm0, v2  }
0x291: {  	v3 =	vor.u32 $0x36, v1;
	v2 =	vld [tilespmem:$0x16760];
	_ =	sdelay $0x4  }
0x292: {  	[tilespmem:v3+s14+$0x0] =	vst.idx.add.f32.msk vm0, v2  }
0x293: {  	v3 =	vor.u32 $0x37, v1;
	v2 =	vld [tilespmem:$0x16770];
	_ =	sdelay $0x4  }
0x294: {  	[tilespmem:v3+s14+$0x0] =	vst.idx.add.f32.msk vm0, v2  }
0x295: {  	v3 =	vor.u32 $0x38, v1;
	v2 =	vld [tilespmem:$0x16780];
	_ =	sdelay $0x4  }
0x296: {  	[tilespmem:v3+s14+$0x0] =	vst.idx.add.f32.msk vm0, v2  }
0x297: {  	v3 =	vor.u32 $0x39, v1;
	v2 =	vld [tilespmem:$0x16790];
	_ =	sdelay $0x4  }
0x298: {  	[tilespmem:v3+s14+$0x0] =	vst.idx.add.f32.msk vm0, v2  }
0x299: {  	v3 =	vor.u32 $0x3A, v1;
	v2 =	vld [tilespmem:$0x167A0];
	_ =	sdelay $0x4  }
0x29a: {  	[tilespmem:v3+s14+$0x0] =	vst.idx.add.f32.msk vm0, v2  }
0x29b: {  	v3 =	vor.u32 $0x3B, v1;
	v2 =	vld [tilespmem:$0x167B0];
	_ =	sdelay $0x4  }
0x29c: {  	[tilespmem:v3+s14+$0x0] =	vst.idx.add.f32.msk vm0, v2  }
0x29d: {  	v3 =	vor.u32 $0x3C, v1;
	v2 =	vld [tilespmem:$0x167C0];
	_ =	sdelay $0x4  }
0x29e: {  	[tilespmem:v3+s14+$0x0] =	vst.idx.add.f32.msk vm0, v2  }
0x29f: {  	v3 =	vor.u32 $0x3D, v1;
	v2 =	vld [tilespmem:$0x167D0];
	_ =	sdelay $0x4  }
0x2a0: {  	[tilespmem:v3+s14+$0x0] =	vst.idx.add.f32.msk vm0, v2  }
0x2a1: {  	v3 =	vor.u32 $0x3E, v1;
	v2 =	vld [tilespmem:$0x167E0];
	_ =	sdelay $0x4  }
0x2a2: {  	[tilespmem:v3+s14+$0x0] =	vst.idx.add.f32.msk vm0, v2  }
0x2a3: {  	p0 =	sne.s32 s23, $0x70;
	v1 =	vor.u32 $0x3F, v1;
	v2 =	vld [tilespmem:$0x167F0]  }
.Ltmp5:
0x2a4: {  	_ = 	snop;
	(pc) =	sbr.rel @p0 .LBB2_10-.Ltmp5, $2  }
0x2a5: {  	_ =	sdelay $0x2  }
0x2a6: {  	s28 =	sadd.s32 $0x10, s28;
	s23 =	sadd.s32 $0x10, s23;
	[tilespmem:v1+s14+$0x0] =	vst.idx.add.f32.msk vm0, v2  }
0x2a7: {  	s28 =	simm.s32 $0x80;
	v1 =	vld [tilespmem:s22+$0x0];
	s29 =	simm.s32 $0x90;
	s23 =	smov.u32 s22  }
.LBB2_12:
0x2a8: {  	p0 =	sne.s32 s29, $0xF0;
	v2 =	vld [tilespmem:$0x16400];
	_ =	sdelay $0x2  }
0x2a9: {  	v3 =	vmov s28;
	s28 =	smov.u32 s29  }
0x2aa: {  	vm0 =	veq.s32 v1, $0xF423F;
	v1 =	vshll.u32 v3, $0x7  }
0x2ab: {  	v1 =	vor.u32 v0, v1;
	_ =	sdelay $0x4  }
0x2ac: {  	[tilespmem:v1+s14+$0x0] =	vst.idx.add.f32.msk vm0, v2  }
0x2ad: {  	v3 =	vor.u32 $0x1, v1;
	v2 =	vld [tilespmem:$0x16410];
	_ =	sdelay $0x4  }
0x2ae: {  	[tilespmem:v3+s14+$0x0] =	vst.idx.add.f32.msk vm0, v2  }
0x2af: {  	v3 =	vor.u32 $0x2, v1;
	v2 =	vld [tilespmem:$0x16420];
	_ =	sdelay $0x4  }
0x2b0: {  	[tilespmem:v3+s14+$0x0] =	vst.idx.add.f32.msk vm0, v2  }
0x2b1: {  	v3 =	vor.u32 $0x3, v1;
	v2 =	vld [tilespmem:$0x16430];
	_ =	sdelay $0x4  }
0x2b2: {  	[tilespmem:v3+s14+$0x0] =	vst.idx.add.f32.msk vm0, v2  }
0x2b3: {  	v3 =	vor.u32 $0x4, v1;
	v2 =	vld [tilespmem:$0x16440];
	_ =	sdelay $0x4  }
0x2b4: {  	[tilespmem:v3+s14+$0x0] =	vst.idx.add.f32.msk vm0, v2  }
0x2b5: {  	v3 =	vor.u32 $0x5, v1;
	v2 =	vld [tilespmem:$0x16450];
	_ =	sdelay $0x4  }
0x2b6: {  	[tilespmem:v3+s14+$0x0] =	vst.idx.add.f32.msk vm0, v2  }
0x2b7: {  	v3 =	vor.u32 $0x6, v1;
	v2 =	vld [tilespmem:$0x16460];
	_ =	sdelay $0x4  }
0x2b8: {  	[tilespmem:v3+s14+$0x0] =	vst.idx.add.f32.msk vm0, v2  }
0x2b9: {  	v3 =	vor.u32 $0x7, v1;
	v2 =	vld [tilespmem:$0x16470];
	_ =	sdelay $0x4  }
0x2ba: {  	[tilespmem:v3+s14+$0x0] =	vst.idx.add.f32.msk vm0, v2  }
0x2bb: {  	v3 =	vor.u32 $0x8, v1;
	v2 =	vld [tilespmem:$0x16480];
	_ =	sdelay $0x4  }
0x2bc: {  	[tilespmem:v3+s14+$0x0] =	vst.idx.add.f32.msk vm0, v2  }
0x2bd: {  	v3 =	vor.u32 $0x9, v1;
	v2 =	vld [tilespmem:$0x16490];
	_ =	sdelay $0x4  }
0x2be: {  	[tilespmem:v3+s14+$0x0] =	vst.idx.add.f32.msk vm0, v2  }
0x2bf: {  	v3 =	vor.u32 $0xA, v1;
	v2 =	vld [tilespmem:$0x164A0];
	_ =	sdelay $0x4  }
0x2c0: {  	[tilespmem:v3+s14+$0x0] =	vst.idx.add.f32.msk vm0, v2  }
0x2c1: {  	v3 =	vor.u32 $0xB, v1;
	v2 =	vld [tilespmem:$0x164B0];
	_ =	sdelay $0x4  }
0x2c2: {  	[tilespmem:v3+s14+$0x0] =	vst.idx.add.f32.msk vm0, v2  }
0x2c3: {  	v3 =	vor.u32 $0xC, v1;
	v2 =	vld [tilespmem:$0x164C0];
	_ =	sdelay $0x4  }
0x2c4: {  	[tilespmem:v3+s14+$0x0] =	vst.idx.add.f32.msk vm0, v2  }
0x2c5: {  	v3 =	vor.u32 $0xD, v1;
	v2 =	vld [tilespmem:$0x164D0];
	_ =	sdelay $0x4  }
0x2c6: {  	[tilespmem:v3+s14+$0x0] =	vst.idx.add.f32.msk vm0, v2  }
0x2c7: {  	v3 =	vor.u32 $0xE, v1;
	v2 =	vld [tilespmem:$0x164E0];
	_ =	sdelay $0x4  }
0x2c8: {  	[tilespmem:v3+s14+$0x0] =	vst.idx.add.f32.msk vm0, v2  }
0x2c9: {  	v3 =	vor.u32 $0xF, v1;
	v2 =	vld [tilespmem:$0x164F0];
	_ =	sdelay $0x4  }
0x2ca: {  	[tilespmem:v3+s14+$0x0] =	vst.idx.add.f32.msk vm0, v2  }
0x2cb: {  	v3 =	vor.u32 $0x10, v1;
	v2 =	vld [tilespmem:$0x16500];
	_ =	sdelay $0x4  }
0x2cc: {  	[tilespmem:v3+s14+$0x0] =	vst.idx.add.f32.msk vm0, v2  }
0x2cd: {  	v3 =	vor.u32 $0x11, v1;
	v2 =	vld [tilespmem:$0x16510];
	_ =	sdelay $0x4  }
0x2ce: {  	[tilespmem:v3+s14+$0x0] =	vst.idx.add.f32.msk vm0, v2  }
0x2cf: {  	v3 =	vor.u32 $0x12, v1;
	v2 =	vld [tilespmem:$0x16520];
	_ =	sdelay $0x4  }
0x2d0: {  	[tilespmem:v3+s14+$0x0] =	vst.idx.add.f32.msk vm0, v2  }
0x2d1: {  	v3 =	vor.u32 $0x13, v1;
	v2 =	vld [tilespmem:$0x16530];
	_ =	sdelay $0x4  }
0x2d2: {  	[tilespmem:v3+s14+$0x0] =	vst.idx.add.f32.msk vm0, v2  }
0x2d3: {  	v3 =	vor.u32 $0x14, v1;
	v2 =	vld [tilespmem:$0x16540];
	_ =	sdelay $0x4  }
0x2d4: {  	[tilespmem:v3+s14+$0x0] =	vst.idx.add.f32.msk vm0, v2  }
0x2d5: {  	v3 =	vor.u32 $0x15, v1;
	v2 =	vld [tilespmem:$0x16550];
	_ =	sdelay $0x4  }
0x2d6: {  	[tilespmem:v3+s14+$0x0] =	vst.idx.add.f32.msk vm0, v2  }
0x2d7: {  	v3 =	vor.u32 $0x16, v1;
	v2 =	vld [tilespmem:$0x16560];
	_ =	sdelay $0x4  }
0x2d8: {  	[tilespmem:v3+s14+$0x0] =	vst.idx.add.f32.msk vm0, v2  }
0x2d9: {  	v3 =	vor.u32 $0x17, v1;
	v2 =	vld [tilespmem:$0x16570];
	_ =	sdelay $0x4  }
0x2da: {  	[tilespmem:v3+s14+$0x0] =	vst.idx.add.f32.msk vm0, v2  }
0x2db: {  	v3 =	vor.u32 $0x18, v1;
	v2 =	vld [tilespmem:$0x16580];
	_ =	sdelay $0x4  }
0x2dc: {  	[tilespmem:v3+s14+$0x0] =	vst.idx.add.f32.msk vm0, v2  }
0x2dd: {  	v3 =	vor.u32 $0x19, v1;
	v2 =	vld [tilespmem:$0x16590];
	_ =	sdelay $0x4  }
0x2de: {  	[tilespmem:v3+s14+$0x0] =	vst.idx.add.f32.msk vm0, v2  }
0x2df: {  	v3 =	vor.u32 $0x1A, v1;
	v2 =	vld [tilespmem:$0x165A0];
	_ =	sdelay $0x4  }
0x2e0: {  	[tilespmem:v3+s14+$0x0] =	vst.idx.add.f32.msk vm0, v2  }
0x2e1: {  	v3 =	vor.u32 $0x1B, v1;
	v2 =	vld [tilespmem:$0x165B0];
	_ =	sdelay $0x4  }
0x2e2: {  	[tilespmem:v3+s14+$0x0] =	vst.idx.add.f32.msk vm0, v2  }
0x2e3: {  	v3 =	vor.u32 $0x1C, v1;
	v2 =	vld [tilespmem:$0x165C0];
	_ =	sdelay $0x4  }
0x2e4: {  	[tilespmem:v3+s14+$0x0] =	vst.idx.add.f32.msk vm0, v2  }
0x2e5: {  	v3 =	vor.u32 $0x1D, v1;
	v2 =	vld [tilespmem:$0x165D0];
	_ =	sdelay $0x4  }
0x2e6: {  	[tilespmem:v3+s14+$0x0] =	vst.idx.add.f32.msk vm0, v2  }
0x2e7: {  	v3 =	vor.u32 $0x1E, v1;
	v2 =	vld [tilespmem:$0x165E0];
	_ =	sdelay $0x4  }
0x2e8: {  	[tilespmem:v3+s14+$0x0] =	vst.idx.add.f32.msk vm0, v2  }
0x2e9: {  	v3 =	vor.u32 $0x1F, v1;
	v2 =	vld [tilespmem:$0x165F0];
	_ =	sdelay $0x4  }
0x2ea: {  	[tilespmem:v3+s14+$0x0] =	vst.idx.add.f32.msk vm0, v2  }
0x2eb: {  	v3 =	vor.u32 $0x20, v1;
	v2 =	vld [tilespmem:$0x16600];
	_ =	sdelay $0x4  }
0x2ec: {  	[tilespmem:v3+s14+$0x0] =	vst.idx.add.f32.msk vm0, v2  }
0x2ed: {  	v3 =	vor.u32 $0x21, v1;
	v2 =	vld [tilespmem:$0x16610];
	_ =	sdelay $0x4  }
0x2ee: {  	[tilespmem:v3+s14+$0x0] =	vst.idx.add.f32.msk vm0, v2  }
0x2ef: {  	v3 =	vor.u32 $0x22, v1;
	v2 =	vld [tilespmem:$0x16620];
	_ =	sdelay $0x4  }
0x2f0: {  	[tilespmem:v3+s14+$0x0] =	vst.idx.add.f32.msk vm0, v2  }
0x2f1: {  	v3 =	vor.u32 $0x23, v1;
	v2 =	vld [tilespmem:$0x16630];
	_ =	sdelay $0x4  }
0x2f2: {  	[tilespmem:v3+s14+$0x0] =	vst.idx.add.f32.msk vm0, v2  }
0x2f3: {  	v3 =	vor.u32 $0x24, v1;
	v2 =	vld [tilespmem:$0x16640];
	_ =	sdelay $0x4  }
0x2f4: {  	[tilespmem:v3+s14+$0x0] =	vst.idx.add.f32.msk vm0, v2  }
0x2f5: {  	v3 =	vor.u32 $0x25, v1;
	v2 =	vld [tilespmem:$0x16650];
	_ =	sdelay $0x4  }
0x2f6: {  	[tilespmem:v3+s14+$0x0] =	vst.idx.add.f32.msk vm0, v2  }
0x2f7: {  	v3 =	vor.u32 $0x26, v1;
	v2 =	vld [tilespmem:$0x16660];
	_ =	sdelay $0x4  }
0x2f8: {  	[tilespmem:v3+s14+$0x0] =	vst.idx.add.f32.msk vm0, v2  }
0x2f9: {  	v3 =	vor.u32 $0x27, v1;
	v2 =	vld [tilespmem:$0x16670];
	_ =	sdelay $0x4  }
0x2fa: {  	[tilespmem:v3+s14+$0x0] =	vst.idx.add.f32.msk vm0, v2  }
0x2fb: {  	v3 =	vor.u32 $0x28, v1;
	v2 =	vld [tilespmem:$0x16680];
	_ =	sdelay $0x4  }
0x2fc: {  	[tilespmem:v3+s14+$0x0] =	vst.idx.add.f32.msk vm0, v2  }
0x2fd: {  	v3 =	vor.u32 $0x29, v1;
	v2 =	vld [tilespmem:$0x16690];
	_ =	sdelay $0x4  }
0x2fe: {  	[tilespmem:v3+s14+$0x0] =	vst.idx.add.f32.msk vm0, v2  }
0x2ff: {  	v3 =	vor.u32 $0x2A, v1;
	v2 =	vld [tilespmem:$0x166A0];
	_ =	sdelay $0x4  }
0x300: {  	[tilespmem:v3+s14+$0x0] =	vst.idx.add.f32.msk vm0, v2  }
0x301: {  	v3 =	vor.u32 $0x2B, v1;
	v2 =	vld [tilespmem:$0x166B0];
	_ =	sdelay $0x4  }
0x302: {  	[tilespmem:v3+s14+$0x0] =	vst.idx.add.f32.msk vm0, v2  }
0x303: {  	v3 =	vor.u32 $0x2C, v1;
	v2 =	vld [tilespmem:$0x166C0];
	_ =	sdelay $0x4  }
0x304: {  	[tilespmem:v3+s14+$0x0] =	vst.idx.add.f32.msk vm0, v2  }
0x305: {  	v3 =	vor.u32 $0x2D, v1;
	v2 =	vld [tilespmem:$0x166D0];
	_ =	sdelay $0x4  }
0x306: {  	[tilespmem:v3+s14+$0x0] =	vst.idx.add.f32.msk vm0, v2  }
0x307: {  	v3 =	vor.u32 $0x2E, v1;
	v2 =	vld [tilespmem:$0x166E0];
	_ =	sdelay $0x4  }
0x308: {  	[tilespmem:v3+s14+$0x0] =	vst.idx.add.f32.msk vm0, v2  }
0x309: {  	v3 =	vor.u32 $0x2F, v1;
	v2 =	vld [tilespmem:$0x166F0];
	_ =	sdelay $0x4  }
0x30a: {  	[tilespmem:v3+s14+$0x0] =	vst.idx.add.f32.msk vm0, v2  }
0x30b: {  	v3 =	vor.u32 $0x30, v1;
	v2 =	vld [tilespmem:$0x16700];
	_ =	sdelay $0x4  }
0x30c: {  	[tilespmem:v3+s14+$0x0] =	vst.idx.add.f32.msk vm0, v2  }
0x30d: {  	v3 =	vor.u32 $0x31, v1;
	v2 =	vld [tilespmem:$0x16710];
	_ =	sdelay $0x4  }
0x30e: {  	[tilespmem:v3+s14+$0x0] =	vst.idx.add.f32.msk vm0, v2  }
0x30f: {  	v3 =	vor.u32 $0x32, v1;
	v2 =	vld [tilespmem:$0x16720];
	_ =	sdelay $0x4  }
0x310: {  	[tilespmem:v3+s14+$0x0] =	vst.idx.add.f32.msk vm0, v2  }
0x311: {  	v3 =	vor.u32 $0x33, v1;
	v2 =	vld [tilespmem:$0x16730];
	_ =	sdelay $0x4  }
0x312: {  	[tilespmem:v3+s14+$0x0] =	vst.idx.add.f32.msk vm0, v2  }
0x313: {  	v3 =	vor.u32 $0x34, v1;
	v2 =	vld [tilespmem:$0x16740];
	_ =	sdelay $0x4  }
0x314: {  	[tilespmem:v3+s14+$0x0] =	vst.idx.add.f32.msk vm0, v2  }
0x315: {  	v3 =	vor.u32 $0x35, v1;
	v2 =	vld [tilespmem:$0x16750];
	_ =	sdelay $0x4  }
0x316: {  	[tilespmem:v3+s14+$0x0] =	vst.idx.add.f32.msk vm0, v2  }
0x317: {  	v3 =	vor.u32 $0x36, v1;
	v2 =	vld [tilespmem:$0x16760];
	_ =	sdelay $0x4  }
0x318: {  	[tilespmem:v3+s14+$0x0] =	vst.idx.add.f32.msk vm0, v2  }
0x319: {  	v3 =	vor.u32 $0x37, v1;
	v2 =	vld [tilespmem:$0x16770];
	_ =	sdelay $0x4  }
0x31a: {  	[tilespmem:v3+s14+$0x0] =	vst.idx.add.f32.msk vm0, v2  }
0x31b: {  	v3 =	vor.u32 $0x38, v1;
	v2 =	vld [tilespmem:$0x16780];
	_ =	sdelay $0x4  }
0x31c: {  	[tilespmem:v3+s14+$0x0] =	vst.idx.add.f32.msk vm0, v2  }
0x31d: {  	v3 =	vor.u32 $0x39, v1;
	v2 =	vld [tilespmem:$0x16790];
	_ =	sdelay $0x4  }
0x31e: {  	[tilespmem:v3+s14+$0x0] =	vst.idx.add.f32.msk vm0, v2  }
0x31f: {  	v3 =	vor.u32 $0x3A, v1;
	v2 =	vld [tilespmem:$0x167A0];
	_ =	sdelay $0x4  }
0x320: {  	[tilespmem:v3+s14+$0x0] =	vst.idx.add.f32.msk vm0, v2  }
0x321: {  	v3 =	vor.u32 $0x3B, v1;
	v2 =	vld [tilespmem:$0x167B0];
	_ =	sdelay $0x4  }
0x322: {  	[tilespmem:v3+s14+$0x0] =	vst.idx.add.f32.msk vm0, v2  }
0x323: {  	v3 =	vor.u32 $0x3C, v1;
	v2 =	vld [tilespmem:$0x167C0];
	_ =	sdelay $0x4  }
0x324: {  	[tilespmem:v3+s14+$0x0] =	vst.idx.add.f32.msk vm0, v2  }
0x325: {  	v3 =	vor.u32 $0x3D, v1;
	v2 =	vld [tilespmem:$0x167D0];
	_ =	sdelay $0x4  }
0x326: {  	[tilespmem:v3+s14+$0x0] =	vst.idx.add.f32.msk vm0, v2  }
0x327: {  	v3 =	vor.u32 $0x3E, v1;
	v2 =	vld [tilespmem:$0x167E0];
	_ =	sdelay $0x4  }
0x328: {  	[tilespmem:v3+s14+$0x0] =	vst.idx.add.f32.msk vm0, v2  }
0x329: {  	v1 =	vor.u32 $0x3F, v1;
	v2 =	vld [tilespmem:$0x167F0];
	_ =	sdelay $0x1  }
.Ltmp6:
0x32a: {  	(pc) =	sbr.rel @p0 .LBB2_12-.Ltmp6, $3  }
0x32b: {  	_ =	sdelay $0x1  }
0x32c: {  	s23 =	sadd.s32 $0x10, s23;
	[tilespmem:v1+s14+$0x0] =	vst.idx.add.f32.msk vm0, v2  }
0x32d: {  	s29 =	sadd.s32 $0x10, s29;
	v1 =	vld [tilespmem:s23+$0x0]  }
0x32e: {  	_ =	sdelay $0x2  }
0x32f: {  	v2 =	vmov s28  }
0x330: {  	vm0 =	veq.s32 v1, $0xF423F;
	v1 =	vshll.u32 v2, $0x7  }
0x331: {  	v2 =	vld [tilespmem:$0x16400];
	v1 =	vor.u32 v0, v1;
	_ =	sdelay $0x4  }
0x332: {  	[tilespmem:v1+s14+$0x0] =	vst.idx.add.f32.msk vm0, v2  }
0x333: {  	v3 =	vor.u32 $0x1, v1;
	v2 =	vld [tilespmem:$0x16410];
	_ =	sdelay $0x4  }
0x334: {  	[tilespmem:v3+s14+$0x0] =	vst.idx.add.f32.msk vm0, v2  }
0x335: {  	v3 =	vor.u32 $0x2, v1;
	v2 =	vld [tilespmem:$0x16420];
	_ =	sdelay $0x4  }
0x336: {  	[tilespmem:v3+s14+$0x0] =	vst.idx.add.f32.msk vm0, v2  }
0x337: {  	v3 =	vor.u32 $0x3, v1;
	v2 =	vld [tilespmem:$0x16430];
	_ =	sdelay $0x4  }
0x338: {  	[tilespmem:v3+s14+$0x0] =	vst.idx.add.f32.msk vm0, v2  }
0x339: {  	v3 =	vor.u32 $0x4, v1;
	v2 =	vld [tilespmem:$0x16440];
	_ =	sdelay $0x4  }
0x33a: {  	[tilespmem:v3+s14+$0x0] =	vst.idx.add.f32.msk vm0, v2  }
0x33b: {  	v3 =	vor.u32 $0x5, v1;
	v2 =	vld [tilespmem:$0x16450];
	_ =	sdelay $0x4  }
0x33c: {  	[tilespmem:v3+s14+$0x0] =	vst.idx.add.f32.msk vm0, v2  }
0x33d: {  	v3 =	vor.u32 $0x6, v1;
	v2 =	vld [tilespmem:$0x16460];
	_ =	sdelay $0x4  }
0x33e: {  	[tilespmem:v3+s14+$0x0] =	vst.idx.add.f32.msk vm0, v2  }
0x33f: {  	v3 =	vor.u32 $0x7, v1;
	v2 =	vld [tilespmem:$0x16470];
	_ =	sdelay $0x4  }
0x340: {  	[tilespmem:v3+s14+$0x0] =	vst.idx.add.f32.msk vm0, v2  }
0x341: {  	v3 =	vor.u32 $0x8, v1;
	v2 =	vld [tilespmem:$0x16480];
	_ =	sdelay $0x4  }
0x342: {  	[tilespmem:v3+s14+$0x0] =	vst.idx.add.f32.msk vm0, v2  }
0x343: {  	v3 =	vor.u32 $0x9, v1;
	v2 =	vld [tilespmem:$0x16490];
	_ =	sdelay $0x4  }
0x344: {  	[tilespmem:v3+s14+$0x0] =	vst.idx.add.f32.msk vm0, v2  }
0x345: {  	v3 =	vor.u32 $0xA, v1;
	v2 =	vld [tilespmem:$0x164A0];
	_ =	sdelay $0x4  }
0x346: {  	[tilespmem:v3+s14+$0x0] =	vst.idx.add.f32.msk vm0, v2  }
0x347: {  	v3 =	vor.u32 $0xB, v1;
	v2 =	vld [tilespmem:$0x164B0];
	_ =	sdelay $0x4  }
0x348: {  	[tilespmem:v3+s14+$0x0] =	vst.idx.add.f32.msk vm0, v2  }
0x349: {  	v3 =	vor.u32 $0xC, v1;
	v2 =	vld [tilespmem:$0x164C0];
	_ =	sdelay $0x4  }
0x34a: {  	[tilespmem:v3+s14+$0x0] =	vst.idx.add.f32.msk vm0, v2  }
0x34b: {  	v3 =	vor.u32 $0xD, v1;
	v2 =	vld [tilespmem:$0x164D0];
	_ =	sdelay $0x4  }
0x34c: {  	[tilespmem:v3+s14+$0x0] =	vst.idx.add.f32.msk vm0, v2  }
0x34d: {  	v3 =	vor.u32 $0xE, v1;
	v2 =	vld [tilespmem:$0x164E0];
	_ =	sdelay $0x4  }
0x34e: {  	[tilespmem:v3+s14+$0x0] =	vst.idx.add.f32.msk vm0, v2  }
0x34f: {  	v3 =	vor.u32 $0xF, v1;
	v2 =	vld [tilespmem:$0x164F0];
	_ =	sdelay $0x4  }
0x350: {  	[tilespmem:v3+s14+$0x0] =	vst.idx.add.f32.msk vm0, v2  }
0x351: {  	v3 =	vor.u32 $0x10, v1;
	v2 =	vld [tilespmem:$0x16500];
	_ =	sdelay $0x4  }
0x352: {  	[tilespmem:v3+s14+$0x0] =	vst.idx.add.f32.msk vm0, v2  }
0x353: {  	v3 =	vor.u32 $0x11, v1;
	v2 =	vld [tilespmem:$0x16510];
	_ =	sdelay $0x4  }
0x354: {  	[tilespmem:v3+s14+$0x0] =	vst.idx.add.f32.msk vm0, v2  }
0x355: {  	v3 =	vor.u32 $0x12, v1;
	v2 =	vld [tilespmem:$0x16520];
	_ =	sdelay $0x4  }
0x356: {  	[tilespmem:v3+s14+$0x0] =	vst.idx.add.f32.msk vm0, v2  }
0x357: {  	v3 =	vor.u32 $0x13, v1;
	v2 =	vld [tilespmem:$0x16530];
	_ =	sdelay $0x4  }
0x358: {  	[tilespmem:v3+s14+$0x0] =	vst.idx.add.f32.msk vm0, v2  }
0x359: {  	v3 =	vor.u32 $0x14, v1;
	v2 =	vld [tilespmem:$0x16540];
	_ =	sdelay $0x4  }
0x35a: {  	[tilespmem:v3+s14+$0x0] =	vst.idx.add.f32.msk vm0, v2  }
0x35b: {  	v3 =	vor.u32 $0x15, v1;
	v2 =	vld [tilespmem:$0x16550];
	_ =	sdelay $0x4  }
0x35c: {  	[tilespmem:v3+s14+$0x0] =	vst.idx.add.f32.msk vm0, v2  }
0x35d: {  	v3 =	vor.u32 $0x16, v1;
	v2 =	vld [tilespmem:$0x16560];
	_ =	sdelay $0x4  }
0x35e: {  	[tilespmem:v3+s14+$0x0] =	vst.idx.add.f32.msk vm0, v2  }
0x35f: {  	v3 =	vor.u32 $0x17, v1;
	v2 =	vld [tilespmem:$0x16570];
	_ =	sdelay $0x4  }
0x360: {  	[tilespmem:v3+s14+$0x0] =	vst.idx.add.f32.msk vm0, v2  }
0x361: {  	v3 =	vor.u32 $0x18, v1;
	v2 =	vld [tilespmem:$0x16580];
	_ =	sdelay $0x4  }
0x362: {  	[tilespmem:v3+s14+$0x0] =	vst.idx.add.f32.msk vm0, v2  }
0x363: {  	v3 =	vor.u32 $0x19, v1;
	v2 =	vld [tilespmem:$0x16590];
	_ =	sdelay $0x4  }
0x364: {  	[tilespmem:v3+s14+$0x0] =	vst.idx.add.f32.msk vm0, v2  }
0x365: {  	v3 =	vor.u32 $0x1A, v1;
	v2 =	vld [tilespmem:$0x165A0];
	_ =	sdelay $0x4  }
0x366: {  	[tilespmem:v3+s14+$0x0] =	vst.idx.add.f32.msk vm0, v2  }
0x367: {  	v3 =	vor.u32 $0x1B, v1;
	v2 =	vld [tilespmem:$0x165B0];
	_ =	sdelay $0x4  }
0x368: {  	[tilespmem:v3+s14+$0x0] =	vst.idx.add.f32.msk vm0, v2  }
0x369: {  	v3 =	vor.u32 $0x1C, v1;
	v2 =	vld [tilespmem:$0x165C0];
	_ =	sdelay $0x4  }
0x36a: {  	[tilespmem:v3+s14+$0x0] =	vst.idx.add.f32.msk vm0, v2  }
0x36b: {  	v3 =	vor.u32 $0x1D, v1;
	v2 =	vld [tilespmem:$0x165D0];
	_ =	sdelay $0x4  }
0x36c: {  	[tilespmem:v3+s14+$0x0] =	vst.idx.add.f32.msk vm0, v2  }
0x36d: {  	v3 =	vor.u32 $0x1E, v1;
	v2 =	vld [tilespmem:$0x165E0];
	_ =	sdelay $0x4  }
0x36e: {  	[tilespmem:v3+s14+$0x0] =	vst.idx.add.f32.msk vm0, v2  }
0x36f: {  	v3 =	vor.u32 $0x1F, v1;
	v2 =	vld [tilespmem:$0x165F0];
	_ =	sdelay $0x4  }
0x370: {  	[tilespmem:v3+s14+$0x0] =	vst.idx.add.f32.msk vm0, v2  }
0x371: {  	v3 =	vor.u32 $0x20, v1;
	v2 =	vld [tilespmem:$0x16600];
	_ =	sdelay $0x4  }
0x372: {  	[tilespmem:v3+s14+$0x0] =	vst.idx.add.f32.msk vm0, v2  }
0x373: {  	v3 =	vor.u32 $0x21, v1;
	v2 =	vld [tilespmem:$0x16610];
	_ =	sdelay $0x4  }
0x374: {  	[tilespmem:v3+s14+$0x0] =	vst.idx.add.f32.msk vm0, v2  }
0x375: {  	v3 =	vor.u32 $0x22, v1;
	v2 =	vld [tilespmem:$0x16620];
	_ =	sdelay $0x4  }
0x376: {  	[tilespmem:v3+s14+$0x0] =	vst.idx.add.f32.msk vm0, v2  }
0x377: {  	v3 =	vor.u32 $0x23, v1;
	v2 =	vld [tilespmem:$0x16630];
	_ =	sdelay $0x4  }
0x378: {  	[tilespmem:v3+s14+$0x0] =	vst.idx.add.f32.msk vm0, v2  }
0x379: {  	v3 =	vor.u32 $0x24, v1;
	v2 =	vld [tilespmem:$0x16640];
	_ =	sdelay $0x4  }
0x37a: {  	[tilespmem:v3+s14+$0x0] =	vst.idx.add.f32.msk vm0, v2  }
0x37b: {  	v3 =	vor.u32 $0x25, v1;
	v2 =	vld [tilespmem:$0x16650];
	_ =	sdelay $0x4  }
0x37c: {  	[tilespmem:v3+s14+$0x0] =	vst.idx.add.f32.msk vm0, v2  }
0x37d: {  	v3 =	vor.u32 $0x26, v1;
	v2 =	vld [tilespmem:$0x16660];
	_ =	sdelay $0x4  }
0x37e: {  	[tilespmem:v3+s14+$0x0] =	vst.idx.add.f32.msk vm0, v2  }
0x37f: {  	v3 =	vor.u32 $0x27, v1;
	v2 =	vld [tilespmem:$0x16670];
	_ =	sdelay $0x4  }
0x380: {  	[tilespmem:v3+s14+$0x0] =	vst.idx.add.f32.msk vm0, v2  }
0x381: {  	v3 =	vor.u32 $0x28, v1;
	v2 =	vld [tilespmem:$0x16680];
	_ =	sdelay $0x4  }
0x382: {  	[tilespmem:v3+s14+$0x0] =	vst.idx.add.f32.msk vm0, v2  }
0x383: {  	v3 =	vor.u32 $0x29, v1;
	v2 =	vld [tilespmem:$0x16690];
	_ =	sdelay $0x4  }
0x384: {  	[tilespmem:v3+s14+$0x0] =	vst.idx.add.f32.msk vm0, v2  }
0x385: {  	v3 =	vor.u32 $0x2A, v1;
	v2 =	vld [tilespmem:$0x166A0];
	_ =	sdelay $0x4  }
0x386: {  	[tilespmem:v3+s14+$0x0] =	vst.idx.add.f32.msk vm0, v2  }
0x387: {  	v3 =	vor.u32 $0x2B, v1;
	v2 =	vld [tilespmem:$0x166B0];
	_ =	sdelay $0x4  }
0x388: {  	[tilespmem:v3+s14+$0x0] =	vst.idx.add.f32.msk vm0, v2  }
0x389: {  	v3 =	vor.u32 $0x2C, v1;
	v2 =	vld [tilespmem:$0x166C0];
	_ =	sdelay $0x4  }
0x38a: {  	[tilespmem:v3+s14+$0x0] =	vst.idx.add.f32.msk vm0, v2  }
0x38b: {  	v3 =	vor.u32 $0x2D, v1;
	v2 =	vld [tilespmem:$0x166D0];
	_ =	sdelay $0x4  }
0x38c: {  	[tilespmem:v3+s14+$0x0] =	vst.idx.add.f32.msk vm0, v2  }
0x38d: {  	v3 =	vor.u32 $0x2E, v1;
	v2 =	vld [tilespmem:$0x166E0];
	_ =	sdelay $0x4  }
0x38e: {  	[tilespmem:v3+s14+$0x0] =	vst.idx.add.f32.msk vm0, v2  }
0x38f: {  	v3 =	vor.u32 $0x2F, v1;
	v2 =	vld [tilespmem:$0x166F0];
	_ =	sdelay $0x4  }
0x390: {  	[tilespmem:v3+s14+$0x0] =	vst.idx.add.f32.msk vm0, v2  }
0x391: {  	v3 =	vor.u32 $0x30, v1;
	v2 =	vld [tilespmem:$0x16700];
	_ =	sdelay $0x4  }
0x392: {  	[tilespmem:v3+s14+$0x0] =	vst.idx.add.f32.msk vm0, v2  }
0x393: {  	v3 =	vor.u32 $0x31, v1;
	v2 =	vld [tilespmem:$0x16710];
	_ =	sdelay $0x4  }
0x394: {  	[tilespmem:v3+s14+$0x0] =	vst.idx.add.f32.msk vm0, v2  }
0x395: {  	v3 =	vor.u32 $0x32, v1;
	v2 =	vld [tilespmem:$0x16720];
	_ =	sdelay $0x4  }
0x396: {  	[tilespmem:v3+s14+$0x0] =	vst.idx.add.f32.msk vm0, v2  }
0x397: {  	v3 =	vor.u32 $0x33, v1;
	v2 =	vld [tilespmem:$0x16730];
	_ =	sdelay $0x4  }
0x398: {  	[tilespmem:v3+s14+$0x0] =	vst.idx.add.f32.msk vm0, v2  }
0x399: {  	v3 =	vor.u32 $0x34, v1;
	v2 =	vld [tilespmem:$0x16740];
	_ =	sdelay $0x4  }
0x39a: {  	[tilespmem:v3+s14+$0x0] =	vst.idx.add.f32.msk vm0, v2  }
0x39b: {  	v3 =	vor.u32 $0x35, v1;
	v2 =	vld [tilespmem:$0x16750];
	_ =	sdelay $0x4  }
0x39c: {  	[tilespmem:v3+s14+$0x0] =	vst.idx.add.f32.msk vm0, v2  }
0x39d: {  	v3 =	vor.u32 $0x36, v1;
	v2 =	vld [tilespmem:$0x16760];
	_ =	sdelay $0x4  }
0x39e: {  	[tilespmem:v3+s14+$0x0] =	vst.idx.add.f32.msk vm0, v2  }
0x39f: {  	v3 =	vor.u32 $0x37, v1;
	v2 =	vld [tilespmem:$0x16770];
	_ =	sdelay $0x4  }
0x3a0: {  	[tilespmem:v3+s14+$0x0] =	vst.idx.add.f32.msk vm0, v2  }
0x3a1: {  	v3 =	vor.u32 $0x38, v1;
	v2 =	vld [tilespmem:$0x16780];
	_ =	sdelay $0x4  }
0x3a2: {  	[tilespmem:v3+s14+$0x0] =	vst.idx.add.f32.msk vm0, v2  }
0x3a3: {  	v3 =	vor.u32 $0x39, v1;
	v2 =	vld [tilespmem:$0x16790];
	_ =	sdelay $0x4  }
0x3a4: {  	[tilespmem:v3+s14+$0x0] =	vst.idx.add.f32.msk vm0, v2  }
0x3a5: {  	v3 =	vor.u32 $0x3A, v1;
	v2 =	vld [tilespmem:$0x167A0];
	_ =	sdelay $0x4  }
0x3a6: {  	[tilespmem:v3+s14+$0x0] =	vst.idx.add.f32.msk vm0, v2  }
0x3a7: {  	v3 =	vor.u32 $0x3B, v1;
	v2 =	vld [tilespmem:$0x167B0];
	_ =	sdelay $0x4  }
0x3a8: {  	[tilespmem:v3+s14+$0x0] =	vst.idx.add.f32.msk vm0, v2  }
0x3a9: {  	v3 =	vor.u32 $0x3C, v1;
	v2 =	vld [tilespmem:$0x167C0];
	_ =	sdelay $0x4  }
0x3aa: {  	[tilespmem:v3+s14+$0x0] =	vst.idx.add.f32.msk vm0, v2  }
0x3ab: {  	v3 =	vor.u32 $0x3D, v1;
	v2 =	vld [tilespmem:$0x167D0];
	_ =	sdelay $0x4  }
0x3ac: {  	[tilespmem:v3+s14+$0x0] =	vst.idx.add.f32.msk vm0, v2  }
0x3ad: {  	v3 =	vor.u32 $0x3E, v1;
	v2 =	vld [tilespmem:$0x167E0];
	_ =	sdelay $0x4  }
0x3ae: {  	[tilespmem:v3+s14+$0x0] =	vst.idx.add.f32.msk vm0, v2  }
0x3af: {  	v1 =	vor.u32 $0x3F, v1;
	v2 =	vld [tilespmem:$0x167F0];
	_ =	sdelay $0x4  }
0x3b0: {  	[tilespmem:v1+s14+$0x0] =	vst.idx.add.f32.msk vm0, v2  }
.LBB2_14:
0x3b1: {  	s1 =	sshll.u32 s26, $0xF  }
0x3b2: {  	s1 =	sadd.s32 s7, s1  }
0x3b3: {  	s1 =	sshrl.u32 s1, $0x3  }
0x3b4: {  	s26 =	simm.s32 $0xE400;
	s23 =	sadd.s32 s3, s1  }
0x3b5: {  	s28 =	simm.s32 $0x10;
	s1 =	simm.s32 $0xE480;
	s9 =	sadd.s32 $0x0, s23  }
.LBB2_15:
0x3b6: {  	[hbm4b:s9+s4] =	stream.linear.scatter [tilespmem:s26], [sflag:$0x4], $0x40, $0x38;
	[tilespmem:$0x16800] =	vst v63  }
0x3b7: {  	s9 =	smov.u32 s28;
	s26 =	smov.u32 s1;
	p0 =	sne.s32 s28, $0xFF0  }
.Ltmp7:
0x3b8: {  	s28 =	sadd.s32 $0x10, s28;
	(pc) =	sbr.rel @p0 .LBB2_15-.Ltmp7, $2  }
0x3b9: {  	_ =	sdelay $0x2  }
0x3ba: {  	s1 =	sadd.s32 $0x80, s1;
	s9 =	sadd.s32 s9, s23  }
0x3bb: {  	s25 =	sadd.s32 $0x1, s25  }
0x3bc: {  	p0 =	sne.s32 s25, $0x32  }
.Ltmp8:
0x3bd: {  	_ = 	snop;
	(pc) =	sbr.rel @p0 .LBB2_2-.Ltmp8, $4  }
0x3be: {  	_ = 	snop  }
0x3bf: {  	[hbm4b:s9+s4] =	stream.linear.scatter [tilespmem:s26], [sflag:$0x4], $0x40, $0x38;
	[tilespmem:$0x16800] =	vst v63  }
0x3c0: {  	s24 =	sadd.s32 $0x200, s24  }
0x3c1: {  	s0 =	sadd.s32 $0x200, s0;
	s21 =	sadd.s32 $0x200, s21;
	s22 =	sadd.s32 $0x200, s22  }
0x3c2: {  	s20 =	sadd.s32 $0x1, s20  }
0x3c3: {  	p0 =	sne.s32 s20, s8  }
.Ltmp9:
0x3c4: {  	_ = 	snop;
	(pc) =	sbr.rel @p0 .LBB2_1-.Ltmp9, $4  }
0x3c5: {  	_ = 	snop  }
0x3c6: {  	_ =	swait.ge [sflag:s19], $0x4000  }
0x3c7: {  	[sflag:s19] =	ssyncset.done $0x0  }
0x3c8: {  	[sflag:s19] =	ssyncadd.s32 $0xFFFFC000  }
0x3c9: {  	_ =	sfence.sel $0x180000  }
0x3ca: {  	[bflag:$0x0] =	sbarrier.arrive $0xFFFF  }
0x3cb: {  	_ =	strace $0x90000047  }
0x3cc: {  	s0 =	stileid.u32;
	[bflag:$0x2] =	sbarrier.arrive $0xFFFF  }
0x3cd: {  	p0 =	sne.s32 s0, $0x0;
	s0 =	rddreg [dreg:$0x4]  }
0x3ce: {  	s0 =	sadd.s32 @!p0 $0x100000, s0  }
0x3cf: {  	[sflag:s0] =	ssyncadd.tile.s32 @!p0 $0x1;
	_ =	shalt  }
.Lfunc_end2:
_tile_overlayer_lowered:
.L_overlay_start_2:
0x3d0: {  	(tag) =	ssettag $0x2  }
0x3d1: {  	s0 =	rddreg [dreg:$0x0];
	s2 =	stileid.u32  }
0x3d2: {  	s1 =	rddreg [dreg:$0x1];
	p0 =	sne.s32 s2, $0x0  }
0x3d3: {  	s3 =	rddreg [dreg:$0x2];
	[bflag:$0x3] =	sbarrier.arrive $0xFFFF;
	s2 =	simm.s32 @!p0 $0x1C05  }
0x3d4: {  	[timem:s3], [sflag:s2] =	dma.local @!p0 [hbm:s0], s1  }
0x3d5: {  	s0 =	simm.s32 @!p0 $0x5  }
0x3d6: {  	_ =	swait.ge @!p0 [sflag:s0], s1  }
0x3d7: {  	s1 =	ssub.s32 @!p0 $0x0, s1;
	[sflag:s0] =	ssyncset.done @!p0 $0x0  }
0x3d8: {  	[sflag:s0] =	ssyncadd.s32 @!p0 s1  }
0x3d9: {  	[bflag:$0x3] =	sbarrier.arrive $0xFFFF  }
0x3da: {  	_ =	shalt  }

</sc_bundles>
